<compile_context>
chip_gen: v7x
topology: tpu7x:2x2x1
jax: 0.10.2.dev20260603
libtpu: 0.0.44.dev20260713+nightly
codegen_flags: <defaults>
</compile_context>

<pallas_src>
import functools

import jax
import jax.numpy as jnp
from jax import lax
from jax.experimental import pallas as pl
from jax.experimental.pallas import tpu as pltpu
from jax.experimental.pallas import tpu_sc as plsc

_D = 128
_NW = 32
_COLS = 128
_CHUNK = 64
_NCH = 100
_NBUF = 10
_GLEAD = 7
_WLAG = _NBUF - _GLEAD


def _sc_gather(idx_t, weight, n_batch):
    mesh = plsc.VectorSubcoreMesh(core_axis_name="c", subcore_axis_name="s")

    @functools.partial(
        pl.kernel,
        out_type=jax.ShapeDtypeStruct((_NCH // 2, n_batch, _D), jnp.float32),
        mesh=mesh,
        scratch_types=(
            [pltpu.VMEM((_NCH // 2, _COLS), jnp.int32),
             pltpu.VMEM((_NBUF, _CHUNK, _D), jnp.float32)]
            + [pltpu.SemaphoreType.DMA] * (2 * _NBUF)
        ),
    )
    def k(idx_hbm, w_hbm, out_hbm, idx_v, rows_v, *sems):
        gsem, wsem = sems[:_NBUF], sems[_NBUF:]
        wid = lax.axis_index("s") * 2 + lax.axis_index("c")
        col0 = wid * _COLS
        pltpu.sync_copy(idx_hbm.at[:, pl.ds(col0, _COLS)], idx_v)

        def gather_start(c, b):
            s, h = c // 2, (c % 2) * _CHUNK
            pltpu.async_copy(
                w_hbm.at[idx_v.at[s, pl.ds(h, _CHUNK)]], rows_v.at[b],
                gsem[b])

        def gather_wait(b):
            pltpu.make_async_copy(
                w_hbm.at[idx_v.at[0, pl.ds(0, _CHUNK)]], rows_v.at[b],
                gsem[b]).wait()

        def write_start(c, b):
            s, h = c // 2, (c % 2) * _CHUNK
            pltpu.async_copy(
                rows_v.at[b], out_hbm.at[s, pl.ds(col0 + h, _CHUNK)], wsem[b])

        def write_wait(b):
            pltpu.make_async_copy(
                rows_v.at[b], out_hbm.at[0, pl.ds(col0, _CHUNK)],
                wsem[b]).wait()

        def step(c, b, do_wwait, do_gstart):
            gather_wait(b)
            write_start(c, b)
            if do_wwait:
                write_wait((b - _WLAG) % _NBUF)
            if do_gstart:
                gather_start(c + _GLEAD, (b + _GLEAD) % _NBUF)

        for c in range(_GLEAD):
            gather_start(c, c % _NBUF)
        for c in range(_WLAG):
            step(c, c % _NBUF, do_wwait=False, do_gstart=True)

        @pl.loop(_WLAG, _NCH - _GLEAD, step=_NBUF)
        def _grp(g):
            for j in range(_NBUF):
                step(g + j, (_WLAG + j) % _NBUF, do_wwait=True, do_gstart=True)

        for c in range(_NCH - _GLEAD, _NCH):
            step(c, c % _NBUF, do_wwait=True, do_gstart=False)
        for c in range(_NCH - _WLAG, _NCH):
            write_wait(c % _NBUF)

    return k(idx_t, weight)


def kernel(token_ids, weight):
    n_batch, s = token_ids.shape
    idx_t = token_ids.T.astype(jnp.int32)
    out = _sc_gather(idx_t, weight, n_batch)
    return jnp.transpose(out, (1, 0, 2))

# --- scband reference (transcript-rebuilt; emitter-appended) ---
"""Pipeline reference for scband-embedding-5171140624678 (READ-ONLY COPY).

The authoritative reference and input builder live on the scoring server;
editing this copy changes nothing except your own understanding.
"""

import jax, jax.numpy as jnp
import numpy as np

VOCAB = 100000
D_MODEL = 128

def setup_inputs(seed: int = 0) -> dict:
    key = jax.random.key(seed)
    k_idx, k_w = jax.random.split(key)
    token_ids = jax.random.randint(k_idx, (4096, 50), 0, VOCAB, dtype=jnp.int64 if jax.config.jax_enable_x64 else jnp.int32)
    # trunc_normal_(std=1, a=-3, b=-3..3)
    weight = jax.random.truncated_normal(k_w, -3.0, 3.0, (VOCAB, D_MODEL), dtype=jnp.float32)
    return {"token_ids": token_ids, "weight": weight}

def reference(token_ids, weight):
    return weight[token_ids]

if __name__ == "__main__":
    import jax
    _d = setup_inputs()
    print(jax.jit(kernel)(*tuple(_d.values())))

</pallas_src>

<mosaic_0001>
#map = affine_map<(d0, d1) -> (0, 0)>
#map1 = affine_map<(d0, d1) -> (0, 0, 0)>
module attributes {stable_mosaic.version = 14 : i64} {
  func.func @k(%arg0: i32, %arg1: i32, %arg2: memref<50x4096xi32, #tpu.memory_space<hbm>>, %arg3: memref<100000x128xf32, #tpu.memory_space<hbm>>, %arg4: memref<50x4096x128xf32, #tpu.memory_space<hbm>>, %arg5: memref<50x128xi32, #tpu.memory_space<vmem>>, %arg6: memref<10x64x128xf32, #tpu.memory_space<vmem>>, %arg7: memref<!tpu.dma_semaphore, #tpu.memory_space<semaphore_mem>>, %arg8: memref<!tpu.dma_semaphore, #tpu.memory_space<semaphore_mem>>, %arg9: memref<!tpu.dma_semaphore, #tpu.memory_space<semaphore_mem>>, %arg10: memref<!tpu.dma_semaphore, #tpu.memory_space<semaphore_mem>>, %arg11: memref<!tpu.dma_semaphore, #tpu.memory_space<semaphore_mem>>, %arg12: memref<!tpu.dma_semaphore, #tpu.memory_space<semaphore_mem>>, %arg13: memref<!tpu.dma_semaphore, #tpu.memory_space<semaphore_mem>>, %arg14: memref<!tpu.dma_semaphore, #tpu.memory_space<semaphore_mem>>, %arg15: memref<!tpu.dma_semaphore, #tpu.memory_space<semaphore_mem>>, %arg16: memref<!tpu.dma_semaphore, #tpu.memory_space<semaphore_mem>>, %arg17: memref<!tpu.dma_semaphore, #tpu.memory_space<semaphore_mem>>, %arg18: memref<!tpu.dma_semaphore, #tpu.memory_space<semaphore_mem>>, %arg19: memref<!tpu.dma_semaphore, #tpu.memory_space<semaphore_mem>>, %arg20: memref<!tpu.dma_semaphore, #tpu.memory_space<semaphore_mem>>, %arg21: memref<!tpu.dma_semaphore, #tpu.memory_space<semaphore_mem>>, %arg22: memref<!tpu.dma_semaphore, #tpu.memory_space<semaphore_mem>>, %arg23: memref<!tpu.dma_semaphore, #tpu.memory_space<semaphore_mem>>, %arg24: memref<!tpu.dma_semaphore, #tpu.memory_space<semaphore_mem>>, %arg25: memref<!tpu.dma_semaphore, #tpu.memory_space<semaphore_mem>>, %arg26: memref<!tpu.dma_semaphore, #tpu.memory_space<semaphore_mem>>) attributes {dimension_semantics = [#tpu.dimension_semantics<core_parallel>, #tpu.dimension_semantics<subcore_parallel>], iteration_bounds = array<i64: 2, 16>, scalar_prefetch = 0 : i64, scratch_operands = 22 : i64, tpu.core_type = #tpu.core_type<sc_vector_subcore>, window_params = [{transform_indices = #map}, {transform_indices = #map}, {transform_indices = #map1}]} {
    %mul3A = arith.constant 2 : i32
    %mul3A_0 = arith.muli %arg1, %mul3A : i32
    %add3A = arith.addi %mul3A_0, %arg0 : i32
    %mul3A_1 = arith.constant 128 : i32
    %mul3A_2 = arith.muli %add3A, %mul3A_1 : i32
    "tpu.region"() ({
      %run_scoped3A = tpu.sem_alloc : memref<!tpu.dma_semaphore, #tpu.memory_space<semaphore_mem>>
      %dma_start3A_585 = arith.constant 0 : i32
      %dma_start3A_586 = tpu.memref_slice %arg2[%dma_start3A_585, %mul3A_2] : memref<50x4096xi32, #tpu.memory_space<hbm>> -> memref<50x128xi32, #tpu.memory_space<hbm>>
      %dma_start3A_587 = arith.constant 0 : i32
      %dma_start3A_588 = tpu.memref_slice %arg2[%dma_start3A_587, %mul3A_2] : memref<50x4096xi32, #tpu.memory_space<hbm>> -> memref<50x128xi32, #tpu.memory_space<hbm>>
      tpu.enqueue_dma source(%dma_start3A_588 : memref<50x128xi32, #tpu.memory_space<hbm>>) target(%arg5 : memref<50x128xi32, #tpu.memory_space<vmem>>) target_semaphore(%run_scoped3A : memref<!tpu.dma_semaphore, #tpu.memory_space<semaphore_mem>>)
      %dma_wait3A_589 = arith.constant 0 : i32
      %dma_wait3A_590 = tpu.memref_slice %arg2[%dma_wait3A_589, %mul3A_2] : memref<50x4096xi32, #tpu.memory_space<hbm>> -> memref<50x128xi32, #tpu.memory_space<hbm>>
      %dma_wait3A_591 = arith.constant 0 : i32
      %dma_wait3A_592 = tpu.memref_slice %arg2[%dma_wait3A_591, %mul3A_2] : memref<50x4096xi32, #tpu.memory_space<hbm>> -> memref<50x128xi32, #tpu.memory_space<hbm>>
      tpu.wait_dma2 semaphore(%run_scoped3A : memref<!tpu.dma_semaphore, #tpu.memory_space<semaphore_mem>>) src(%dma_wait3A_592 : memref<50x128xi32, #tpu.memory_space<hbm>>) dst(%arg5 : memref<50x128xi32, #tpu.memory_space<vmem>>)
      tpu.yield
    }) : () -> ()
    %dma_start3A = arith.constant 0 : i32
    %dma_start3A_3 = arith.constant 0 : i32
    %dma_start3A_4 = arith.constant 0 : i32
    %dma_start3A_5 = arith.constant 0 : i32
    %dma_start3A_6 = tpu.memref_slice %arg6[%dma_start3A_3, %dma_start3A_4, %dma_start3A_5] : memref<10x64x128xf32, #tpu.memory_space<vmem>> -> memref<1x64x128xf32, #tpu.memory_space<vmem>>
    %dma_start3A_7 = tpu.memref_squeeze %dma_start3A_6 : memref<1x64x128xf32, #tpu.memory_space<vmem>> -> memref<64x128xf32, #tpu.memory_space<vmem>>
    %dma_start3A_8 = arith.constant 0 : i32
    %dma_start3A_9 = tpu.memref_slice %arg5[%dma_start3A, %dma_start3A_8] : memref<50x128xi32, #tpu.memory_space<vmem>> -> memref<1x64xi32, #tpu.memory_space<vmem>>
    %dma_start3A_10 = tpu.memref_squeeze %dma_start3A_9 : memref<1x64xi32, #tpu.memory_space<vmem>> -> memref<64xi32, #tpu.memory_space<vmem>>
    %dma_start3A_11 = arith.constant 0 : i32
    %dma_start3A_12 = arith.constant 0 : i32
    %dma_start3A_13 = tpu.memref_slice %arg3[%dma_start3A_11, %dma_start3A_12] : memref<100000x128xf32, #tpu.memory_space<hbm>> -> memref<100000x128xf32, #tpu.memory_space<hbm>>
    tpu.enqueue_indirect_dma source(%dma_start3A_13 : memref<100000x128xf32, #tpu.memory_space<hbm>>) target(%dma_start3A_7 : memref<64x128xf32, #tpu.memory_space<vmem>>) offsets(%dma_start3A_10 : memref<64xi32, #tpu.memory_space<vmem>>) semaphore(%arg7 : memref<!tpu.dma_semaphore, #tpu.memory_space<semaphore_mem>>)
    %dma_start3A_14 = arith.constant 0 : i32
    %dma_start3A_15 = arith.constant 1 : i32
    %dma_start3A_16 = arith.constant 0 : i32
    %dma_start3A_17 = arith.constant 0 : i32
    %dma_start3A_18 = tpu.memref_slice %arg6[%dma_start3A_15, %dma_start3A_16, %dma_start3A_17] : memref<10x64x128xf32, #tpu.memory_space<vmem>> -> memref<1x64x128xf32, #tpu.memory_space<vmem>>
    %dma_start3A_19 = tpu.memref_squeeze %dma_start3A_18 : memref<1x64x128xf32, #tpu.memory_space<vmem>> -> memref<64x128xf32, #tpu.memory_space<vmem>>
    %dma_start3A_20 = arith.constant 64 : i32
    %dma_start3A_21 = tpu.memref_slice %arg5[%dma_start3A_14, %dma_start3A_20] : memref<50x128xi32, #tpu.memory_space<vmem>> -> memref<1x64xi32, #tpu.memory_space<vmem>>
    %dma_start3A_22 = tpu.memref_squeeze %dma_start3A_21 : memref<1x64xi32, #tpu.memory_space<vmem>> -> memref<64xi32, #tpu.memory_space<vmem>>
    %dma_start3A_23 = arith.constant 0 : i32
    %dma_start3A_24 = arith.constant 0 : i32
    %dma_start3A_25 = tpu.memref_slice %arg3[%dma_start3A_23, %dma_start3A_24] : memref<100000x128xf32, #tpu.memory_space<hbm>> -> memref<100000x128xf32, #tpu.memory_space<hbm>>
    tpu.enqueue_indirect_dma source(%dma_start3A_25 : memref<100000x128xf32, #tpu.memory_space<hbm>>) target(%dma_start3A_19 : memref<64x128xf32, #tpu.memory_space<vmem>>) offsets(%dma_start3A_22 : memref<64xi32, #tpu.memory_space<vmem>>) semaphore(%arg8 : memref<!tpu.dma_semaphore, #tpu.memory_space<semaphore_mem>>)
    %dma_start3A_26 = arith.constant 1 : i32
    %dma_start3A_27 = arith.constant 2 : i32
    %dma_start3A_28 = arith.constant 0 : i32
    %dma_start3A_29 = arith.constant 0 : i32
    %dma_start3A_30 = tpu.memref_slice %arg6[%dma_start3A_27, %dma_start3A_28, %dma_start3A_29] : memref<10x64x128xf32, #tpu.memory_space<vmem>> -> memref<1x64x128xf32, #tpu.memory_space<vmem>>
    %dma_start3A_31 = tpu.memref_squeeze %dma_start3A_30 : memref<1x64x128xf32, #tpu.memory_space<vmem>> -> memref<64x128xf32, #tpu.memory_space<vmem>>
    %dma_start3A_32 = arith.constant 0 : i32
    %dma_start3A_33 = tpu.memref_slice %arg5[%dma_start3A_26, %dma_start3A_32] : memref<50x128xi32, #tpu.memory_space<vmem>> -> memref<1x64xi32, #tpu.memory_space<vmem>>
    %dma_start3A_34 = tpu.memref_squeeze %dma_start3A_33 : memref<1x64xi32, #tpu.memory_space<vmem>> -> memref<64xi32, #tpu.memory_space<vmem>>
    %dma_start3A_35 = arith.constant 0 : i32
    %dma_start3A_36 = arith.constant 0 : i32
    %dma_start3A_37 = tpu.memref_slice %arg3[%dma_start3A_35, %dma_start3A_36] : memref<100000x128xf32, #tpu.memory_space<hbm>> -> memref<100000x128xf32, #tpu.memory_space<hbm>>
    tpu.enqueue_indirect_dma source(%dma_start3A_37 : memref<100000x128xf32, #tpu.memory_space<hbm>>) target(%dma_start3A_31 : memref<64x128xf32, #tpu.memory_space<vmem>>) offsets(%dma_start3A_34 : memref<64xi32, #tpu.memory_space<vmem>>) semaphore(%arg9 : memref<!tpu.dma_semaphore, #tpu.memory_space<semaphore_mem>>)
    %dma_start3A_38 = arith.constant 1 : i32
    %dma_start3A_39 = arith.constant 3 : i32
    %dma_start3A_40 = arith.constant 0 : i32
    %dma_start3A_41 = arith.constant 0 : i32
    %dma_start3A_42 = tpu.memref_slice %arg6[%dma_start3A_39, %dma_start3A_40, %dma_start3A_41] : memref<10x64x128xf32, #tpu.memory_space<vmem>> -> memref<1x64x128xf32, #tpu.memory_space<vmem>>
    %dma_start3A_43 = tpu.memref_squeeze %dma_start3A_42 : memref<1x64x128xf32, #tpu.memory_space<vmem>> -> memref<64x128xf32, #tpu.memory_space<vmem>>
    %dma_start3A_44 = arith.constant 64 : i32
    %dma_start3A_45 = tpu.memref_slice %arg5[%dma_start3A_38, %dma_start3A_44] : memref<50x128xi32, #tpu.memory_space<vmem>> -> memref<1x64xi32, #tpu.memory_space<vmem>>
    %dma_start3A_46 = tpu.memref_squeeze %dma_start3A_45 : memref<1x64xi32, #tpu.memory_space<vmem>> -> memref<64xi32, #tpu.memory_space<vmem>>
    %dma_start3A_47 = arith.constant 0 : i32
    %dma_start3A_48 = arith.constant 0 : i32
    %dma_start3A_49 = tpu.memref_slice %arg3[%dma_start3A_47, %dma_start3A_48] : memref<100000x128xf32, #tpu.memory_space<hbm>> -> memref<100000x128xf32, #tpu.memory_space<hbm>>
    tpu.enqueue_indirect_dma source(%dma_start3A_49 : memref<100000x128xf32, #tpu.memory_space<hbm>>) target(%dma_start3A_43 : memref<64x128xf32, #tpu.memory_space<vmem>>) offsets(%dma_start3A_46 : memref<64xi32, #tpu.memory_space<vmem>>) semaphore(%arg10 : memref<!tpu.dma_semaphore, #tpu.memory_space<semaphore_mem>>)
    %dma_start3A_50 = arith.constant 2 : i32
    %dma_start3A_51 = arith.constant 4 : i32
    %dma_start3A_52 = arith.constant 0 : i32
    %dma_start3A_53 = arith.constant 0 : i32
    %dma_start3A_54 = tpu.memref_slice %arg6[%dma_start3A_51, %dma_start3A_52, %dma_start3A_53] : memref<10x64x128xf32, #tpu.memory_space<vmem>> -> memref<1x64x128xf32, #tpu.memory_space<vmem>>
    %dma_start3A_55 = tpu.memref_squeeze %dma_start3A_54 : memref<1x64x128xf32, #tpu.memory_space<vmem>> -> memref<64x128xf32, #tpu.memory_space<vmem>>
    %dma_start3A_56 = arith.constant 0 : i32
    %dma_start3A_57 = tpu.memref_slice %arg5[%dma_start3A_50, %dma_start3A_56] : memref<50x128xi32, #tpu.memory_space<vmem>> -> memref<1x64xi32, #tpu.memory_space<vmem>>
    %dma_start3A_58 = tpu.memref_squeeze %dma_start3A_57 : memref<1x64xi32, #tpu.memory_space<vmem>> -> memref<64xi32, #tpu.memory_space<vmem>>
    %dma_start3A_59 = arith.constant 0 : i32
    %dma_start3A_60 = arith.constant 0 : i32
    %dma_start3A_61 = tpu.memref_slice %arg3[%dma_start3A_59, %dma_start3A_60] : memref<100000x128xf32, #tpu.memory_space<hbm>> -> memref<100000x128xf32, #tpu.memory_space<hbm>>
    tpu.enqueue_indirect_dma source(%dma_start3A_61 : memref<100000x128xf32, #tpu.memory_space<hbm>>) target(%dma_start3A_55 : memref<64x128xf32, #tpu.memory_space<vmem>>) offsets(%dma_start3A_58 : memref<64xi32, #tpu.memory_space<vmem>>) semaphore(%arg11 : memref<!tpu.dma_semaphore, #tpu.memory_space<semaphore_mem>>)
    %dma_start3A_62 = arith.constant 2 : i32
    %dma_start3A_63 = arith.constant 5 : i32
    %dma_start3A_64 = arith.constant 0 : i32
    %dma_start3A_65 = arith.constant 0 : i32
    %dma_start3A_66 = tpu.memref_slice %arg6[%dma_start3A_63, %dma_start3A_64, %dma_start3A_65] : memref<10x64x128xf32, #tpu.memory_space<vmem>> -> memref<1x64x128xf32, #tpu.memory_space<vmem>>
    %dma_start3A_67 = tpu.memref_squeeze %dma_start3A_66 : memref<1x64x128xf32, #tpu.memory_space<vmem>> -> memref<64x128xf32, #tpu.memory_space<vmem>>
    %dma_start3A_68 = arith.constant 64 : i32
    %dma_start3A_69 = tpu.memref_slice %arg5[%dma_start3A_62, %dma_start3A_68] : memref<50x128xi32, #tpu.memory_space<vmem>> -> memref<1x64xi32, #tpu.memory_space<vmem>>
    %dma_start3A_70 = tpu.memref_squeeze %dma_start3A_69 : memref<1x64xi32, #tpu.memory_space<vmem>> -> memref<64xi32, #tpu.memory_space<vmem>>
    %dma_start3A_71 = arith.constant 0 : i32
    %dma_start3A_72 = arith.constant 0 : i32
    %dma_start3A_73 = tpu.memref_slice %arg3[%dma_start3A_71, %dma_start3A_72] : memref<100000x128xf32, #tpu.memory_space<hbm>> -> memref<100000x128xf32, #tpu.memory_space<hbm>>
    tpu.enqueue_indirect_dma source(%dma_start3A_73 : memref<100000x128xf32, #tpu.memory_space<hbm>>) target(%dma_start3A_67 : memref<64x128xf32, #tpu.memory_space<vmem>>) offsets(%dma_start3A_70 : memref<64xi32, #tpu.memory_space<vmem>>) semaphore(%arg12 : memref<!tpu.dma_semaphore, #tpu.memory_space<semaphore_mem>>)
    %dma_start3A_74 = arith.constant 3 : i32
    %dma_start3A_75 = arith.constant 6 : i32
    %dma_start3A_76 = arith.constant 0 : i32
    %dma_start3A_77 = arith.constant 0 : i32
    %dma_start3A_78 = tpu.memref_slice %arg6[%dma_start3A_75, %dma_start3A_76, %dma_start3A_77] : memref<10x64x128xf32, #tpu.memory_space<vmem>> -> memref<1x64x128xf32, #tpu.memory_space<vmem>>
    %dma_start3A_79 = tpu.memref_squeeze %dma_start3A_78 : memref<1x64x128xf32, #tpu.memory_space<vmem>> -> memref<64x128xf32, #tpu.memory_space<vmem>>
    %dma_start3A_80 = arith.constant 0 : i32
    %dma_start3A_81 = tpu.memref_slice %arg5[%dma_start3A_74, %dma_start3A_80] : memref<50x128xi32, #tpu.memory_space<vmem>> -> memref<1x64xi32, #tpu.memory_space<vmem>>
    %dma_start3A_82 = tpu.memref_squeeze %dma_start3A_81 : memref<1x64xi32, #tpu.memory_space<vmem>> -> memref<64xi32, #tpu.memory_space<vmem>>
    %dma_start3A_83 = arith.constant 0 : i32
    %dma_start3A_84 = arith.constant 0 : i32
    %dma_start3A_85 = tpu.memref_slice %arg3[%dma_start3A_83, %dma_start3A_84] : memref<100000x128xf32, #tpu.memory_space<hbm>> -> memref<100000x128xf32, #tpu.memory_space<hbm>>
    tpu.enqueue_indirect_dma source(%dma_start3A_85 : memref<100000x128xf32, #tpu.memory_space<hbm>>) target(%dma_start3A_79 : memref<64x128xf32, #tpu.memory_space<vmem>>) offsets(%dma_start3A_82 : memref<64xi32, #tpu.memory_space<vmem>>) semaphore(%arg13 : memref<!tpu.dma_semaphore, #tpu.memory_space<semaphore_mem>>)
    %dma_wait3A = arith.constant 0 : i32
    %dma_wait3A_86 = arith.constant 0 : i32
    %dma_wait3A_87 = arith.constant 0 : i32
    %dma_wait3A_88 = arith.constant 0 : i32
    %dma_wait3A_89 = tpu.memref_slice %arg6[%dma_wait3A_86, %dma_wait3A_87, %dma_wait3A_88] : memref<10x64x128xf32, #tpu.memory_space<vmem>> -> memref<1x64x128xf32, #tpu.memory_space<vmem>>
    %dma_wait3A_90 = tpu.memref_squeeze %dma_wait3A_89 : memref<1x64x128xf32, #tpu.memory_space<vmem>> -> memref<64x128xf32, #tpu.memory_space<vmem>>
    %dma_wait3A_91 = arith.constant 0 : i32
    %dma_wait3A_92 = tpu.memref_slice %arg5[%dma_wait3A, %dma_wait3A_91] : memref<50x128xi32, #tpu.memory_space<vmem>> -> memref<1x64xi32, #tpu.memory_space<vmem>>
    %dma_wait3A_93 = tpu.memref_squeeze %dma_wait3A_92 : memref<1x64xi32, #tpu.memory_space<vmem>> -> memref<64xi32, #tpu.memory_space<vmem>>
    %dma_wait3A_94 = arith.constant 0 : i32
    %dma_wait3A_95 = arith.constant 0 : i32
    %dma_wait3A_96 = tpu.memref_slice %arg3[%dma_wait3A_94, %dma_wait3A_95] : memref<100000x128xf32, #tpu.memory_space<hbm>> -> memref<100000x128xf32, #tpu.memory_space<hbm>>
    tpu.wait_indirect_dma semaphore(%arg7 : memref<!tpu.dma_semaphore, #tpu.memory_space<semaphore_mem>>) src(%dma_wait3A_96 : memref<100000x128xf32, #tpu.memory_space<hbm>>) dst(%dma_wait3A_90 : memref<64x128xf32, #tpu.memory_space<vmem>>)
    %add3A_97 = arith.constant 0 : i32
    %add3A_98 = arith.addi %mul3A_2, %add3A_97 : i32
    %dma_start3A_99 = arith.constant 0 : i32
    %dma_start3A_100 = arith.constant 0 : i32
    %dma_start3A_101 = arith.constant 0 : i32
    %dma_start3A_102 = arith.constant 0 : i32
    %dma_start3A_103 = tpu.memref_slice %arg6[%dma_start3A_99, %dma_start3A_101, %dma_start3A_102] : memref<10x64x128xf32, #tpu.memory_space<vmem>> -> memref<1x64x128xf32, #tpu.memory_space<vmem>>
    %dma_start3A_104 = tpu.memref_squeeze %dma_start3A_103 : memref<1x64x128xf32, #tpu.memory_space<vmem>> -> memref<64x128xf32, #tpu.memory_space<vmem>>
    %dma_start3A_105 = arith.constant 0 : i32
    %dma_start3A_106 = tpu.memref_slice %arg4[%dma_start3A_100, %add3A_98, %dma_start3A_105] : memref<50x4096x128xf32, #tpu.memory_space<hbm>> -> memref<1x64x128xf32, #tpu.memory_space<hbm>>
    %dma_start3A_107 = tpu.memref_squeeze %dma_start3A_106 : memref<1x64x128xf32, #tpu.memory_space<hbm>> -> memref<64x128xf32, #tpu.memory_space<hbm>>
    %dma_start3A_108 = arith.constant 0 : i32
    %dma_start3A_109 = tpu.memref_slice %arg4[%dma_start3A_100, %add3A_98, %dma_start3A_108] : memref<50x4096x128xf32, #tpu.memory_space<hbm>> -> memref<1x64x128xf32, #tpu.memory_space<hbm>>
    %dma_start3A_110 = tpu.memref_squeeze %dma_start3A_109 : memref<1x64x128xf32, #tpu.memory_space<hbm>> -> memref<64x128xf32, #tpu.memory_space<hbm>>
    %dma_start3A_111 = arith.constant 0 : i32
    %dma_start3A_112 = arith.constant 0 : i32
    %dma_start3A_113 = tpu.memref_slice %arg6[%dma_start3A_99, %dma_start3A_111, %dma_start3A_112] : memref<10x64x128xf32, #tpu.memory_space<vmem>> -> memref<1x64x128xf32, #tpu.memory_space<vmem>>
    %dma_start3A_114 = tpu.memref_squeeze %dma_start3A_113 : memref<1x64x128xf32, #tpu.memory_space<vmem>> -> memref<64x128xf32, #tpu.memory_space<vmem>>
    tpu.enqueue_dma source(%dma_start3A_114 : memref<64x128xf32, #tpu.memory_space<vmem>>) target(%dma_start3A_110 : memref<64x128xf32, #tpu.memory_space<hbm>>) target_semaphore(%arg17 : memref<!tpu.dma_semaphore, #tpu.memory_space<semaphore_mem>>)
    %dma_start3A_115 = arith.constant 3 : i32
    %dma_start3A_116 = arith.constant 7 : i32
    %dma_start3A_117 = arith.constant 0 : i32
    %dma_start3A_118 = arith.constant 0 : i32
    %dma_start3A_119 = tpu.memref_slice %arg6[%dma_start3A_116, %dma_start3A_117, %dma_start3A_118] : memref<10x64x128xf32, #tpu.memory_space<vmem>> -> memref<1x64x128xf32, #tpu.memory_space<vmem>>
    %dma_start3A_120 = tpu.memref_squeeze %dma_start3A_119 : memref<1x64x128xf32, #tpu.memory_space<vmem>> -> memref<64x128xf32, #tpu.memory_space<vmem>>
    %dma_start3A_121 = arith.constant 64 : i32
    %dma_start3A_122 = tpu.memref_slice %arg5[%dma_start3A_115, %dma_start3A_121] : memref<50x128xi32, #tpu.memory_space<vmem>> -> memref<1x64xi32, #tpu.memory_space<vmem>>
    %dma_start3A_123 = tpu.memref_squeeze %dma_start3A_122 : memref<1x64xi32, #tpu.memory_space<vmem>> -> memref<64xi32, #tpu.memory_space<vmem>>
    %dma_start3A_124 = arith.constant 0 : i32
    %dma_start3A_125 = arith.constant 0 : i32
    %dma_start3A_126 = tpu.memref_slice %arg3[%dma_start3A_124, %dma_start3A_125] : memref<100000x128xf32, #tpu.memory_space<hbm>> -> memref<100000x128xf32, #tpu.memory_space<hbm>>
    tpu.enqueue_indirect_dma source(%dma_start3A_126 : memref<100000x128xf32, #tpu.memory_space<hbm>>) target(%dma_start3A_120 : memref<64x128xf32, #tpu.memory_space<vmem>>) offsets(%dma_start3A_123 : memref<64xi32, #tpu.memory_space<vmem>>) semaphore(%arg14 : memref<!tpu.dma_semaphore, #tpu.memory_space<semaphore_mem>>)
    %dma_wait3A_127 = arith.constant 0 : i32
    %dma_wait3A_128 = arith.constant 1 : i32
    %dma_wait3A_129 = arith.constant 0 : i32
    %dma_wait3A_130 = arith.constant 0 : i32
    %dma_wait3A_131 = tpu.memref_slice %arg6[%dma_wait3A_128, %dma_wait3A_129, %dma_wait3A_130] : memref<10x64x128xf32, #tpu.memory_space<vmem>> -> memref<1x64x128xf32, #tpu.memory_space<vmem>>
    %dma_wait3A_132 = tpu.memref_squeeze %dma_wait3A_131 : memref<1x64x128xf32, #tpu.memory_space<vmem>> -> memref<64x128xf32, #tpu.memory_space<vmem>>
    %dma_wait3A_133 = arith.constant 0 : i32
    %dma_wait3A_134 = tpu.memref_slice %arg5[%dma_wait3A_127, %dma_wait3A_133] : memref<50x128xi32, #tpu.memory_space<vmem>> -> memref<1x64xi32, #tpu.memory_space<vmem>>
    %dma_wait3A_135 = tpu.memref_squeeze %dma_wait3A_134 : memref<1x64xi32, #tpu.memory_space<vmem>> -> memref<64xi32, #tpu.memory_space<vmem>>
    %dma_wait3A_136 = arith.constant 0 : i32
    %dma_wait3A_137 = arith.constant 0 : i32
    %dma_wait3A_138 = tpu.memref_slice %arg3[%dma_wait3A_136, %dma_wait3A_137] : memref<100000x128xf32, #tpu.memory_space<hbm>> -> memref<100000x128xf32, #tpu.memory_space<hbm>>
    tpu.wait_indirect_dma semaphore(%arg8 : memref<!tpu.dma_semaphore, #tpu.memory_space<semaphore_mem>>) src(%dma_wait3A_138 : memref<100000x128xf32, #tpu.memory_space<hbm>>) dst(%dma_wait3A_132 : memref<64x128xf32, #tpu.memory_space<vmem>>)
    %add3A_139 = arith.constant 64 : i32
    %add3A_140 = arith.addi %mul3A_2, %add3A_139 : i32
    %dma_start3A_141 = arith.constant 1 : i32
    %dma_start3A_142 = arith.constant 0 : i32
    %dma_start3A_143 = arith.constant 0 : i32
    %dma_start3A_144 = arith.constant 0 : i32
    %dma_start3A_145 = tpu.memref_slice %arg6[%dma_start3A_141, %dma_start3A_143, %dma_start3A_144] : memref<10x64x128xf32, #tpu.memory_space<vmem>> -> memref<1x64x128xf32, #tpu.memory_space<vmem>>
    %dma_start3A_146 = tpu.memref_squeeze %dma_start3A_145 : memref<1x64x128xf32, #tpu.memory_space<vmem>> -> memref<64x128xf32, #tpu.memory_space<vmem>>
    %dma_start3A_147 = arith.constant 0 : i32
    %dma_start3A_148 = tpu.memref_slice %arg4[%dma_start3A_142, %add3A_140, %dma_start3A_147] : memref<50x4096x128xf32, #tpu.memory_space<hbm>> -> memref<1x64x128xf32, #tpu.memory_space<hbm>>
    %dma_start3A_149 = tpu.memref_squeeze %dma_start3A_148 : memref<1x64x128xf32, #tpu.memory_space<hbm>> -> memref<64x128xf32, #tpu.memory_space<hbm>>
    %dma_start3A_150 = arith.constant 0 : i32
    %dma_start3A_151 = tpu.memref_slice %arg4[%dma_start3A_142, %add3A_140, %dma_start3A_150] : memref<50x4096x128xf32, #tpu.memory_space<hbm>> -> memref<1x64x128xf32, #tpu.memory_space<hbm>>
    %dma_start3A_152 = tpu.memref_squeeze %dma_start3A_151 : memref<1x64x128xf32, #tpu.memory_space<hbm>> -> memref<64x128xf32, #tpu.memory_space<hbm>>
    %dma_start3A_153 = arith.constant 0 : i32
    %dma_start3A_154 = arith.constant 0 : i32
    %dma_start3A_155 = tpu.memref_slice %arg6[%dma_start3A_141, %dma_start3A_153, %dma_start3A_154] : memref<10x64x128xf32, #tpu.memory_space<vmem>> -> memref<1x64x128xf32, #tpu.memory_space<vmem>>
    %dma_start3A_156 = tpu.memref_squeeze %dma_start3A_155 : memref<1x64x128xf32, #tpu.memory_space<vmem>> -> memref<64x128xf32, #tpu.memory_space<vmem>>
    tpu.enqueue_dma source(%dma_start3A_156 : memref<64x128xf32, #tpu.memory_space<vmem>>) target(%dma_start3A_152 : memref<64x128xf32, #tpu.memory_space<hbm>>) target_semaphore(%arg18 : memref<!tpu.dma_semaphore, #tpu.memory_space<semaphore_mem>>)
    %dma_start3A_157 = arith.constant 4 : i32
    %dma_start3A_158 = arith.constant 8 : i32
    %dma_start3A_159 = arith.constant 0 : i32
    %dma_start3A_160 = arith.constant 0 : i32
    %dma_start3A_161 = tpu.memref_slice %arg6[%dma_start3A_158, %dma_start3A_159, %dma_start3A_160] : memref<10x64x128xf32, #tpu.memory_space<vmem>> -> memref<1x64x128xf32, #tpu.memory_space<vmem>>
    %dma_start3A_162 = tpu.memref_squeeze %dma_start3A_161 : memref<1x64x128xf32, #tpu.memory_space<vmem>> -> memref<64x128xf32, #tpu.memory_space<vmem>>
    %dma_start3A_163 = arith.constant 0 : i32
    %dma_start3A_164 = tpu.memref_slice %arg5[%dma_start3A_157, %dma_start3A_163] : memref<50x128xi32, #tpu.memory_space<vmem>> -> memref<1x64xi32, #tpu.memory_space<vmem>>
    %dma_start3A_165 = tpu.memref_squeeze %dma_start3A_164 : memref<1x64xi32, #tpu.memory_space<vmem>> -> memref<64xi32, #tpu.memory_space<vmem>>
    %dma_start3A_166 = arith.constant 0 : i32
    %dma_start3A_167 = arith.constant 0 : i32
    %dma_start3A_168 = tpu.memref_slice %arg3[%dma_start3A_166, %dma_start3A_167] : memref<100000x128xf32, #tpu.memory_space<hbm>> -> memref<100000x128xf32, #tpu.memory_space<hbm>>
    tpu.enqueue_indirect_dma source(%dma_start3A_168 : memref<100000x128xf32, #tpu.memory_space<hbm>>) target(%dma_start3A_162 : memref<64x128xf32, #tpu.memory_space<vmem>>) offsets(%dma_start3A_165 : memref<64xi32, #tpu.memory_space<vmem>>) semaphore(%arg15 : memref<!tpu.dma_semaphore, #tpu.memory_space<semaphore_mem>>)
    %dma_wait3A_169 = arith.constant 0 : i32
    %dma_wait3A_170 = arith.constant 2 : i32
    %dma_wait3A_171 = arith.constant 0 : i32
    %dma_wait3A_172 = arith.constant 0 : i32
    %dma_wait3A_173 = tpu.memref_slice %arg6[%dma_wait3A_170, %dma_wait3A_171, %dma_wait3A_172] : memref<10x64x128xf32, #tpu.memory_space<vmem>> -> memref<1x64x128xf32, #tpu.memory_space<vmem>>
    %dma_wait3A_174 = tpu.memref_squeeze %dma_wait3A_173 : memref<1x64x128xf32, #tpu.memory_space<vmem>> -> memref<64x128xf32, #tpu.memory_space<vmem>>
    %dma_wait3A_175 = arith.constant 0 : i32
    %dma_wait3A_176 = tpu.memref_slice %arg5[%dma_wait3A_169, %dma_wait3A_175] : memref<50x128xi32, #tpu.memory_space<vmem>> -> memref<1x64xi32, #tpu.memory_space<vmem>>
    %dma_wait3A_177 = tpu.memref_squeeze %dma_wait3A_176 : memref<1x64xi32, #tpu.memory_space<vmem>> -> memref<64xi32, #tpu.memory_space<vmem>>
    %dma_wait3A_178 = arith.constant 0 : i32
    %dma_wait3A_179 = arith.constant 0 : i32
    %dma_wait3A_180 = tpu.memref_slice %arg3[%dma_wait3A_178, %dma_wait3A_179] : memref<100000x128xf32, #tpu.memory_space<hbm>> -> memref<100000x128xf32, #tpu.memory_space<hbm>>
    tpu.wait_indirect_dma semaphore(%arg9 : memref<!tpu.dma_semaphore, #tpu.memory_space<semaphore_mem>>) src(%dma_wait3A_180 : memref<100000x128xf32, #tpu.memory_space<hbm>>) dst(%dma_wait3A_174 : memref<64x128xf32, #tpu.memory_space<vmem>>)
    %add3A_181 = arith.constant 0 : i32
    %add3A_182 = arith.addi %mul3A_2, %add3A_181 : i32
    %dma_start3A_183 = arith.constant 2 : i32
    %dma_start3A_184 = arith.constant 1 : i32
    %dma_start3A_185 = arith.constant 0 : i32
    %dma_start3A_186 = arith.constant 0 : i32
    %dma_start3A_187 = tpu.memref_slice %arg6[%dma_start3A_183, %dma_start3A_185, %dma_start3A_186] : memref<10x64x128xf32, #tpu.memory_space<vmem>> -> memref<1x64x128xf32, #tpu.memory_space<vmem>>
    %dma_start3A_188 = tpu.memref_squeeze %dma_start3A_187 : memref<1x64x128xf32, #tpu.memory_space<vmem>> -> memref<64x128xf32, #tpu.memory_space<vmem>>
    %dma_start3A_189 = arith.constant 0 : i32
    %dma_start3A_190 = tpu.memref_slice %arg4[%dma_start3A_184, %add3A_182, %dma_start3A_189] : memref<50x4096x128xf32, #tpu.memory_space<hbm>> -> memref<1x64x128xf32, #tpu.memory_space<hbm>>
    %dma_start3A_191 = tpu.memref_squeeze %dma_start3A_190 : memref<1x64x128xf32, #tpu.memory_space<hbm>> -> memref<64x128xf32, #tpu.memory_space<hbm>>
    %dma_start3A_192 = arith.constant 0 : i32
    %dma_start3A_193 = tpu.memref_slice %arg4[%dma_start3A_184, %add3A_182, %dma_start3A_192] : memref<50x4096x128xf32, #tpu.memory_space<hbm>> -> memref<1x64x128xf32, #tpu.memory_space<hbm>>
    %dma_start3A_194 = tpu.memref_squeeze %dma_start3A_193 : memref<1x64x128xf32, #tpu.memory_space<hbm>> -> memref<64x128xf32, #tpu.memory_space<hbm>>
    %dma_start3A_195 = arith.constant 0 : i32
    %dma_start3A_196 = arith.constant 0 : i32
    %dma_start3A_197 = tpu.memref_slice %arg6[%dma_start3A_183, %dma_start3A_195, %dma_start3A_196] : memref<10x64x128xf32, #tpu.memory_space<vmem>> -> memref<1x64x128xf32, #tpu.memory_space<vmem>>
    %dma_start3A_198 = tpu.memref_squeeze %dma_start3A_197 : memref<1x64x128xf32, #tpu.memory_space<vmem>> -> memref<64x128xf32, #tpu.memory_space<vmem>>
    tpu.enqueue_dma source(%dma_start3A_198 : memref<64x128xf32, #tpu.memory_space<vmem>>) target(%dma_start3A_194 : memref<64x128xf32, #tpu.memory_space<hbm>>) target_semaphore(%arg19 : memref<!tpu.dma_semaphore, #tpu.memory_space<semaphore_mem>>)
    %dma_start3A_199 = arith.constant 4 : i32
    %dma_start3A_200 = arith.constant 9 : i32
    %dma_start3A_201 = arith.constant 0 : i32
    %dma_start3A_202 = arith.constant 0 : i32
    %dma_start3A_203 = tpu.memref_slice %arg6[%dma_start3A_200, %dma_start3A_201, %dma_start3A_202] : memref<10x64x128xf32, #tpu.memory_space<vmem>> -> memref<1x64x128xf32, #tpu.memory_space<vmem>>
    %dma_start3A_204 = tpu.memref_squeeze %dma_start3A_203 : memref<1x64x128xf32, #tpu.memory_space<vmem>> -> memref<64x128xf32, #tpu.memory_space<vmem>>
    %dma_start3A_205 = arith.constant 64 : i32
    %dma_start3A_206 = tpu.memref_slice %arg5[%dma_start3A_199, %dma_start3A_205] : memref<50x128xi32, #tpu.memory_space<vmem>> -> memref<1x64xi32, #tpu.memory_space<vmem>>
    %dma_start3A_207 = tpu.memref_squeeze %dma_start3A_206 : memref<1x64xi32, #tpu.memory_space<vmem>> -> memref<64xi32, #tpu.memory_space<vmem>>
    %dma_start3A_208 = arith.constant 0 : i32
    %dma_start3A_209 = arith.constant 0 : i32
    %dma_start3A_210 = tpu.memref_slice %arg3[%dma_start3A_208, %dma_start3A_209] : memref<100000x128xf32, #tpu.memory_space<hbm>> -> memref<100000x128xf32, #tpu.memory_space<hbm>>
    tpu.enqueue_indirect_dma source(%dma_start3A_210 : memref<100000x128xf32, #tpu.memory_space<hbm>>) target(%dma_start3A_204 : memref<64x128xf32, #tpu.memory_space<vmem>>) offsets(%dma_start3A_207 : memref<64xi32, #tpu.memory_space<vmem>>) semaphore(%arg16 : memref<!tpu.dma_semaphore, #tpu.memory_space<semaphore_mem>>)
    %scan3A = arith.constant 0 : i32
    %scan3A_211 = arith.constant 9 : i32
    %scan3A_212 = arith.addi %scan3A, %scan3A_211 : i32
    %scan3A_213 = arith.constant 1 : i32
    scf.for %scan3A_585 = %scan3A to %scan3A_212 step %scan3A_213  : i32 {
      %mul3A_586 = arith.constant 10 : i32
      %mul3A_587 = arith.muli %scan3A_585, %mul3A_586 : i32
      %add3A_588 = arith.constant 3 : i32
      %add3A_589 = arith.addi %add3A_588, %mul3A_587 : i32
      %add3A_590 = arith.constant 0 : i32
      %add3A_591 = arith.addi %add3A_589, %add3A_590 : i32
      %dma_wait3A_592 = arith.constant 0 : i32
      %dma_wait3A_593 = arith.constant 3 : i32
      %dma_wait3A_594 = arith.constant 0 : i32
      %dma_wait3A_595 = arith.constant 0 : i32
      %dma_wait3A_596 = tpu.memref_slice %arg6[%dma_wait3A_593, %dma_wait3A_594, %dma_wait3A_595] : memref<10x64x128xf32, #tpu.memory_space<vmem>> -> memref<1x64x128xf32, #tpu.memory_space<vmem>>
      %dma_wait3A_597 = tpu.memref_squeeze %dma_wait3A_596 : memref<1x64x128xf32, #tpu.memory_space<vmem>> -> memref<64x128xf32, #tpu.memory_space<vmem>>
      %dma_wait3A_598 = arith.constant 0 : i32
      %dma_wait3A_599 = tpu.memref_slice %arg5[%dma_wait3A_592, %dma_wait3A_598] : memref<50x128xi32, #tpu.memory_space<vmem>> -> memref<1x64xi32, #tpu.memory_space<vmem>>
      %dma_wait3A_600 = tpu.memref_squeeze %dma_wait3A_599 : memref<1x64xi32, #tpu.memory_space<vmem>> -> memref<64xi32, #tpu.memory_space<vmem>>
      %dma_wait3A_601 = arith.constant 0 : i32
      %dma_wait3A_602 = arith.constant 0 : i32
      %dma_wait3A_603 = tpu.memref_slice %arg3[%dma_wait3A_601, %dma_wait3A_602] : memref<100000x128xf32, #tpu.memory_space<hbm>> -> memref<100000x128xf32, #tpu.memory_space<hbm>>
      tpu.wait_indirect_dma semaphore(%arg10 : memref<!tpu.dma_semaphore, #tpu.memory_space<semaphore_mem>>) src(%dma_wait3A_603 : memref<100000x128xf32, #tpu.memory_space<hbm>>) dst(%dma_wait3A_597 : memref<64x128xf32, #tpu.memory_space<vmem>>)
      %jit3A = arith.constant 2 : i32
      %div3A = arith.divsi %add3A_591, %jit3A : i32
      %sign3A = arith.constant 0 : i32
      %sign3A_604 = arith.cmpi sgt, %add3A_591, %sign3A : i32
      %sign3A_605 = arith.extui %sign3A_604 : i1 to i32
      %sign3A_606 = arith.constant 0 : i32
      %sign3A_607 = arith.cmpi slt, %add3A_591, %sign3A_606 : i32
      %sign3A_608 = arith.extui %sign3A_607 : i1 to i32
      %sign3A_609 = arith.subi %sign3A_605, %sign3A_608 : i32
      %sign3A_610 = arith.constant 0 : i32
      %sign3A_611 = arith.cmpi sgt, %jit3A, %sign3A_610 : i32
      %sign3A_612 = arith.extui %sign3A_611 : i1 to i32
      %sign3A_613 = arith.constant 0 : i32
      %sign3A_614 = arith.cmpi slt, %jit3A, %sign3A_613 : i32
      %sign3A_615 = arith.extui %sign3A_614 : i1 to i32
      %sign3A_616 = arith.subi %sign3A_612, %sign3A_615 : i32
      %ne3A = arith.cmpi ne, %sign3A_609, %sign3A_616 : i32
      %rem3A = arith.remsi %add3A_591, %jit3A : i32
      %ne3A_617 = arith.constant 0 : i32
      %ne3A_618 = arith.cmpi ne, %rem3A, %ne3A_617 : i32
      %and3A = arith.andi %ne3A, %ne3A_618 : i1
      %sub3A = arith.constant 1 : i32
      %sub3A_619 = arith.subi %div3A, %sub3A : i32
      %select_n3A = arith.select %and3A, %sub3A_619, %div3A : i32
      %jit3A_620 = arith.constant 2 : i32
      %eq3A = arith.constant 0 : i32
      %eq3A_621 = arith.cmpi eq, %jit3A_620, %eq3A : i32
      %jit3A_622 = arith.constant 1 : i32
      %select_n3A_623 = arith.select %eq3A_621, %jit3A_622, %jit3A_620 : i32
      %rem3A_624 = arith.remsi %add3A_591, %select_n3A_623 : i32
      %ne3A_625 = arith.constant 0 : i32
      %ne3A_626 = arith.cmpi ne, %rem3A_624, %ne3A_625 : i32
      %lt3A = arith.constant 0 : i32
      %lt3A_627 = arith.cmpi slt, %rem3A_624, %lt3A : i32
      %lt3A_628 = arith.constant 0 : i32
      %lt3A_629 = arith.cmpi slt, %select_n3A_623, %lt3A_628 : i32
      %ne3A_630 = arith.xori %lt3A_627, %lt3A_629 : i1
      %and3A_631 = arith.andi %ne3A_630, %ne3A_626 : i1
      %add3A_632 = arith.addi %rem3A_624, %select_n3A_623 : i32
      %select_n3A_633 = arith.select %and3A_631, %add3A_632, %rem3A_624 : i32
      %mul3A_634 = arith.constant 64 : i32
      %mul3A_635 = arith.muli %select_n3A_633, %mul3A_634 : i32
      %add3A_636 = arith.addi %mul3A_2, %mul3A_635 : i32
      %dma_start3A_637 = arith.constant 3 : i32
      %dma_start3A_638 = arith.constant 0 : i32
      %dma_start3A_639 = arith.constant 0 : i32
      %dma_start3A_640 = tpu.memref_slice %arg6[%dma_start3A_637, %dma_start3A_638, %dma_start3A_639] : memref<10x64x128xf32, #tpu.memory_space<vmem>> -> memref<1x64x128xf32, #tpu.memory_space<vmem>>
      %dma_start3A_641 = tpu.memref_squeeze %dma_start3A_640 : memref<1x64x128xf32, #tpu.memory_space<vmem>> -> memref<64x128xf32, #tpu.memory_space<vmem>>
      %dma_start3A_642 = arith.constant 0 : i32
      %dma_start3A_643 = tpu.memref_slice %arg4[%select_n3A, %add3A_636, %dma_start3A_642] : memref<50x4096x128xf32, #tpu.memory_space<hbm>> -> memref<1x64x128xf32, #tpu.memory_space<hbm>>
      %dma_start3A_644 = tpu.memref_squeeze %dma_start3A_643 : memref<1x64x128xf32, #tpu.memory_space<hbm>> -> memref<64x128xf32, #tpu.memory_space<hbm>>
      %dma_start3A_645 = arith.constant 0 : i32
      %dma_start3A_646 = tpu.memref_slice %arg4[%select_n3A, %add3A_636, %dma_start3A_645] : memref<50x4096x128xf32, #tpu.memory_space<hbm>> -> memref<1x64x128xf32, #tpu.memory_space<hbm>>
      %dma_start3A_647 = tpu.memref_squeeze %dma_start3A_646 : memref<1x64x128xf32, #tpu.memory_space<hbm>> -> memref<64x128xf32, #tpu.memory_space<hbm>>
      %dma_start3A_648 = arith.constant 0 : i32
      %dma_start3A_649 = arith.constant 0 : i32
      %dma_start3A_650 = tpu.memref_slice %arg6[%dma_start3A_637, %dma_start3A_648, %dma_start3A_649] : memref<10x64x128xf32, #tpu.memory_space<vmem>> -> memref<1x64x128xf32, #tpu.memory_space<vmem>>
      %dma_start3A_651 = tpu.memref_squeeze %dma_start3A_650 : memref<1x64x128xf32, #tpu.memory_space<vmem>> -> memref<64x128xf32, #tpu.memory_space<vmem>>
      tpu.enqueue_dma source(%dma_start3A_651 : memref<64x128xf32, #tpu.memory_space<vmem>>) target(%dma_start3A_647 : memref<64x128xf32, #tpu.memory_space<hbm>>) target_semaphore(%arg20 : memref<!tpu.dma_semaphore, #tpu.memory_space<semaphore_mem>>)
      %dma_wait3A_652 = arith.constant 0 : i32
      %dma_wait3A_653 = arith.constant 0 : i32
      %dma_wait3A_654 = arith.constant 0 : i32
      %dma_wait3A_655 = arith.constant 0 : i32
      %dma_wait3A_656 = tpu.memref_slice %arg6[%dma_wait3A_652, %dma_wait3A_654, %dma_wait3A_655] : memref<10x64x128xf32, #tpu.memory_space<vmem>> -> memref<1x64x128xf32, #tpu.memory_space<vmem>>
      %dma_wait3A_657 = tpu.memref_squeeze %dma_wait3A_656 : memref<1x64x128xf32, #tpu.memory_space<vmem>> -> memref<64x128xf32, #tpu.memory_space<vmem>>
      %dma_wait3A_658 = arith.constant 0 : i32
      %dma_wait3A_659 = tpu.memref_slice %arg4[%dma_wait3A_653, %mul3A_2, %dma_wait3A_658] : memref<50x4096x128xf32, #tpu.memory_space<hbm>> -> memref<1x64x128xf32, #tpu.memory_space<hbm>>
      %dma_wait3A_660 = tpu.memref_squeeze %dma_wait3A_659 : memref<1x64x128xf32, #tpu.memory_space<hbm>> -> memref<64x128xf32, #tpu.memory_space<hbm>>
      %dma_wait3A_661 = arith.constant 0 : i32
      %dma_wait3A_662 = tpu.memref_slice %arg4[%dma_wait3A_653, %mul3A_2, %dma_wait3A_661] : memref<50x4096x128xf32, #tpu.memory_space<hbm>> -> memref<1x64x128xf32, #tpu.memory_space<hbm>>
      %dma_wait3A_663 = tpu.memref_squeeze %dma_wait3A_662 : memref<1x64x128xf32, #tpu.memory_space<hbm>> -> memref<64x128xf32, #tpu.memory_space<hbm>>
      %dma_wait3A_664 = arith.constant 0 : i32
      %dma_wait3A_665 = arith.constant 0 : i32
      %dma_wait3A_666 = tpu.memref_slice %arg6[%dma_wait3A_652, %dma_wait3A_664, %dma_wait3A_665] : memref<10x64x128xf32, #tpu.memory_space<vmem>> -> memref<1x64x128xf32, #tpu.memory_space<vmem>>
      %dma_wait3A_667 = tpu.memref_squeeze %dma_wait3A_666 : memref<1x64x128xf32, #tpu.memory_space<vmem>> -> memref<64x128xf32, #tpu.memory_space<vmem>>
      tpu.wait_dma2 semaphore(%arg17 : memref<!tpu.dma_semaphore, #tpu.memory_space<semaphore_mem>>) src(%dma_wait3A_667 : memref<64x128xf32, #tpu.memory_space<vmem>>) dst(%dma_wait3A_663 : memref<64x128xf32, #tpu.memory_space<hbm>>)
      %add3A_668 = arith.constant 7 : i32
      %add3A_669 = arith.addi %add3A_591, %add3A_668 : i32
      %jit3A_670 = arith.constant 2 : i32
      %div3A_671 = arith.divsi %add3A_669, %jit3A_670 : i32
      %sign3A_672 = arith.constant 0 : i32
      %sign3A_673 = arith.cmpi sgt, %add3A_669, %sign3A_672 : i32
      %sign3A_674 = arith.extui %sign3A_673 : i1 to i32
      %sign3A_675 = arith.constant 0 : i32
      %sign3A_676 = arith.cmpi slt, %add3A_669, %sign3A_675 : i32
      %sign3A_677 = arith.extui %sign3A_676 : i1 to i32
      %sign3A_678 = arith.subi %sign3A_674, %sign3A_677 : i32
      %sign3A_679 = arith.constant 0 : i32
      %sign3A_680 = arith.cmpi sgt, %jit3A_670, %sign3A_679 : i32
      %sign3A_681 = arith.extui %sign3A_680 : i1 to i32
      %sign3A_682 = arith.constant 0 : i32
      %sign3A_683 = arith.cmpi slt, %jit3A_670, %sign3A_682 : i32
      %sign3A_684 = arith.extui %sign3A_683 : i1 to i32
      %sign3A_685 = arith.subi %sign3A_681, %sign3A_684 : i32
      %ne3A_686 = arith.cmpi ne, %sign3A_678, %sign3A_685 : i32
      %rem3A_687 = arith.remsi %add3A_669, %jit3A_670 : i32
      %ne3A_688 = arith.constant 0 : i32
      %ne3A_689 = arith.cmpi ne, %rem3A_687, %ne3A_688 : i32
      %and3A_690 = arith.andi %ne3A_686, %ne3A_689 : i1
      %sub3A_691 = arith.constant 1 : i32
      %sub3A_692 = arith.subi %div3A_671, %sub3A_691 : i32
      %select_n3A_693 = arith.select %and3A_690, %sub3A_692, %div3A_671 : i32
      %jit3A_694 = arith.constant 2 : i32
      %eq3A_695 = arith.constant 0 : i32
      %eq3A_696 = arith.cmpi eq, %jit3A_694, %eq3A_695 : i32
      %jit3A_697 = arith.constant 1 : i32
      %select_n3A_698 = arith.select %eq3A_696, %jit3A_697, %jit3A_694 : i32
      %rem3A_699 = arith.remsi %add3A_669, %select_n3A_698 : i32
      %ne3A_700 = arith.constant 0 : i32
      %ne3A_701 = arith.cmpi ne, %rem3A_699, %ne3A_700 : i32
      %lt3A_702 = arith.constant 0 : i32
      %lt3A_703 = arith.cmpi slt, %rem3A_699, %lt3A_702 : i32
      %lt3A_704 = arith.constant 0 : i32
      %lt3A_705 = arith.cmpi slt, %select_n3A_698, %lt3A_704 : i32
      %ne3A_706 = arith.xori %lt3A_703, %lt3A_705 : i1
      %and3A_707 = arith.andi %ne3A_706, %ne3A_701 : i1
      %add3A_708 = arith.addi %rem3A_699, %select_n3A_698 : i32
      %select_n3A_709 = arith.select %and3A_707, %add3A_708, %rem3A_699 : i32
      %mul3A_710 = arith.constant 64 : i32
      %mul3A_711 = arith.muli %select_n3A_709, %mul3A_710 : i32
      %dma_start3A_712 = arith.constant 0 : i32
      %dma_start3A_713 = arith.constant 0 : i32
      %dma_start3A_714 = arith.constant 0 : i32
      %dma_start3A_715 = tpu.memref_slice %arg6[%dma_start3A_712, %dma_start3A_713, %dma_start3A_714] : memref<10x64x128xf32, #tpu.memory_space<vmem>> -> memref<1x64x128xf32, #tpu.memory_space<vmem>>
      %dma_start3A_716 = tpu.memref_squeeze %dma_start3A_715 : memref<1x64x128xf32, #tpu.memory_space<vmem>> -> memref<64x128xf32, #tpu.memory_space<vmem>>
      %dma_start3A_717 = tpu.memref_slice %arg5[%select_n3A_693, %mul3A_711] : memref<50x128xi32, #tpu.memory_space<vmem>> -> memref<1x64xi32, #tpu.memory_space<vmem>>
      %dma_start3A_718 = tpu.memref_squeeze %dma_start3A_717 : memref<1x64xi32, #tpu.memory_space<vmem>> -> memref<64xi32, #tpu.memory_space<vmem>>
      %dma_start3A_719 = arith.constant 0 : i32
      %dma_start3A_720 = arith.constant 0 : i32
      %dma_start3A_721 = tpu.memref_slice %arg3[%dma_start3A_719, %dma_start3A_720] : memref<100000x128xf32, #tpu.memory_space<hbm>> -> memref<100000x128xf32, #tpu.memory_space<hbm>>
      tpu.enqueue_indirect_dma source(%dma_start3A_721 : memref<100000x128xf32, #tpu.memory_space<hbm>>) target(%dma_start3A_716 : memref<64x128xf32, #tpu.memory_space<vmem>>) offsets(%dma_start3A_718 : memref<64xi32, #tpu.memory_space<vmem>>) semaphore(%arg7 : memref<!tpu.dma_semaphore, #tpu.memory_space<semaphore_mem>>)
      %add3A_722 = arith.constant 1 : i32
      %add3A_723 = arith.addi %add3A_589, %add3A_722 : i32
      %dma_wait3A_724 = arith.constant 0 : i32
      %dma_wait3A_725 = arith.constant 4 : i32
      %dma_wait3A_726 = arith.constant 0 : i32
      %dma_wait3A_727 = arith.constant 0 : i32
      %dma_wait3A_728 = tpu.memref_slice %arg6[%dma_wait3A_725, %dma_wait3A_726, %dma_wait3A_727] : memref<10x64x128xf32, #tpu.memory_space<vmem>> -> memref<1x64x128xf32, #tpu.memory_space<vmem>>
      %dma_wait3A_729 = tpu.memref_squeeze %dma_wait3A_728 : memref<1x64x128xf32, #tpu.memory_space<vmem>> -> memref<64x128xf32, #tpu.memory_space<vmem>>
      %dma_wait3A_730 = arith.constant 0 : i32
      %dma_wait3A_731 = tpu.memref_slice %arg5[%dma_wait3A_724, %dma_wait3A_730] : memref<50x128xi32, #tpu.memory_space<vmem>> -> memref<1x64xi32, #tpu.memory_space<vmem>>
      %dma_wait3A_732 = tpu.memref_squeeze %dma_wait3A_731 : memref<1x64xi32, #tpu.memory_space<vmem>> -> memref<64xi32, #tpu.memory_space<vmem>>
      %dma_wait3A_733 = arith.constant 0 : i32
      %dma_wait3A_734 = arith.constant 0 : i32
      %dma_wait3A_735 = tpu.memref_slice %arg3[%dma_wait3A_733, %dma_wait3A_734] : memref<100000x128xf32, #tpu.memory_space<hbm>> -> memref<100000x128xf32, #tpu.memory_space<hbm>>
      tpu.wait_indirect_dma semaphore(%arg11 : memref<!tpu.dma_semaphore, #tpu.memory_space<semaphore_mem>>) src(%dma_wait3A_735 : memref<100000x128xf32, #tpu.memory_space<hbm>>) dst(%dma_wait3A_729 : memref<64x128xf32, #tpu.memory_space<vmem>>)
      %jit3A_736 = arith.constant 2 : i32
      %div3A_737 = arith.divsi %add3A_723, %jit3A_736 : i32
      %sign3A_738 = arith.constant 0 : i32
      %sign3A_739 = arith.cmpi sgt, %add3A_723, %sign3A_738 : i32
      %sign3A_740 = arith.extui %sign3A_739 : i1 to i32
      %sign3A_741 = arith.constant 0 : i32
      %sign3A_742 = arith.cmpi slt, %add3A_723, %sign3A_741 : i32
      %sign3A_743 = arith.extui %sign3A_742 : i1 to i32
      %sign3A_744 = arith.subi %sign3A_740, %sign3A_743 : i32
      %sign3A_745 = arith.constant 0 : i32
      %sign3A_746 = arith.cmpi sgt, %jit3A_736, %sign3A_745 : i32
      %sign3A_747 = arith.extui %sign3A_746 : i1 to i32
      %sign3A_748 = arith.constant 0 : i32
      %sign3A_749 = arith.cmpi slt, %jit3A_736, %sign3A_748 : i32
      %sign3A_750 = arith.extui %sign3A_749 : i1 to i32
      %sign3A_751 = arith.subi %sign3A_747, %sign3A_750 : i32
      %ne3A_752 = arith.cmpi ne, %sign3A_744, %sign3A_751 : i32
      %rem3A_753 = arith.remsi %add3A_723, %jit3A_736 : i32
      %ne3A_754 = arith.constant 0 : i32
      %ne3A_755 = arith.cmpi ne, %rem3A_753, %ne3A_754 : i32
      %and3A_756 = arith.andi %ne3A_752, %ne3A_755 : i1
      %sub3A_757 = arith.constant 1 : i32
      %sub3A_758 = arith.subi %div3A_737, %sub3A_757 : i32
      %select_n3A_759 = arith.select %and3A_756, %sub3A_758, %div3A_737 : i32
      %jit3A_760 = arith.constant 2 : i32
      %eq3A_761 = arith.constant 0 : i32
      %eq3A_762 = arith.cmpi eq, %jit3A_760, %eq3A_761 : i32
      %jit3A_763 = arith.constant 1 : i32
      %select_n3A_764 = arith.select %eq3A_762, %jit3A_763, %jit3A_760 : i32
      %rem3A_765 = arith.remsi %add3A_723, %select_n3A_764 : i32
      %ne3A_766 = arith.constant 0 : i32
      %ne3A_767 = arith.cmpi ne, %rem3A_765, %ne3A_766 : i32
      %lt3A_768 = arith.constant 0 : i32
      %lt3A_769 = arith.cmpi slt, %rem3A_765, %lt3A_768 : i32
      %lt3A_770 = arith.constant 0 : i32
      %lt3A_771 = arith.cmpi slt, %select_n3A_764, %lt3A_770 : i32
      %ne3A_772 = arith.xori %lt3A_769, %lt3A_771 : i1
      %and3A_773 = arith.andi %ne3A_772, %ne3A_767 : i1
      %add3A_774 = arith.addi %rem3A_765, %select_n3A_764 : i32
      %select_n3A_775 = arith.select %and3A_773, %add3A_774, %rem3A_765 : i32
      %mul3A_776 = arith.constant 64 : i32
      %mul3A_777 = arith.muli %select_n3A_775, %mul3A_776 : i32
      %add3A_778 = arith.addi %mul3A_2, %mul3A_777 : i32
      %dma_start3A_779 = arith.constant 4 : i32
      %dma_start3A_780 = arith.constant 0 : i32
      %dma_start3A_781 = arith.constant 0 : i32
      %dma_start3A_782 = tpu.memref_slice %arg6[%dma_start3A_779, %dma_start3A_780, %dma_start3A_781] : memref<10x64x128xf32, #tpu.memory_space<vmem>> -> memref<1x64x128xf32, #tpu.memory_space<vmem>>
      %dma_start3A_783 = tpu.memref_squeeze %dma_start3A_782 : memref<1x64x128xf32, #tpu.memory_space<vmem>> -> memref<64x128xf32, #tpu.memory_space<vmem>>
      %dma_start3A_784 = arith.constant 0 : i32
      %dma_start3A_785 = tpu.memref_slice %arg4[%select_n3A_759, %add3A_778, %dma_start3A_784] : memref<50x4096x128xf32, #tpu.memory_space<hbm>> -> memref<1x64x128xf32, #tpu.memory_space<hbm>>
      %dma_start3A_786 = tpu.memref_squeeze %dma_start3A_785 : memref<1x64x128xf32, #tpu.memory_space<hbm>> -> memref<64x128xf32, #tpu.memory_space<hbm>>
      %dma_start3A_787 = arith.constant 0 : i32
      %dma_start3A_788 = tpu.memref_slice %arg4[%select_n3A_759, %add3A_778, %dma_start3A_787] : memref<50x4096x128xf32, #tpu.memory_space<hbm>> -> memref<1x64x128xf32, #tpu.memory_space<hbm>>
      %dma_start3A_789 = tpu.memref_squeeze %dma_start3A_788 : memref<1x64x128xf32, #tpu.memory_space<hbm>> -> memref<64x128xf32, #tpu.memory_space<hbm>>
      %dma_start3A_790 = arith.constant 0 : i32
      %dma_start3A_791 = arith.constant 0 : i32
      %dma_start3A_792 = tpu.memref_slice %arg6[%dma_start3A_779, %dma_start3A_790, %dma_start3A_791] : memref<10x64x128xf32, #tpu.memory_space<vmem>> -> memref<1x64x128xf32, #tpu.memory_space<vmem>>
      %dma_start3A_793 = tpu.memref_squeeze %dma_start3A_792 : memref<1x64x128xf32, #tpu.memory_space<vmem>> -> memref<64x128xf32, #tpu.memory_space<vmem>>
      tpu.enqueue_dma source(%dma_start3A_793 : memref<64x128xf32, #tpu.memory_space<vmem>>) target(%dma_start3A_789 : memref<64x128xf32, #tpu.memory_space<hbm>>) target_semaphore(%arg21 : memref<!tpu.dma_semaphore, #tpu.memory_space<semaphore_mem>>)
      %dma_wait3A_794 = arith.constant 1 : i32
      %dma_wait3A_795 = arith.constant 0 : i32
      %dma_wait3A_796 = arith.constant 0 : i32
      %dma_wait3A_797 = arith.constant 0 : i32
      %dma_wait3A_798 = tpu.memref_slice %arg6[%dma_wait3A_794, %dma_wait3A_796, %dma_wait3A_797] : memref<10x64x128xf32, #tpu.memory_space<vmem>> -> memref<1x64x128xf32, #tpu.memory_space<vmem>>
      %dma_wait3A_799 = tpu.memref_squeeze %dma_wait3A_798 : memref<1x64x128xf32, #tpu.memory_space<vmem>> -> memref<64x128xf32, #tpu.memory_space<vmem>>
      %dma_wait3A_800 = arith.constant 0 : i32
      %dma_wait3A_801 = tpu.memref_slice %arg4[%dma_wait3A_795, %mul3A_2, %dma_wait3A_800] : memref<50x4096x128xf32, #tpu.memory_space<hbm>> -> memref<1x64x128xf32, #tpu.memory_space<hbm>>
      %dma_wait3A_802 = tpu.memref_squeeze %dma_wait3A_801 : memref<1x64x128xf32, #tpu.memory_space<hbm>> -> memref<64x128xf32, #tpu.memory_space<hbm>>
      %dma_wait3A_803 = arith.constant 0 : i32
      %dma_wait3A_804 = tpu.memref_slice %arg4[%dma_wait3A_795, %mul3A_2, %dma_wait3A_803] : memref<50x4096x128xf32, #tpu.memory_space<hbm>> -> memref<1x64x128xf32, #tpu.memory_space<hbm>>
      %dma_wait3A_805 = tpu.memref_squeeze %dma_wait3A_804 : memref<1x64x128xf32, #tpu.memory_space<hbm>> -> memref<64x128xf32, #tpu.memory_space<hbm>>
      %dma_wait3A_806 = arith.constant 0 : i32
      %dma_wait3A_807 = arith.constant 0 : i32
      %dma_wait3A_808 = tpu.memref_slice %arg6[%dma_wait3A_794, %dma_wait3A_806, %dma_wait3A_807] : memref<10x64x128xf32, #tpu.memory_space<vmem>> -> memref<1x64x128xf32, #tpu.memory_space<vmem>>
      %dma_wait3A_809 = tpu.memref_squeeze %dma_wait3A_808 : memref<1x64x128xf32, #tpu.memory_space<vmem>> -> memref<64x128xf32, #tpu.memory_space<vmem>>
      tpu.wait_dma2 semaphore(%arg18 : memref<!tpu.dma_semaphore, #tpu.memory_space<semaphore_mem>>) src(%dma_wait3A_809 : memref<64x128xf32, #tpu.memory_space<vmem>>) dst(%dma_wait3A_805 : memref<64x128xf32, #tpu.memory_space<hbm>>)
      %add3A_810 = arith.constant 7 : i32
      %add3A_811 = arith.addi %add3A_723, %add3A_810 : i32
      %jit3A_812 = arith.constant 2 : i32
      %div3A_813 = arith.divsi %add3A_811, %jit3A_812 : i32
      %sign3A_814 = arith.constant 0 : i32
      %sign3A_815 = arith.cmpi sgt, %add3A_811, %sign3A_814 : i32
      %sign3A_816 = arith.extui %sign3A_815 : i1 to i32
      %sign3A_817 = arith.constant 0 : i32
      %sign3A_818 = arith.cmpi slt, %add3A_811, %sign3A_817 : i32
      %sign3A_819 = arith.extui %sign3A_818 : i1 to i32
      %sign3A_820 = arith.subi %sign3A_816, %sign3A_819 : i32
      %sign3A_821 = arith.constant 0 : i32
      %sign3A_822 = arith.cmpi sgt, %jit3A_812, %sign3A_821 : i32
      %sign3A_823 = arith.extui %sign3A_822 : i1 to i32
      %sign3A_824 = arith.constant 0 : i32
      %sign3A_825 = arith.cmpi slt, %jit3A_812, %sign3A_824 : i32
      %sign3A_826 = arith.extui %sign3A_825 : i1 to i32
      %sign3A_827 = arith.subi %sign3A_823, %sign3A_826 : i32
      %ne3A_828 = arith.cmpi ne, %sign3A_820, %sign3A_827 : i32
      %rem3A_829 = arith.remsi %add3A_811, %jit3A_812 : i32
      %ne3A_830 = arith.constant 0 : i32
      %ne3A_831 = arith.cmpi ne, %rem3A_829, %ne3A_830 : i32
      %and3A_832 = arith.andi %ne3A_828, %ne3A_831 : i1
      %sub3A_833 = arith.constant 1 : i32
      %sub3A_834 = arith.subi %div3A_813, %sub3A_833 : i32
      %select_n3A_835 = arith.select %and3A_832, %sub3A_834, %div3A_813 : i32
      %jit3A_836 = arith.constant 2 : i32
      %eq3A_837 = arith.constant 0 : i32
      %eq3A_838 = arith.cmpi eq, %jit3A_836, %eq3A_837 : i32
      %jit3A_839 = arith.constant 1 : i32
      %select_n3A_840 = arith.select %eq3A_838, %jit3A_839, %jit3A_836 : i32
      %rem3A_841 = arith.remsi %add3A_811, %select_n3A_840 : i32
      %ne3A_842 = arith.constant 0 : i32
      %ne3A_843 = arith.cmpi ne, %rem3A_841, %ne3A_842 : i32
      %lt3A_844 = arith.constant 0 : i32
      %lt3A_845 = arith.cmpi slt, %rem3A_841, %lt3A_844 : i32
      %lt3A_846 = arith.constant 0 : i32
      %lt3A_847 = arith.cmpi slt, %select_n3A_840, %lt3A_846 : i32
      %ne3A_848 = arith.xori %lt3A_845, %lt3A_847 : i1
      %and3A_849 = arith.andi %ne3A_848, %ne3A_843 : i1
      %add3A_850 = arith.addi %rem3A_841, %select_n3A_840 : i32
      %select_n3A_851 = arith.select %and3A_849, %add3A_850, %rem3A_841 : i32
      %mul3A_852 = arith.constant 64 : i32
      %mul3A_853 = arith.muli %select_n3A_851, %mul3A_852 : i32
      %dma_start3A_854 = arith.constant 1 : i32
      %dma_start3A_855 = arith.constant 0 : i32
      %dma_start3A_856 = arith.constant 0 : i32
      %dma_start3A_857 = tpu.memref_slice %arg6[%dma_start3A_854, %dma_start3A_855, %dma_start3A_856] : memref<10x64x128xf32, #tpu.memory_space<vmem>> -> memref<1x64x128xf32, #tpu.memory_space<vmem>>
      %dma_start3A_858 = tpu.memref_squeeze %dma_start3A_857 : memref<1x64x128xf32, #tpu.memory_space<vmem>> -> memref<64x128xf32, #tpu.memory_space<vmem>>
      %dma_start3A_859 = tpu.memref_slice %arg5[%select_n3A_835, %mul3A_853] : memref<50x128xi32, #tpu.memory_space<vmem>> -> memref<1x64xi32, #tpu.memory_space<vmem>>
      %dma_start3A_860 = tpu.memref_squeeze %dma_start3A_859 : memref<1x64xi32, #tpu.memory_space<vmem>> -> memref<64xi32, #tpu.memory_space<vmem>>
      %dma_start3A_861 = arith.constant 0 : i32
      %dma_start3A_862 = arith.constant 0 : i32
      %dma_start3A_863 = tpu.memref_slice %arg3[%dma_start3A_861, %dma_start3A_862] : memref<100000x128xf32, #tpu.memory_space<hbm>> -> memref<100000x128xf32, #tpu.memory_space<hbm>>
      tpu.enqueue_indirect_dma source(%dma_start3A_863 : memref<100000x128xf32, #tpu.memory_space<hbm>>) target(%dma_start3A_858 : memref<64x128xf32, #tpu.memory_space<vmem>>) offsets(%dma_start3A_860 : memref<64xi32, #tpu.memory_space<vmem>>) semaphore(%arg8 : memref<!tpu.dma_semaphore, #tpu.memory_space<semaphore_mem>>)
      %add3A_864 = arith.constant 2 : i32
      %add3A_865 = arith.addi %add3A_589, %add3A_864 : i32
      %dma_wait3A_866 = arith.constant 0 : i32
      %dma_wait3A_867 = arith.constant 5 : i32
      %dma_wait3A_868 = arith.constant 0 : i32
      %dma_wait3A_869 = arith.constant 0 : i32
      %dma_wait3A_870 = tpu.memref_slice %arg6[%dma_wait3A_867, %dma_wait3A_868, %dma_wait3A_869] : memref<10x64x128xf32, #tpu.memory_space<vmem>> -> memref<1x64x128xf32, #tpu.memory_space<vmem>>
      %dma_wait3A_871 = tpu.memref_squeeze %dma_wait3A_870 : memref<1x64x128xf32, #tpu.memory_space<vmem>> -> memref<64x128xf32, #tpu.memory_space<vmem>>
      %dma_wait3A_872 = arith.constant 0 : i32
      %dma_wait3A_873 = tpu.memref_slice %arg5[%dma_wait3A_866, %dma_wait3A_872] : memref<50x128xi32, #tpu.memory_space<vmem>> -> memref<1x64xi32, #tpu.memory_space<vmem>>
      %dma_wait3A_874 = tpu.memref_squeeze %dma_wait3A_873 : memref<1x64xi32, #tpu.memory_space<vmem>> -> memref<64xi32, #tpu.memory_space<vmem>>
      %dma_wait3A_875 = arith.constant 0 : i32
      %dma_wait3A_876 = arith.constant 0 : i32
      %dma_wait3A_877 = tpu.memref_slice %arg3[%dma_wait3A_875, %dma_wait3A_876] : memref<100000x128xf32, #tpu.memory_space<hbm>> -> memref<100000x128xf32, #tpu.memory_space<hbm>>
      tpu.wait_indirect_dma semaphore(%arg12 : memref<!tpu.dma_semaphore, #tpu.memory_space<semaphore_mem>>) src(%dma_wait3A_877 : memref<100000x128xf32, #tpu.memory_space<hbm>>) dst(%dma_wait3A_871 : memref<64x128xf32, #tpu.memory_space<vmem>>)
      %jit3A_878 = arith.constant 2 : i32
      %div3A_879 = arith.divsi %add3A_865, %jit3A_878 : i32
      %sign3A_880 = arith.constant 0 : i32
      %sign3A_881 = arith.cmpi sgt, %add3A_865, %sign3A_880 : i32
      %sign3A_882 = arith.extui %sign3A_881 : i1 to i32
      %sign3A_883 = arith.constant 0 : i32
      %sign3A_884 = arith.cmpi slt, %add3A_865, %sign3A_883 : i32
      %sign3A_885 = arith.extui %sign3A_884 : i1 to i32
      %sign3A_886 = arith.subi %sign3A_882, %sign3A_885 : i32
      %sign3A_887 = arith.constant 0 : i32
      %sign3A_888 = arith.cmpi sgt, %jit3A_878, %sign3A_887 : i32
      %sign3A_889 = arith.extui %sign3A_888 : i1 to i32
      %sign3A_890 = arith.constant 0 : i32
      %sign3A_891 = arith.cmpi slt, %jit3A_878, %sign3A_890 : i32
      %sign3A_892 = arith.extui %sign3A_891 : i1 to i32
      %sign3A_893 = arith.subi %sign3A_889, %sign3A_892 : i32
      %ne3A_894 = arith.cmpi ne, %sign3A_886, %sign3A_893 : i32
      %rem3A_895 = arith.remsi %add3A_865, %jit3A_878 : i32
      %ne3A_896 = arith.constant 0 : i32
      %ne3A_897 = arith.cmpi ne, %rem3A_895, %ne3A_896 : i32
      %and3A_898 = arith.andi %ne3A_894, %ne3A_897 : i1
      %sub3A_899 = arith.constant 1 : i32
      %sub3A_900 = arith.subi %div3A_879, %sub3A_899 : i32
      %select_n3A_901 = arith.select %and3A_898, %sub3A_900, %div3A_879 : i32
      %jit3A_902 = arith.constant 2 : i32
      %eq3A_903 = arith.constant 0 : i32
      %eq3A_904 = arith.cmpi eq, %jit3A_902, %eq3A_903 : i32
      %jit3A_905 = arith.constant 1 : i32
      %select_n3A_906 = arith.select %eq3A_904, %jit3A_905, %jit3A_902 : i32
      %rem3A_907 = arith.remsi %add3A_865, %select_n3A_906 : i32
      %ne3A_908 = arith.constant 0 : i32
      %ne3A_909 = arith.cmpi ne, %rem3A_907, %ne3A_908 : i32
      %lt3A_910 = arith.constant 0 : i32
      %lt3A_911 = arith.cmpi slt, %rem3A_907, %lt3A_910 : i32
      %lt3A_912 = arith.constant 0 : i32
      %lt3A_913 = arith.cmpi slt, %select_n3A_906, %lt3A_912 : i32
      %ne3A_914 = arith.xori %lt3A_911, %lt3A_913 : i1
      %and3A_915 = arith.andi %ne3A_914, %ne3A_909 : i1
      %add3A_916 = arith.addi %rem3A_907, %select_n3A_906 : i32
      %select_n3A_917 = arith.select %and3A_915, %add3A_916, %rem3A_907 : i32
      %mul3A_918 = arith.constant 64 : i32
      %mul3A_919 = arith.muli %select_n3A_917, %mul3A_918 : i32
      %add3A_920 = arith.addi %mul3A_2, %mul3A_919 : i32
      %dma_start3A_921 = arith.constant 5 : i32
      %dma_start3A_922 = arith.constant 0 : i32
      %dma_start3A_923 = arith.constant 0 : i32
      %dma_start3A_924 = tpu.memref_slice %arg6[%dma_start3A_921, %dma_start3A_922, %dma_start3A_923] : memref<10x64x128xf32, #tpu.memory_space<vmem>> -> memref<1x64x128xf32, #tpu.memory_space<vmem>>
      %dma_start3A_925 = tpu.memref_squeeze %dma_start3A_924 : memref<1x64x128xf32, #tpu.memory_space<vmem>> -> memref<64x128xf32, #tpu.memory_space<vmem>>
      %dma_start3A_926 = arith.constant 0 : i32
      %dma_start3A_927 = tpu.memref_slice %arg4[%select_n3A_901, %add3A_920, %dma_start3A_926] : memref<50x4096x128xf32, #tpu.memory_space<hbm>> -> memref<1x64x128xf32, #tpu.memory_space<hbm>>
      %dma_start3A_928 = tpu.memref_squeeze %dma_start3A_927 : memref<1x64x128xf32, #tpu.memory_space<hbm>> -> memref<64x128xf32, #tpu.memory_space<hbm>>
      %dma_start3A_929 = arith.constant 0 : i32
      %dma_start3A_930 = tpu.memref_slice %arg4[%select_n3A_901, %add3A_920, %dma_start3A_929] : memref<50x4096x128xf32, #tpu.memory_space<hbm>> -> memref<1x64x128xf32, #tpu.memory_space<hbm>>
      %dma_start3A_931 = tpu.memref_squeeze %dma_start3A_930 : memref<1x64x128xf32, #tpu.memory_space<hbm>> -> memref<64x128xf32, #tpu.memory_space<hbm>>
      %dma_start3A_932 = arith.constant 0 : i32
      %dma_start3A_933 = arith.constant 0 : i32
      %dma_start3A_934 = tpu.memref_slice %arg6[%dma_start3A_921, %dma_start3A_932, %dma_start3A_933] : memref<10x64x128xf32, #tpu.memory_space<vmem>> -> memref<1x64x128xf32, #tpu.memory_space<vmem>>
      %dma_start3A_935 = tpu.memref_squeeze %dma_start3A_934 : memref<1x64x128xf32, #tpu.memory_space<vmem>> -> memref<64x128xf32, #tpu.memory_space<vmem>>
      tpu.enqueue_dma source(%dma_start3A_935 : memref<64x128xf32, #tpu.memory_space<vmem>>) target(%dma_start3A_931 : memref<64x128xf32, #tpu.memory_space<hbm>>) target_semaphore(%arg22 : memref<!tpu.dma_semaphore, #tpu.memory_space<semaphore_mem>>)
      %dma_wait3A_936 = arith.constant 2 : i32
      %dma_wait3A_937 = arith.constant 0 : i32
      %dma_wait3A_938 = arith.constant 0 : i32
      %dma_wait3A_939 = arith.constant 0 : i32
      %dma_wait3A_940 = tpu.memref_slice %arg6[%dma_wait3A_936, %dma_wait3A_938, %dma_wait3A_939] : memref<10x64x128xf32, #tpu.memory_space<vmem>> -> memref<1x64x128xf32, #tpu.memory_space<vmem>>
      %dma_wait3A_941 = tpu.memref_squeeze %dma_wait3A_940 : memref<1x64x128xf32, #tpu.memory_space<vmem>> -> memref<64x128xf32, #tpu.memory_space<vmem>>
      %dma_wait3A_942 = arith.constant 0 : i32
      %dma_wait3A_943 = tpu.memref_slice %arg4[%dma_wait3A_937, %mul3A_2, %dma_wait3A_942] : memref<50x4096x128xf32, #tpu.memory_space<hbm>> -> memref<1x64x128xf32, #tpu.memory_space<hbm>>
      %dma_wait3A_944 = tpu.memref_squeeze %dma_wait3A_943 : memref<1x64x128xf32, #tpu.memory_space<hbm>> -> memref<64x128xf32, #tpu.memory_space<hbm>>
      %dma_wait3A_945 = arith.constant 0 : i32
      %dma_wait3A_946 = tpu.memref_slice %arg4[%dma_wait3A_937, %mul3A_2, %dma_wait3A_945] : memref<50x4096x128xf32, #tpu.memory_space<hbm>> -> memref<1x64x128xf32, #tpu.memory_space<hbm>>
      %dma_wait3A_947 = tpu.memref_squeeze %dma_wait3A_946 : memref<1x64x128xf32, #tpu.memory_space<hbm>> -> memref<64x128xf32, #tpu.memory_space<hbm>>
      %dma_wait3A_948 = arith.constant 0 : i32
      %dma_wait3A_949 = arith.constant 0 : i32
      %dma_wait3A_950 = tpu.memref_slice %arg6[%dma_wait3A_936, %dma_wait3A_948, %dma_wait3A_949] : memref<10x64x128xf32, #tpu.memory_space<vmem>> -> memref<1x64x128xf32, #tpu.memory_space<vmem>>
      %dma_wait3A_951 = tpu.memref_squeeze %dma_wait3A_950 : memref<1x64x128xf32, #tpu.memory_space<vmem>> -> memref<64x128xf32, #tpu.memory_space<vmem>>
      tpu.wait_dma2 semaphore(%arg19 : memref<!tpu.dma_semaphore, #tpu.memory_space<semaphore_mem>>) src(%dma_wait3A_951 : memref<64x128xf32, #tpu.memory_space<vmem>>) dst(%dma_wait3A_947 : memref<64x128xf32, #tpu.memory_space<hbm>>)
      %add3A_952 = arith.constant 7 : i32
      %add3A_953 = arith.addi %add3A_865, %add3A_952 : i32
      %jit3A_954 = arith.constant 2 : i32
      %div3A_955 = arith.divsi %add3A_953, %jit3A_954 : i32
      %sign3A_956 = arith.constant 0 : i32
      %sign3A_957 = arith.cmpi sgt, %add3A_953, %sign3A_956 : i32
      %sign3A_958 = arith.extui %sign3A_957 : i1 to i32
      %sign3A_959 = arith.constant 0 : i32
      %sign3A_960 = arith.cmpi slt, %add3A_953, %sign3A_959 : i32
      %sign3A_961 = arith.extui %sign3A_960 : i1 to i32
      %sign3A_962 = arith.subi %sign3A_958, %sign3A_961 : i32
      %sign3A_963 = arith.constant 0 : i32
      %sign3A_964 = arith.cmpi sgt, %jit3A_954, %sign3A_963 : i32
      %sign3A_965 = arith.extui %sign3A_964 : i1 to i32
      %sign3A_966 = arith.constant 0 : i32
      %sign3A_967 = arith.cmpi slt, %jit3A_954, %sign3A_966 : i32
      %sign3A_968 = arith.extui %sign3A_967 : i1 to i32
      %sign3A_969 = arith.subi %sign3A_965, %sign3A_968 : i32
      %ne3A_970 = arith.cmpi ne, %sign3A_962, %sign3A_969 : i32
      %rem3A_971 = arith.remsi %add3A_953, %jit3A_954 : i32
      %ne3A_972 = arith.constant 0 : i32
      %ne3A_973 = arith.cmpi ne, %rem3A_971, %ne3A_972 : i32
      %and3A_974 = arith.andi %ne3A_970, %ne3A_973 : i1
      %sub3A_975 = arith.constant 1 : i32
      %sub3A_976 = arith.subi %div3A_955, %sub3A_975 : i32
      %select_n3A_977 = arith.select %and3A_974, %sub3A_976, %div3A_955 : i32
      %jit3A_978 = arith.constant 2 : i32
      %eq3A_979 = arith.constant 0 : i32
      %eq3A_980 = arith.cmpi eq, %jit3A_978, %eq3A_979 : i32
      %jit3A_981 = arith.constant 1 : i32
      %select_n3A_982 = arith.select %eq3A_980, %jit3A_981, %jit3A_978 : i32
      %rem3A_983 = arith.remsi %add3A_953, %select_n3A_982 : i32
      %ne3A_984 = arith.constant 0 : i32
      %ne3A_985 = arith.cmpi ne, %rem3A_983, %ne3A_984 : i32
      %lt3A_986 = arith.constant 0 : i32
      %lt3A_987 = arith.cmpi slt, %rem3A_983, %lt3A_986 : i32
      %lt3A_988 = arith.constant 0 : i32
      %lt3A_989 = arith.cmpi slt, %select_n3A_982, %lt3A_988 : i32
      %ne3A_990 = arith.xori %lt3A_987, %lt3A_989 : i1
      %and3A_991 = arith.andi %ne3A_990, %ne3A_985 : i1
      %add3A_992 = arith.addi %rem3A_983, %select_n3A_982 : i32
      %select_n3A_993 = arith.select %and3A_991, %add3A_992, %rem3A_983 : i32
      %mul3A_994 = arith.constant 64 : i32
      %mul3A_995 = arith.muli %select_n3A_993, %mul3A_994 : i32
      %dma_start3A_996 = arith.constant 2 : i32
      %dma_start3A_997 = arith.constant 0 : i32
      %dma_start3A_998 = arith.constant 0 : i32
      %dma_start3A_999 = tpu.memref_slice %arg6[%dma_start3A_996, %dma_start3A_997, %dma_start3A_998] : memref<10x64x128xf32, #tpu.memory_space<vmem>> -> memref<1x64x128xf32, #tpu.memory_space<vmem>>
      %dma_start3A_1000 = tpu.memref_squeeze %dma_start3A_999 : memref<1x64x128xf32, #tpu.memory_space<vmem>> -> memref<64x128xf32, #tpu.memory_space<vmem>>
      %dma_start3A_1001 = tpu.memref_slice %arg5[%select_n3A_977, %mul3A_995] : memref<50x128xi32, #tpu.memory_space<vmem>> -> memref<1x64xi32, #tpu.memory_space<vmem>>
      %dma_start3A_1002 = tpu.memref_squeeze %dma_start3A_1001 : memref<1x64xi32, #tpu.memory_space<vmem>> -> memref<64xi32, #tpu.memory_space<vmem>>
      %dma_start3A_1003 = arith.constant 0 : i32
      %dma_start3A_1004 = arith.constant 0 : i32
      %dma_start3A_1005 = tpu.memref_slice %arg3[%dma_start3A_1003, %dma_start3A_1004] : memref<100000x128xf32, #tpu.memory_space<hbm>> -> memref<100000x128xf32, #tpu.memory_space<hbm>>
      tpu.enqueue_indirect_dma source(%dma_start3A_1005 : memref<100000x128xf32, #tpu.memory_space<hbm>>) target(%dma_start3A_1000 : memref<64x128xf32, #tpu.memory_space<vmem>>) offsets(%dma_start3A_1002 : memref<64xi32, #tpu.memory_space<vmem>>) semaphore(%arg9 : memref<!tpu.dma_semaphore, #tpu.memory_space<semaphore_mem>>)
      %add3A_1006 = arith.constant 3 : i32
      %add3A_1007 = arith.addi %add3A_589, %add3A_1006 : i32
      %dma_wait3A_1008 = arith.constant 0 : i32
      %dma_wait3A_1009 = arith.constant 6 : i32
      %dma_wait3A_1010 = arith.constant 0 : i32
      %dma_wait3A_1011 = arith.constant 0 : i32
      %dma_wait3A_1012 = tpu.memref_slice %arg6[%dma_wait3A_1009, %dma_wait3A_1010, %dma_wait3A_1011] : memref<10x64x128xf32, #tpu.memory_space<vmem>> -> memref<1x64x128xf32, #tpu.memory_space<vmem>>
      %dma_wait3A_1013 = tpu.memref_squeeze %dma_wait3A_1012 : memref<1x64x128xf32, #tpu.memory_space<vmem>> -> memref<64x128xf32, #tpu.memory_space<vmem>>
      %dma_wait3A_1014 = arith.constant 0 : i32
      %dma_wait3A_1015 = tpu.memref_slice %arg5[%dma_wait3A_1008, %dma_wait3A_1014] : memref<50x128xi32, #tpu.memory_space<vmem>> -> memref<1x64xi32, #tpu.memory_space<vmem>>
      %dma_wait3A_1016 = tpu.memref_squeeze %dma_wait3A_1015 : memref<1x64xi32, #tpu.memory_space<vmem>> -> memref<64xi32, #tpu.memory_space<vmem>>
      %dma_wait3A_1017 = arith.constant 0 : i32
      %dma_wait3A_1018 = arith.constant 0 : i32
      %dma_wait3A_1019 = tpu.memref_slice %arg3[%dma_wait3A_1017, %dma_wait3A_1018] : memref<100000x128xf32, #tpu.memory_space<hbm>> -> memref<100000x128xf32, #tpu.memory_space<hbm>>
      tpu.wait_indirect_dma semaphore(%arg13 : memref<!tpu.dma_semaphore, #tpu.memory_space<semaphore_mem>>) src(%dma_wait3A_1019 : memref<100000x128xf32, #tpu.memory_space<hbm>>) dst(%dma_wait3A_1013 : memref<64x128xf32, #tpu.memory_space<vmem>>)
      %jit3A_1020 = arith.constant 2 : i32
      %div3A_1021 = arith.divsi %add3A_1007, %jit3A_1020 : i32
      %sign3A_1022 = arith.constant 0 : i32
      %sign3A_1023 = arith.cmpi sgt, %add3A_1007, %sign3A_1022 : i32
      %sign3A_1024 = arith.extui %sign3A_1023 : i1 to i32
      %sign3A_1025 = arith.constant 0 : i32
      %sign3A_1026 = arith.cmpi slt, %add3A_1007, %sign3A_1025 : i32
      %sign3A_1027 = arith.extui %sign3A_1026 : i1 to i32
      %sign3A_1028 = arith.subi %sign3A_1024, %sign3A_1027 : i32
      %sign3A_1029 = arith.constant 0 : i32
      %sign3A_1030 = arith.cmpi sgt, %jit3A_1020, %sign3A_1029 : i32
      %sign3A_1031 = arith.extui %sign3A_1030 : i1 to i32
      %sign3A_1032 = arith.constant 0 : i32
      %sign3A_1033 = arith.cmpi slt, %jit3A_1020, %sign3A_1032 : i32
      %sign3A_1034 = arith.extui %sign3A_1033 : i1 to i32
      %sign3A_1035 = arith.subi %sign3A_1031, %sign3A_1034 : i32
      %ne3A_1036 = arith.cmpi ne, %sign3A_1028, %sign3A_1035 : i32
      %rem3A_1037 = arith.remsi %add3A_1007, %jit3A_1020 : i32
      %ne3A_1038 = arith.constant 0 : i32
      %ne3A_1039 = arith.cmpi ne, %rem3A_1037, %ne3A_1038 : i32
      %and3A_1040 = arith.andi %ne3A_1036, %ne3A_1039 : i1
      %sub3A_1041 = arith.constant 1 : i32
      %sub3A_1042 = arith.subi %div3A_1021, %sub3A_1041 : i32
      %select_n3A_1043 = arith.select %and3A_1040, %sub3A_1042, %div3A_1021 : i32
      %jit3A_1044 = arith.constant 2 : i32
      %eq3A_1045 = arith.constant 0 : i32
      %eq3A_1046 = arith.cmpi eq, %jit3A_1044, %eq3A_1045 : i32
      %jit3A_1047 = arith.constant 1 : i32
      %select_n3A_1048 = arith.select %eq3A_1046, %jit3A_1047, %jit3A_1044 : i32
      %rem3A_1049 = arith.remsi %add3A_1007, %select_n3A_1048 : i32
      %ne3A_1050 = arith.constant 0 : i32
      %ne3A_1051 = arith.cmpi ne, %rem3A_1049, %ne3A_1050 : i32
      %lt3A_1052 = arith.constant 0 : i32
      %lt3A_1053 = arith.cmpi slt, %rem3A_1049, %lt3A_1052 : i32
      %lt3A_1054 = arith.constant 0 : i32
      %lt3A_1055 = arith.cmpi slt, %select_n3A_1048, %lt3A_1054 : i32
      %ne3A_1056 = arith.xori %lt3A_1053, %lt3A_1055 : i1
      %and3A_1057 = arith.andi %ne3A_1056, %ne3A_1051 : i1
      %add3A_1058 = arith.addi %rem3A_1049, %select_n3A_1048 : i32
      %select_n3A_1059 = arith.select %and3A_1057, %add3A_1058, %rem3A_1049 : i32
      %mul3A_1060 = arith.constant 64 : i32
      %mul3A_1061 = arith.muli %select_n3A_1059, %mul3A_1060 : i32
      %add3A_1062 = arith.addi %mul3A_2, %mul3A_1061 : i32
      %dma_start3A_1063 = arith.constant 6 : i32
      %dma_start3A_1064 = arith.constant 0 : i32
      %dma_start3A_1065 = arith.constant 0 : i32
      %dma_start3A_1066 = tpu.memref_slice %arg6[%dma_start3A_1063, %dma_start3A_1064, %dma_start3A_1065] : memref<10x64x128xf32, #tpu.memory_space<vmem>> -> memref<1x64x128xf32, #tpu.memory_space<vmem>>
      %dma_start3A_1067 = tpu.memref_squeeze %dma_start3A_1066 : memref<1x64x128xf32, #tpu.memory_space<vmem>> -> memref<64x128xf32, #tpu.memory_space<vmem>>
      %dma_start3A_1068 = arith.constant 0 : i32
      %dma_start3A_1069 = tpu.memref_slice %arg4[%select_n3A_1043, %add3A_1062, %dma_start3A_1068] : memref<50x4096x128xf32, #tpu.memory_space<hbm>> -> memref<1x64x128xf32, #tpu.memory_space<hbm>>
      %dma_start3A_1070 = tpu.memref_squeeze %dma_start3A_1069 : memref<1x64x128xf32, #tpu.memory_space<hbm>> -> memref<64x128xf32, #tpu.memory_space<hbm>>
      %dma_start3A_1071 = arith.constant 0 : i32
      %dma_start3A_1072 = tpu.memref_slice %arg4[%select_n3A_1043, %add3A_1062, %dma_start3A_1071] : memref<50x4096x128xf32, #tpu.memory_space<hbm>> -> memref<1x64x128xf32, #tpu.memory_space<hbm>>
      %dma_start3A_1073 = tpu.memref_squeeze %dma_start3A_1072 : memref<1x64x128xf32, #tpu.memory_space<hbm>> -> memref<64x128xf32, #tpu.memory_space<hbm>>
      %dma_start3A_1074 = arith.constant 0 : i32
      %dma_start3A_1075 = arith.constant 0 : i32
      %dma_start3A_1076 = tpu.memref_slice %arg6[%dma_start3A_1063, %dma_start3A_1074, %dma_start3A_1075] : memref<10x64x128xf32, #tpu.memory_space<vmem>> -> memref<1x64x128xf32, #tpu.memory_space<vmem>>
      %dma_start3A_1077 = tpu.memref_squeeze %dma_start3A_1076 : memref<1x64x128xf32, #tpu.memory_space<vmem>> -> memref<64x128xf32, #tpu.memory_space<vmem>>
      tpu.enqueue_dma source(%dma_start3A_1077 : memref<64x128xf32, #tpu.memory_space<vmem>>) target(%dma_start3A_1073 : memref<64x128xf32, #tpu.memory_space<hbm>>) target_semaphore(%arg23 : memref<!tpu.dma_semaphore, #tpu.memory_space<semaphore_mem>>)
      %dma_wait3A_1078 = arith.constant 3 : i32
      %dma_wait3A_1079 = arith.constant 0 : i32
      %dma_wait3A_1080 = arith.constant 0 : i32
      %dma_wait3A_1081 = arith.constant 0 : i32
      %dma_wait3A_1082 = tpu.memref_slice %arg6[%dma_wait3A_1078, %dma_wait3A_1080, %dma_wait3A_1081] : memref<10x64x128xf32, #tpu.memory_space<vmem>> -> memref<1x64x128xf32, #tpu.memory_space<vmem>>
      %dma_wait3A_1083 = tpu.memref_squeeze %dma_wait3A_1082 : memref<1x64x128xf32, #tpu.memory_space<vmem>> -> memref<64x128xf32, #tpu.memory_space<vmem>>
      %dma_wait3A_1084 = arith.constant 0 : i32
      %dma_wait3A_1085 = tpu.memref_slice %arg4[%dma_wait3A_1079, %mul3A_2, %dma_wait3A_1084] : memref<50x4096x128xf32, #tpu.memory_space<hbm>> -> memref<1x64x128xf32, #tpu.memory_space<hbm>>
      %dma_wait3A_1086 = tpu.memref_squeeze %dma_wait3A_1085 : memref<1x64x128xf32, #tpu.memory_space<hbm>> -> memref<64x128xf32, #tpu.memory_space<hbm>>
      %dma_wait3A_1087 = arith.constant 0 : i32
      %dma_wait3A_1088 = tpu.memref_slice %arg4[%dma_wait3A_1079, %mul3A_2, %dma_wait3A_1087] : memref<50x4096x128xf32, #tpu.memory_space<hbm>> -> memref<1x64x128xf32, #tpu.memory_space<hbm>>
      %dma_wait3A_1089 = tpu.memref_squeeze %dma_wait3A_1088 : memref<1x64x128xf32, #tpu.memory_space<hbm>> -> memref<64x128xf32, #tpu.memory_space<hbm>>
      %dma_wait3A_1090 = arith.constant 0 : i32
      %dma_wait3A_1091 = arith.constant 0 : i32
      %dma_wait3A_1092 = tpu.memref_slice %arg6[%dma_wait3A_1078, %dma_wait3A_1090, %dma_wait3A_1091] : memref<10x64x128xf32, #tpu.memory_space<vmem>> -> memref<1x64x128xf32, #tpu.memory_space<vmem>>
      %dma_wait3A_1093 = tpu.memref_squeeze %dma_wait3A_1092 : memref<1x64x128xf32, #tpu.memory_space<vmem>> -> memref<64x128xf32, #tpu.memory_space<vmem>>
      tpu.wait_dma2 semaphore(%arg20 : memref<!tpu.dma_semaphore, #tpu.memory_space<semaphore_mem>>) src(%dma_wait3A_1093 : memref<64x128xf32, #tpu.memory_space<vmem>>) dst(%dma_wait3A_1089 : memref<64x128xf32, #tpu.memory_space<hbm>>)
      %add3A_1094 = arith.constant 7 : i32
      %add3A_1095 = arith.addi %add3A_1007, %add3A_1094 : i32
      %jit3A_1096 = arith.constant 2 : i32
      %div3A_1097 = arith.divsi %add3A_1095, %jit3A_1096 : i32
      %sign3A_1098 = arith.constant 0 : i32
      %sign3A_1099 = arith.cmpi sgt, %add3A_1095, %sign3A_1098 : i32
      %sign3A_1100 = arith.extui %sign3A_1099 : i1 to i32
      %sign3A_1101 = arith.constant 0 : i32
      %sign3A_1102 = arith.cmpi slt, %add3A_1095, %sign3A_1101 : i32
      %sign3A_1103 = arith.extui %sign3A_1102 : i1 to i32
      %sign3A_1104 = arith.subi %sign3A_1100, %sign3A_1103 : i32
      %sign3A_1105 = arith.constant 0 : i32
      %sign3A_1106 = arith.cmpi sgt, %jit3A_1096, %sign3A_1105 : i32
      %sign3A_1107 = arith.extui %sign3A_1106 : i1 to i32
      %sign3A_1108 = arith.constant 0 : i32
      %sign3A_1109 = arith.cmpi slt, %jit3A_1096, %sign3A_1108 : i32
      %sign3A_1110 = arith.extui %sign3A_1109 : i1 to i32
      %sign3A_1111 = arith.subi %sign3A_1107, %sign3A_1110 : i32
      %ne3A_1112 = arith.cmpi ne, %sign3A_1104, %sign3A_1111 : i32
      %rem3A_1113 = arith.remsi %add3A_1095, %jit3A_1096 : i32
      %ne3A_1114 = arith.constant 0 : i32
      %ne3A_1115 = arith.cmpi ne, %rem3A_1113, %ne3A_1114 : i32
      %and3A_1116 = arith.andi %ne3A_1112, %ne3A_1115 : i1
      %sub3A_1117 = arith.constant 1 : i32
      %sub3A_1118 = arith.subi %div3A_1097, %sub3A_1117 : i32
      %select_n3A_1119 = arith.select %and3A_1116, %sub3A_1118, %div3A_1097 : i32
      %jit3A_1120 = arith.constant 2 : i32
      %eq3A_1121 = arith.constant 0 : i32
      %eq3A_1122 = arith.cmpi eq, %jit3A_1120, %eq3A_1121 : i32
      %jit3A_1123 = arith.constant 1 : i32
      %select_n3A_1124 = arith.select %eq3A_1122, %jit3A_1123, %jit3A_1120 : i32
      %rem3A_1125 = arith.remsi %add3A_1095, %select_n3A_1124 : i32
      %ne3A_1126 = arith.constant 0 : i32
      %ne3A_1127 = arith.cmpi ne, %rem3A_1125, %ne3A_1126 : i32
      %lt3A_1128 = arith.constant 0 : i32
      %lt3A_1129 = arith.cmpi slt, %rem3A_1125, %lt3A_1128 : i32
      %lt3A_1130 = arith.constant 0 : i32
      %lt3A_1131 = arith.cmpi slt, %select_n3A_1124, %lt3A_1130 : i32
      %ne3A_1132 = arith.xori %lt3A_1129, %lt3A_1131 : i1
      %and3A_1133 = arith.andi %ne3A_1132, %ne3A_1127 : i1
      %add3A_1134 = arith.addi %rem3A_1125, %select_n3A_1124 : i32
      %select_n3A_1135 = arith.select %and3A_1133, %add3A_1134, %rem3A_1125 : i32
      %mul3A_1136 = arith.constant 64 : i32
      %mul3A_1137 = arith.muli %select_n3A_1135, %mul3A_1136 : i32
      %dma_start3A_1138 = arith.constant 3 : i32
      %dma_start3A_1139 = arith.constant 0 : i32
      %dma_start3A_1140 = arith.constant 0 : i32
      %dma_start3A_1141 = tpu.memref_slice %arg6[%dma_start3A_1138, %dma_start3A_1139, %dma_start3A_1140] : memref<10x64x128xf32, #tpu.memory_space<vmem>> -> memref<1x64x128xf32, #tpu.memory_space<vmem>>
      %dma_start3A_1142 = tpu.memref_squeeze %dma_start3A_1141 : memref<1x64x128xf32, #tpu.memory_space<vmem>> -> memref<64x128xf32, #tpu.memory_space<vmem>>
      %dma_start3A_1143 = tpu.memref_slice %arg5[%select_n3A_1119, %mul3A_1137] : memref<50x128xi32, #tpu.memory_space<vmem>> -> memref<1x64xi32, #tpu.memory_space<vmem>>
      %dma_start3A_1144 = tpu.memref_squeeze %dma_start3A_1143 : memref<1x64xi32, #tpu.memory_space<vmem>> -> memref<64xi32, #tpu.memory_space<vmem>>
      %dma_start3A_1145 = arith.constant 0 : i32
      %dma_start3A_1146 = arith.constant 0 : i32
      %dma_start3A_1147 = tpu.memref_slice %arg3[%dma_start3A_1145, %dma_start3A_1146] : memref<100000x128xf32, #tpu.memory_space<hbm>> -> memref<100000x128xf32, #tpu.memory_space<hbm>>
      tpu.enqueue_indirect_dma source(%dma_start3A_1147 : memref<100000x128xf32, #tpu.memory_space<hbm>>) target(%dma_start3A_1142 : memref<64x128xf32, #tpu.memory_space<vmem>>) offsets(%dma_start3A_1144 : memref<64xi32, #tpu.memory_space<vmem>>) semaphore(%arg10 : memref<!tpu.dma_semaphore, #tpu.memory_space<semaphore_mem>>)
      %add3A_1148 = arith.constant 4 : i32
      %add3A_1149 = arith.addi %add3A_589, %add3A_1148 : i32
      %dma_wait3A_1150 = arith.constant 0 : i32
      %dma_wait3A_1151 = arith.constant 7 : i32
      %dma_wait3A_1152 = arith.constant 0 : i32
      %dma_wait3A_1153 = arith.constant 0 : i32
      %dma_wait3A_1154 = tpu.memref_slice %arg6[%dma_wait3A_1151, %dma_wait3A_1152, %dma_wait3A_1153] : memref<10x64x128xf32, #tpu.memory_space<vmem>> -> memref<1x64x128xf32, #tpu.memory_space<vmem>>
      %dma_wait3A_1155 = tpu.memref_squeeze %dma_wait3A_1154 : memref<1x64x128xf32, #tpu.memory_space<vmem>> -> memref<64x128xf32, #tpu.memory_space<vmem>>
      %dma_wait3A_1156 = arith.constant 0 : i32
      %dma_wait3A_1157 = tpu.memref_slice %arg5[%dma_wait3A_1150, %dma_wait3A_1156] : memref<50x128xi32, #tpu.memory_space<vmem>> -> memref<1x64xi32, #tpu.memory_space<vmem>>
      %dma_wait3A_1158 = tpu.memref_squeeze %dma_wait3A_1157 : memref<1x64xi32, #tpu.memory_space<vmem>> -> memref<64xi32, #tpu.memory_space<vmem>>
      %dma_wait3A_1159 = arith.constant 0 : i32
      %dma_wait3A_1160 = arith.constant 0 : i32
      %dma_wait3A_1161 = tpu.memref_slice %arg3[%dma_wait3A_1159, %dma_wait3A_1160] : memref<100000x128xf32, #tpu.memory_space<hbm>> -> memref<100000x128xf32, #tpu.memory_space<hbm>>
      tpu.wait_indirect_dma semaphore(%arg14 : memref<!tpu.dma_semaphore, #tpu.memory_space<semaphore_mem>>) src(%dma_wait3A_1161 : memref<100000x128xf32, #tpu.memory_space<hbm>>) dst(%dma_wait3A_1155 : memref<64x128xf32, #tpu.memory_space<vmem>>)
      %jit3A_1162 = arith.constant 2 : i32
      %div3A_1163 = arith.divsi %add3A_1149, %jit3A_1162 : i32
      %sign3A_1164 = arith.constant 0 : i32
      %sign3A_1165 = arith.cmpi sgt, %add3A_1149, %sign3A_1164 : i32
      %sign3A_1166 = arith.extui %sign3A_1165 : i1 to i32
      %sign3A_1167 = arith.constant 0 : i32
      %sign3A_1168 = arith.cmpi slt, %add3A_1149, %sign3A_1167 : i32
      %sign3A_1169 = arith.extui %sign3A_1168 : i1 to i32
      %sign3A_1170 = arith.subi %sign3A_1166, %sign3A_1169 : i32
      %sign3A_1171 = arith.constant 0 : i32
      %sign3A_1172 = arith.cmpi sgt, %jit3A_1162, %sign3A_1171 : i32
      %sign3A_1173 = arith.extui %sign3A_1172 : i1 to i32
      %sign3A_1174 = arith.constant 0 : i32
      %sign3A_1175 = arith.cmpi slt, %jit3A_1162, %sign3A_1174 : i32
      %sign3A_1176 = arith.extui %sign3A_1175 : i1 to i32
      %sign3A_1177 = arith.subi %sign3A_1173, %sign3A_1176 : i32
      %ne3A_1178 = arith.cmpi ne, %sign3A_1170, %sign3A_1177 : i32
      %rem3A_1179 = arith.remsi %add3A_1149, %jit3A_1162 : i32
      %ne3A_1180 = arith.constant 0 : i32
      %ne3A_1181 = arith.cmpi ne, %rem3A_1179, %ne3A_1180 : i32
      %and3A_1182 = arith.andi %ne3A_1178, %ne3A_1181 : i1
      %sub3A_1183 = arith.constant 1 : i32
      %sub3A_1184 = arith.subi %div3A_1163, %sub3A_1183 : i32
      %select_n3A_1185 = arith.select %and3A_1182, %sub3A_1184, %div3A_1163 : i32
      %jit3A_1186 = arith.constant 2 : i32
      %eq3A_1187 = arith.constant 0 : i32
      %eq3A_1188 = arith.cmpi eq, %jit3A_1186, %eq3A_1187 : i32
      %jit3A_1189 = arith.constant 1 : i32
      %select_n3A_1190 = arith.select %eq3A_1188, %jit3A_1189, %jit3A_1186 : i32
      %rem3A_1191 = arith.remsi %add3A_1149, %select_n3A_1190 : i32
      %ne3A_1192 = arith.constant 0 : i32
      %ne3A_1193 = arith.cmpi ne, %rem3A_1191, %ne3A_1192 : i32
      %lt3A_1194 = arith.constant 0 : i32
      %lt3A_1195 = arith.cmpi slt, %rem3A_1191, %lt3A_1194 : i32
      %lt3A_1196 = arith.constant 0 : i32
      %lt3A_1197 = arith.cmpi slt, %select_n3A_1190, %lt3A_1196 : i32
      %ne3A_1198 = arith.xori %lt3A_1195, %lt3A_1197 : i1
      %and3A_1199 = arith.andi %ne3A_1198, %ne3A_1193 : i1
      %add3A_1200 = arith.addi %rem3A_1191, %select_n3A_1190 : i32
      %select_n3A_1201 = arith.select %and3A_1199, %add3A_1200, %rem3A_1191 : i32
      %mul3A_1202 = arith.constant 64 : i32
      %mul3A_1203 = arith.muli %select_n3A_1201, %mul3A_1202 : i32
      %add3A_1204 = arith.addi %mul3A_2, %mul3A_1203 : i32
      %dma_start3A_1205 = arith.constant 7 : i32
      %dma_start3A_1206 = arith.constant 0 : i32
      %dma_start3A_1207 = arith.constant 0 : i32
      %dma_start3A_1208 = tpu.memref_slice %arg6[%dma_start3A_1205, %dma_start3A_1206, %dma_start3A_1207] : memref<10x64x128xf32, #tpu.memory_space<vmem>> -> memref<1x64x128xf32, #tpu.memory_space<vmem>>
      %dma_start3A_1209 = tpu.memref_squeeze %dma_start3A_1208 : memref<1x64x128xf32, #tpu.memory_space<vmem>> -> memref<64x128xf32, #tpu.memory_space<vmem>>
      %dma_start3A_1210 = arith.constant 0 : i32
      %dma_start3A_1211 = tpu.memref_slice %arg4[%select_n3A_1185, %add3A_1204, %dma_start3A_1210] : memref<50x4096x128xf32, #tpu.memory_space<hbm>> -> memref<1x64x128xf32, #tpu.memory_space<hbm>>
      %dma_start3A_1212 = tpu.memref_squeeze %dma_start3A_1211 : memref<1x64x128xf32, #tpu.memory_space<hbm>> -> memref<64x128xf32, #tpu.memory_space<hbm>>
      %dma_start3A_1213 = arith.constant 0 : i32
      %dma_start3A_1214 = tpu.memref_slice %arg4[%select_n3A_1185, %add3A_1204, %dma_start3A_1213] : memref<50x4096x128xf32, #tpu.memory_space<hbm>> -> memref<1x64x128xf32, #tpu.memory_space<hbm>>
      %dma_start3A_1215 = tpu.memref_squeeze %dma_start3A_1214 : memref<1x64x128xf32, #tpu.memory_space<hbm>> -> memref<64x128xf32, #tpu.memory_space<hbm>>
      %dma_start3A_1216 = arith.constant 0 : i32
      %dma_start3A_1217 = arith.constant 0 : i32
      %dma_start3A_1218 = tpu.memref_slice %arg6[%dma_start3A_1205, %dma_start3A_1216, %dma_start3A_1217] : memref<10x64x128xf32, #tpu.memory_space<vmem>> -> memref<1x64x128xf32, #tpu.memory_space<vmem>>
      %dma_start3A_1219 = tpu.memref_squeeze %dma_start3A_1218 : memref<1x64x128xf32, #tpu.memory_space<vmem>> -> memref<64x128xf32, #tpu.memory_space<vmem>>
      tpu.enqueue_dma source(%dma_start3A_1219 : memref<64x128xf32, #tpu.memory_space<vmem>>) target(%dma_start3A_1215 : memref<64x128xf32, #tpu.memory_space<hbm>>) target_semaphore(%arg24 : memref<!tpu.dma_semaphore, #tpu.memory_space<semaphore_mem>>)
      %dma_wait3A_1220 = arith.constant 4 : i32
      %dma_wait3A_1221 = arith.constant 0 : i32
      %dma_wait3A_1222 = arith.constant 0 : i32
      %dma_wait3A_1223 = arith.constant 0 : i32
      %dma_wait3A_1224 = tpu.memref_slice %arg6[%dma_wait3A_1220, %dma_wait3A_1222, %dma_wait3A_1223] : memref<10x64x128xf32, #tpu.memory_space<vmem>> -> memref<1x64x128xf32, #tpu.memory_space<vmem>>
      %dma_wait3A_1225 = tpu.memref_squeeze %dma_wait3A_1224 : memref<1x64x128xf32, #tpu.memory_space<vmem>> -> memref<64x128xf32, #tpu.memory_space<vmem>>
      %dma_wait3A_1226 = arith.constant 0 : i32
      %dma_wait3A_1227 = tpu.memref_slice %arg4[%dma_wait3A_1221, %mul3A_2, %dma_wait3A_1226] : memref<50x4096x128xf32, #tpu.memory_space<hbm>> -> memref<1x64x128xf32, #tpu.memory_space<hbm>>
      %dma_wait3A_1228 = tpu.memref_squeeze %dma_wait3A_1227 : memref<1x64x128xf32, #tpu.memory_space<hbm>> -> memref<64x128xf32, #tpu.memory_space<hbm>>
      %dma_wait3A_1229 = arith.constant 0 : i32
      %dma_wait3A_1230 = tpu.memref_slice %arg4[%dma_wait3A_1221, %mul3A_2, %dma_wait3A_1229] : memref<50x4096x128xf32, #tpu.memory_space<hbm>> -> memref<1x64x128xf32, #tpu.memory_space<hbm>>
      %dma_wait3A_1231 = tpu.memref_squeeze %dma_wait3A_1230 : memref<1x64x128xf32, #tpu.memory_space<hbm>> -> memref<64x128xf32, #tpu.memory_space<hbm>>
      %dma_wait3A_1232 = arith.constant 0 : i32
      %dma_wait3A_1233 = arith.constant 0 : i32
      %dma_wait3A_1234 = tpu.memref_slice %arg6[%dma_wait3A_1220, %dma_wait3A_1232, %dma_wait3A_1233] : memref<10x64x128xf32, #tpu.memory_space<vmem>> -> memref<1x64x128xf32, #tpu.memory_space<vmem>>
      %dma_wait3A_1235 = tpu.memref_squeeze %dma_wait3A_1234 : memref<1x64x128xf32, #tpu.memory_space<vmem>> -> memref<64x128xf32, #tpu.memory_space<vmem>>
      tpu.wait_dma2 semaphore(%arg21 : memref<!tpu.dma_semaphore, #tpu.memory_space<semaphore_mem>>) src(%dma_wait3A_1235 : memref<64x128xf32, #tpu.memory_space<vmem>>) dst(%dma_wait3A_1231 : memref<64x128xf32, #tpu.memory_space<hbm>>)
      %add3A_1236 = arith.constant 7 : i32
      %add3A_1237 = arith.addi %add3A_1149, %add3A_1236 : i32
      %jit3A_1238 = arith.constant 2 : i32
      %div3A_1239 = arith.divsi %add3A_1237, %jit3A_1238 : i32
      %sign3A_1240 = arith.constant 0 : i32
      %sign3A_1241 = arith.cmpi sgt, %add3A_1237, %sign3A_1240 : i32
      %sign3A_1242 = arith.extui %sign3A_1241 : i1 to i32
      %sign3A_1243 = arith.constant 0 : i32
      %sign3A_1244 = arith.cmpi slt, %add3A_1237, %sign3A_1243 : i32
      %sign3A_1245 = arith.extui %sign3A_1244 : i1 to i32
      %sign3A_1246 = arith.subi %sign3A_1242, %sign3A_1245 : i32
      %sign3A_1247 = arith.constant 0 : i32
      %sign3A_1248 = arith.cmpi sgt, %jit3A_1238, %sign3A_1247 : i32
      %sign3A_1249 = arith.extui %sign3A_1248 : i1 to i32
      %sign3A_1250 = arith.constant 0 : i32
      %sign3A_1251 = arith.cmpi slt, %jit3A_1238, %sign3A_1250 : i32
      %sign3A_1252 = arith.extui %sign3A_1251 : i1 to i32
      %sign3A_1253 = arith.subi %sign3A_1249, %sign3A_1252 : i32
      %ne3A_1254 = arith.cmpi ne, %sign3A_1246, %sign3A_1253 : i32
      %rem3A_1255 = arith.remsi %add3A_1237, %jit3A_1238 : i32
      %ne3A_1256 = arith.constant 0 : i32
      %ne3A_1257 = arith.cmpi ne, %rem3A_1255, %ne3A_1256 : i32
      %and3A_1258 = arith.andi %ne3A_1254, %ne3A_1257 : i1
      %sub3A_1259 = arith.constant 1 : i32
      %sub3A_1260 = arith.subi %div3A_1239, %sub3A_1259 : i32
      %select_n3A_1261 = arith.select %and3A_1258, %sub3A_1260, %div3A_1239 : i32
      %jit3A_1262 = arith.constant 2 : i32
      %eq3A_1263 = arith.constant 0 : i32
      %eq3A_1264 = arith.cmpi eq, %jit3A_1262, %eq3A_1263 : i32
      %jit3A_1265 = arith.constant 1 : i32
      %select_n3A_1266 = arith.select %eq3A_1264, %jit3A_1265, %jit3A_1262 : i32
      %rem3A_1267 = arith.remsi %add3A_1237, %select_n3A_1266 : i32
      %ne3A_1268 = arith.constant 0 : i32
      %ne3A_1269 = arith.cmpi ne, %rem3A_1267, %ne3A_1268 : i32
      %lt3A_1270 = arith.constant 0 : i32
      %lt3A_1271 = arith.cmpi slt, %rem3A_1267, %lt3A_1270 : i32
      %lt3A_1272 = arith.constant 0 : i32
      %lt3A_1273 = arith.cmpi slt, %select_n3A_1266, %lt3A_1272 : i32
      %ne3A_1274 = arith.xori %lt3A_1271, %lt3A_1273 : i1
      %and3A_1275 = arith.andi %ne3A_1274, %ne3A_1269 : i1
      %add3A_1276 = arith.addi %rem3A_1267, %select_n3A_1266 : i32
      %select_n3A_1277 = arith.select %and3A_1275, %add3A_1276, %rem3A_1267 : i32
      %mul3A_1278 = arith.constant 64 : i32
      %mul3A_1279 = arith.muli %select_n3A_1277, %mul3A_1278 : i32
      %dma_start3A_1280 = arith.constant 4 : i32
      %dma_start3A_1281 = arith.constant 0 : i32
      %dma_start3A_1282 = arith.constant 0 : i32
      %dma_start3A_1283 = tpu.memref_slice %arg6[%dma_start3A_1280, %dma_start3A_1281, %dma_start3A_1282] : memref<10x64x128xf32, #tpu.memory_space<vmem>> -> memref<1x64x128xf32, #tpu.memory_space<vmem>>
      %dma_start3A_1284 = tpu.memref_squeeze %dma_start3A_1283 : memref<1x64x128xf32, #tpu.memory_space<vmem>> -> memref<64x128xf32, #tpu.memory_space<vmem>>
      %dma_start3A_1285 = tpu.memref_slice %arg5[%select_n3A_1261, %mul3A_1279] : memref<50x128xi32, #tpu.memory_space<vmem>> -> memref<1x64xi32, #tpu.memory_space<vmem>>
      %dma_start3A_1286 = tpu.memref_squeeze %dma_start3A_1285 : memref<1x64xi32, #tpu.memory_space<vmem>> -> memref<64xi32, #tpu.memory_space<vmem>>
      %dma_start3A_1287 = arith.constant 0 : i32
      %dma_start3A_1288 = arith.constant 0 : i32
      %dma_start3A_1289 = tpu.memref_slice %arg3[%dma_start3A_1287, %dma_start3A_1288] : memref<100000x128xf32, #tpu.memory_space<hbm>> -> memref<100000x128xf32, #tpu.memory_space<hbm>>
      tpu.enqueue_indirect_dma source(%dma_start3A_1289 : memref<100000x128xf32, #tpu.memory_space<hbm>>) target(%dma_start3A_1284 : memref<64x128xf32, #tpu.memory_space<vmem>>) offsets(%dma_start3A_1286 : memref<64xi32, #tpu.memory_space<vmem>>) semaphore(%arg11 : memref<!tpu.dma_semaphore, #tpu.memory_space<semaphore_mem>>)
      %add3A_1290 = arith.constant 5 : i32
      %add3A_1291 = arith.addi %add3A_589, %add3A_1290 : i32
      %dma_wait3A_1292 = arith.constant 0 : i32
      %dma_wait3A_1293 = arith.constant 8 : i32
      %dma_wait3A_1294 = arith.constant 0 : i32
      %dma_wait3A_1295 = arith.constant 0 : i32
      %dma_wait3A_1296 = tpu.memref_slice %arg6[%dma_wait3A_1293, %dma_wait3A_1294, %dma_wait3A_1295] : memref<10x64x128xf32, #tpu.memory_space<vmem>> -> memref<1x64x128xf32, #tpu.memory_space<vmem>>
      %dma_wait3A_1297 = tpu.memref_squeeze %dma_wait3A_1296 : memref<1x64x128xf32, #tpu.memory_space<vmem>> -> memref<64x128xf32, #tpu.memory_space<vmem>>
      %dma_wait3A_1298 = arith.constant 0 : i32
      %dma_wait3A_1299 = tpu.memref_slice %arg5[%dma_wait3A_1292, %dma_wait3A_1298] : memref<50x128xi32, #tpu.memory_space<vmem>> -> memref<1x64xi32, #tpu.memory_space<vmem>>
      %dma_wait3A_1300 = tpu.memref_squeeze %dma_wait3A_1299 : memref<1x64xi32, #tpu.memory_space<vmem>> -> memref<64xi32, #tpu.memory_space<vmem>>
      %dma_wait3A_1301 = arith.constant 0 : i32
      %dma_wait3A_1302 = arith.constant 0 : i32
      %dma_wait3A_1303 = tpu.memref_slice %arg3[%dma_wait3A_1301, %dma_wait3A_1302] : memref<100000x128xf32, #tpu.memory_space<hbm>> -> memref<100000x128xf32, #tpu.memory_space<hbm>>
      tpu.wait_indirect_dma semaphore(%arg15 : memref<!tpu.dma_semaphore, #tpu.memory_space<semaphore_mem>>) src(%dma_wait3A_1303 : memref<100000x128xf32, #tpu.memory_space<hbm>>) dst(%dma_wait3A_1297 : memref<64x128xf32, #tpu.memory_space<vmem>>)
      %jit3A_1304 = arith.constant 2 : i32
      %div3A_1305 = arith.divsi %add3A_1291, %jit3A_1304 : i32
      %sign3A_1306 = arith.constant 0 : i32
      %sign3A_1307 = arith.cmpi sgt, %add3A_1291, %sign3A_1306 : i32
      %sign3A_1308 = arith.extui %sign3A_1307 : i1 to i32
      %sign3A_1309 = arith.constant 0 : i32
      %sign3A_1310 = arith.cmpi slt, %add3A_1291, %sign3A_1309 : i32
      %sign3A_1311 = arith.extui %sign3A_1310 : i1 to i32
      %sign3A_1312 = arith.subi %sign3A_1308, %sign3A_1311 : i32
      %sign3A_1313 = arith.constant 0 : i32
      %sign3A_1314 = arith.cmpi sgt, %jit3A_1304, %sign3A_1313 : i32
      %sign3A_1315 = arith.extui %sign3A_1314 : i1 to i32
      %sign3A_1316 = arith.constant 0 : i32
      %sign3A_1317 = arith.cmpi slt, %jit3A_1304, %sign3A_1316 : i32
      %sign3A_1318 = arith.extui %sign3A_1317 : i1 to i32
      %sign3A_1319 = arith.subi %sign3A_1315, %sign3A_1318 : i32
      %ne3A_1320 = arith.cmpi ne, %sign3A_1312, %sign3A_1319 : i32
      %rem3A_1321 = arith.remsi %add3A_1291, %jit3A_1304 : i32
      %ne3A_1322 = arith.constant 0 : i32
      %ne3A_1323 = arith.cmpi ne, %rem3A_1321, %ne3A_1322 : i32
      %and3A_1324 = arith.andi %ne3A_1320, %ne3A_1323 : i1
      %sub3A_1325 = arith.constant 1 : i32
      %sub3A_1326 = arith.subi %div3A_1305, %sub3A_1325 : i32
      %select_n3A_1327 = arith.select %and3A_1324, %sub3A_1326, %div3A_1305 : i32
      %jit3A_1328 = arith.constant 2 : i32
      %eq3A_1329 = arith.constant 0 : i32
      %eq3A_1330 = arith.cmpi eq, %jit3A_1328, %eq3A_1329 : i32
      %jit3A_1331 = arith.constant 1 : i32
      %select_n3A_1332 = arith.select %eq3A_1330, %jit3A_1331, %jit3A_1328 : i32
      %rem3A_1333 = arith.remsi %add3A_1291, %select_n3A_1332 : i32
      %ne3A_1334 = arith.constant 0 : i32
      %ne3A_1335 = arith.cmpi ne, %rem3A_1333, %ne3A_1334 : i32
      %lt3A_1336 = arith.constant 0 : i32
      %lt3A_1337 = arith.cmpi slt, %rem3A_1333, %lt3A_1336 : i32
      %lt3A_1338 = arith.constant 0 : i32
      %lt3A_1339 = arith.cmpi slt, %select_n3A_1332, %lt3A_1338 : i32
      %ne3A_1340 = arith.xori %lt3A_1337, %lt3A_1339 : i1
      %and3A_1341 = arith.andi %ne3A_1340, %ne3A_1335 : i1
      %add3A_1342 = arith.addi %rem3A_1333, %select_n3A_1332 : i32
      %select_n3A_1343 = arith.select %and3A_1341, %add3A_1342, %rem3A_1333 : i32
      %mul3A_1344 = arith.constant 64 : i32
      %mul3A_1345 = arith.muli %select_n3A_1343, %mul3A_1344 : i32
      %add3A_1346 = arith.addi %mul3A_2, %mul3A_1345 : i32
      %dma_start3A_1347 = arith.constant 8 : i32
      %dma_start3A_1348 = arith.constant 0 : i32
      %dma_start3A_1349 = arith.constant 0 : i32
      %dma_start3A_1350 = tpu.memref_slice %arg6[%dma_start3A_1347, %dma_start3A_1348, %dma_start3A_1349] : memref<10x64x128xf32, #tpu.memory_space<vmem>> -> memref<1x64x128xf32, #tpu.memory_space<vmem>>
      %dma_start3A_1351 = tpu.memref_squeeze %dma_start3A_1350 : memref<1x64x128xf32, #tpu.memory_space<vmem>> -> memref<64x128xf32, #tpu.memory_space<vmem>>
      %dma_start3A_1352 = arith.constant 0 : i32
      %dma_start3A_1353 = tpu.memref_slice %arg4[%select_n3A_1327, %add3A_1346, %dma_start3A_1352] : memref<50x4096x128xf32, #tpu.memory_space<hbm>> -> memref<1x64x128xf32, #tpu.memory_space<hbm>>
      %dma_start3A_1354 = tpu.memref_squeeze %dma_start3A_1353 : memref<1x64x128xf32, #tpu.memory_space<hbm>> -> memref<64x128xf32, #tpu.memory_space<hbm>>
      %dma_start3A_1355 = arith.constant 0 : i32
      %dma_start3A_1356 = tpu.memref_slice %arg4[%select_n3A_1327, %add3A_1346, %dma_start3A_1355] : memref<50x4096x128xf32, #tpu.memory_space<hbm>> -> memref<1x64x128xf32, #tpu.memory_space<hbm>>
      %dma_start3A_1357 = tpu.memref_squeeze %dma_start3A_1356 : memref<1x64x128xf32, #tpu.memory_space<hbm>> -> memref<64x128xf32, #tpu.memory_space<hbm>>
      %dma_start3A_1358 = arith.constant 0 : i32
      %dma_start3A_1359 = arith.constant 0 : i32
      %dma_start3A_1360 = tpu.memref_slice %arg6[%dma_start3A_1347, %dma_start3A_1358, %dma_start3A_1359] : memref<10x64x128xf32, #tpu.memory_space<vmem>> -> memref<1x64x128xf32, #tpu.memory_space<vmem>>
      %dma_start3A_1361 = tpu.memref_squeeze %dma_start3A_1360 : memref<1x64x128xf32, #tpu.memory_space<vmem>> -> memref<64x128xf32, #tpu.memory_space<vmem>>
      tpu.enqueue_dma source(%dma_start3A_1361 : memref<64x128xf32, #tpu.memory_space<vmem>>) target(%dma_start3A_1357 : memref<64x128xf32, #tpu.memory_space<hbm>>) target_semaphore(%arg25 : memref<!tpu.dma_semaphore, #tpu.memory_space<semaphore_mem>>)
      %dma_wait3A_1362 = arith.constant 5 : i32
      %dma_wait3A_1363 = arith.constant 0 : i32
      %dma_wait3A_1364 = arith.constant 0 : i32
      %dma_wait3A_1365 = arith.constant 0 : i32
      %dma_wait3A_1366 = tpu.memref_slice %arg6[%dma_wait3A_1362, %dma_wait3A_1364, %dma_wait3A_1365] : memref<10x64x128xf32, #tpu.memory_space<vmem>> -> memref<1x64x128xf32, #tpu.memory_space<vmem>>
      %dma_wait3A_1367 = tpu.memref_squeeze %dma_wait3A_1366 : memref<1x64x128xf32, #tpu.memory_space<vmem>> -> memref<64x128xf32, #tpu.memory_space<vmem>>
      %dma_wait3A_1368 = arith.constant 0 : i32
      %dma_wait3A_1369 = tpu.memref_slice %arg4[%dma_wait3A_1363, %mul3A_2, %dma_wait3A_1368] : memref<50x4096x128xf32, #tpu.memory_space<hbm>> -> memref<1x64x128xf32, #tpu.memory_space<hbm>>
      %dma_wait3A_1370 = tpu.memref_squeeze %dma_wait3A_1369 : memref<1x64x128xf32, #tpu.memory_space<hbm>> -> memref<64x128xf32, #tpu.memory_space<hbm>>
      %dma_wait3A_1371 = arith.constant 0 : i32
      %dma_wait3A_1372 = tpu.memref_slice %arg4[%dma_wait3A_1363, %mul3A_2, %dma_wait3A_1371] : memref<50x4096x128xf32, #tpu.memory_space<hbm>> -> memref<1x64x128xf32, #tpu.memory_space<hbm>>
      %dma_wait3A_1373 = tpu.memref_squeeze %dma_wait3A_1372 : memref<1x64x128xf32, #tpu.memory_space<hbm>> -> memref<64x128xf32, #tpu.memory_space<hbm>>
      %dma_wait3A_1374 = arith.constant 0 : i32
      %dma_wait3A_1375 = arith.constant 0 : i32
      %dma_wait3A_1376 = tpu.memref_slice %arg6[%dma_wait3A_1362, %dma_wait3A_1374, %dma_wait3A_1375] : memref<10x64x128xf32, #tpu.memory_space<vmem>> -> memref<1x64x128xf32, #tpu.memory_space<vmem>>
      %dma_wait3A_1377 = tpu.memref_squeeze %dma_wait3A_1376 : memref<1x64x128xf32, #tpu.memory_space<vmem>> -> memref<64x128xf32, #tpu.memory_space<vmem>>
      tpu.wait_dma2 semaphore(%arg22 : memref<!tpu.dma_semaphore, #tpu.memory_space<semaphore_mem>>) src(%dma_wait3A_1377 : memref<64x128xf32, #tpu.memory_space<vmem>>) dst(%dma_wait3A_1373 : memref<64x128xf32, #tpu.memory_space<hbm>>)
      %add3A_1378 = arith.constant 7 : i32
      %add3A_1379 = arith.addi %add3A_1291, %add3A_1378 : i32
      %jit3A_1380 = arith.constant 2 : i32
      %div3A_1381 = arith.divsi %add3A_1379, %jit3A_1380 : i32
      %sign3A_1382 = arith.constant 0 : i32
      %sign3A_1383 = arith.cmpi sgt, %add3A_1379, %sign3A_1382 : i32
      %sign3A_1384 = arith.extui %sign3A_1383 : i1 to i32
      %sign3A_1385 = arith.constant 0 : i32
      %sign3A_1386 = arith.cmpi slt, %add3A_1379, %sign3A_1385 : i32
      %sign3A_1387 = arith.extui %sign3A_1386 : i1 to i32
      %sign3A_1388 = arith.subi %sign3A_1384, %sign3A_1387 : i32
      %sign3A_1389 = arith.constant 0 : i32
      %sign3A_1390 = arith.cmpi sgt, %jit3A_1380, %sign3A_1389 : i32
      %sign3A_1391 = arith.extui %sign3A_1390 : i1 to i32
      %sign3A_1392 = arith.constant 0 : i32
      %sign3A_1393 = arith.cmpi slt, %jit3A_1380, %sign3A_1392 : i32
      %sign3A_1394 = arith.extui %sign3A_1393 : i1 to i32
      %sign3A_1395 = arith.subi %sign3A_1391, %sign3A_1394 : i32
      %ne3A_1396 = arith.cmpi ne, %sign3A_1388, %sign3A_1395 : i32
      %rem3A_1397 = arith.remsi %add3A_1379, %jit3A_1380 : i32
      %ne3A_1398 = arith.constant 0 : i32
      %ne3A_1399 = arith.cmpi ne, %rem3A_1397, %ne3A_1398 : i32
      %and3A_1400 = arith.andi %ne3A_1396, %ne3A_1399 : i1
      %sub3A_1401 = arith.constant 1 : i32
      %sub3A_1402 = arith.subi %div3A_1381, %sub3A_1401 : i32
      %select_n3A_1403 = arith.select %and3A_1400, %sub3A_1402, %div3A_1381 : i32
      %jit3A_1404 = arith.constant 2 : i32
      %eq3A_1405 = arith.constant 0 : i32
      %eq3A_1406 = arith.cmpi eq, %jit3A_1404, %eq3A_1405 : i32
      %jit3A_1407 = arith.constant 1 : i32
      %select_n3A_1408 = arith.select %eq3A_1406, %jit3A_1407, %jit3A_1404 : i32
      %rem3A_1409 = arith.remsi %add3A_1379, %select_n3A_1408 : i32
      %ne3A_1410 = arith.constant 0 : i32
      %ne3A_1411 = arith.cmpi ne, %rem3A_1409, %ne3A_1410 : i32
      %lt3A_1412 = arith.constant 0 : i32
      %lt3A_1413 = arith.cmpi slt, %rem3A_1409, %lt3A_1412 : i32
      %lt3A_1414 = arith.constant 0 : i32
      %lt3A_1415 = arith.cmpi slt, %select_n3A_1408, %lt3A_1414 : i32
      %ne3A_1416 = arith.xori %lt3A_1413, %lt3A_1415 : i1
      %and3A_1417 = arith.andi %ne3A_1416, %ne3A_1411 : i1
      %add3A_1418 = arith.addi %rem3A_1409, %select_n3A_1408 : i32
      %select_n3A_1419 = arith.select %and3A_1417, %add3A_1418, %rem3A_1409 : i32
      %mul3A_1420 = arith.constant 64 : i32
      %mul3A_1421 = arith.muli %select_n3A_1419, %mul3A_1420 : i32
      %dma_start3A_1422 = arith.constant 5 : i32
      %dma_start3A_1423 = arith.constant 0 : i32
      %dma_start3A_1424 = arith.constant 0 : i32
      %dma_start3A_1425 = tpu.memref_slice %arg6[%dma_start3A_1422, %dma_start3A_1423, %dma_start3A_1424] : memref<10x64x128xf32, #tpu.memory_space<vmem>> -> memref<1x64x128xf32, #tpu.memory_space<vmem>>
      %dma_start3A_1426 = tpu.memref_squeeze %dma_start3A_1425 : memref<1x64x128xf32, #tpu.memory_space<vmem>> -> memref<64x128xf32, #tpu.memory_space<vmem>>
      %dma_start3A_1427 = tpu.memref_slice %arg5[%select_n3A_1403, %mul3A_1421] : memref<50x128xi32, #tpu.memory_space<vmem>> -> memref<1x64xi32, #tpu.memory_space<vmem>>
      %dma_start3A_1428 = tpu.memref_squeeze %dma_start3A_1427 : memref<1x64xi32, #tpu.memory_space<vmem>> -> memref<64xi32, #tpu.memory_space<vmem>>
      %dma_start3A_1429 = arith.constant 0 : i32
      %dma_start3A_1430 = arith.constant 0 : i32
      %dma_start3A_1431 = tpu.memref_slice %arg3[%dma_start3A_1429, %dma_start3A_1430] : memref<100000x128xf32, #tpu.memory_space<hbm>> -> memref<100000x128xf32, #tpu.memory_space<hbm>>
      tpu.enqueue_indirect_dma source(%dma_start3A_1431 : memref<100000x128xf32, #tpu.memory_space<hbm>>) target(%dma_start3A_1426 : memref<64x128xf32, #tpu.memory_space<vmem>>) offsets(%dma_start3A_1428 : memref<64xi32, #tpu.memory_space<vmem>>) semaphore(%arg12 : memref<!tpu.dma_semaphore, #tpu.memory_space<semaphore_mem>>)
      %add3A_1432 = arith.constant 6 : i32
      %add3A_1433 = arith.addi %add3A_589, %add3A_1432 : i32
      %dma_wait3A_1434 = arith.constant 0 : i32
      %dma_wait3A_1435 = arith.constant 9 : i32
      %dma_wait3A_1436 = arith.constant 0 : i32
      %dma_wait3A_1437 = arith.constant 0 : i32
      %dma_wait3A_1438 = tpu.memref_slice %arg6[%dma_wait3A_1435, %dma_wait3A_1436, %dma_wait3A_1437] : memref<10x64x128xf32, #tpu.memory_space<vmem>> -> memref<1x64x128xf32, #tpu.memory_space<vmem>>
      %dma_wait3A_1439 = tpu.memref_squeeze %dma_wait3A_1438 : memref<1x64x128xf32, #tpu.memory_space<vmem>> -> memref<64x128xf32, #tpu.memory_space<vmem>>
      %dma_wait3A_1440 = arith.constant 0 : i32
      %dma_wait3A_1441 = tpu.memref_slice %arg5[%dma_wait3A_1434, %dma_wait3A_1440] : memref<50x128xi32, #tpu.memory_space<vmem>> -> memref<1x64xi32, #tpu.memory_space<vmem>>
      %dma_wait3A_1442 = tpu.memref_squeeze %dma_wait3A_1441 : memref<1x64xi32, #tpu.memory_space<vmem>> -> memref<64xi32, #tpu.memory_space<vmem>>
      %dma_wait3A_1443 = arith.constant 0 : i32
      %dma_wait3A_1444 = arith.constant 0 : i32
      %dma_wait3A_1445 = tpu.memref_slice %arg3[%dma_wait3A_1443, %dma_wait3A_1444] : memref<100000x128xf32, #tpu.memory_space<hbm>> -> memref<100000x128xf32, #tpu.memory_space<hbm>>
      tpu.wait_indirect_dma semaphore(%arg16 : memref<!tpu.dma_semaphore, #tpu.memory_space<semaphore_mem>>) src(%dma_wait3A_1445 : memref<100000x128xf32, #tpu.memory_space<hbm>>) dst(%dma_wait3A_1439 : memref<64x128xf32, #tpu.memory_space<vmem>>)
      %jit3A_1446 = arith.constant 2 : i32
      %div3A_1447 = arith.divsi %add3A_1433, %jit3A_1446 : i32
      %sign3A_1448 = arith.constant 0 : i32
      %sign3A_1449 = arith.cmpi sgt, %add3A_1433, %sign3A_1448 : i32
      %sign3A_1450 = arith.extui %sign3A_1449 : i1 to i32
      %sign3A_1451 = arith.constant 0 : i32
      %sign3A_1452 = arith.cmpi slt, %add3A_1433, %sign3A_1451 : i32
      %sign3A_1453 = arith.extui %sign3A_1452 : i1 to i32
      %sign3A_1454 = arith.subi %sign3A_1450, %sign3A_1453 : i32
      %sign3A_1455 = arith.constant 0 : i32
      %sign3A_1456 = arith.cmpi sgt, %jit3A_1446, %sign3A_1455 : i32
      %sign3A_1457 = arith.extui %sign3A_1456 : i1 to i32
      %sign3A_1458 = arith.constant 0 : i32
      %sign3A_1459 = arith.cmpi slt, %jit3A_1446, %sign3A_1458 : i32
      %sign3A_1460 = arith.extui %sign3A_1459 : i1 to i32
      %sign3A_1461 = arith.subi %sign3A_1457, %sign3A_1460 : i32
      %ne3A_1462 = arith.cmpi ne, %sign3A_1454, %sign3A_1461 : i32
      %rem3A_1463 = arith.remsi %add3A_1433, %jit3A_1446 : i32
      %ne3A_1464 = arith.constant 0 : i32
      %ne3A_1465 = arith.cmpi ne, %rem3A_1463, %ne3A_1464 : i32
      %and3A_1466 = arith.andi %ne3A_1462, %ne3A_1465 : i1
      %sub3A_1467 = arith.constant 1 : i32
      %sub3A_1468 = arith.subi %div3A_1447, %sub3A_1467 : i32
      %select_n3A_1469 = arith.select %and3A_1466, %sub3A_1468, %div3A_1447 : i32
      %jit3A_1470 = arith.constant 2 : i32
      %eq3A_1471 = arith.constant 0 : i32
      %eq3A_1472 = arith.cmpi eq, %jit3A_1470, %eq3A_1471 : i32
      %jit3A_1473 = arith.constant 1 : i32
      %select_n3A_1474 = arith.select %eq3A_1472, %jit3A_1473, %jit3A_1470 : i32
      %rem3A_1475 = arith.remsi %add3A_1433, %select_n3A_1474 : i32
      %ne3A_1476 = arith.constant 0 : i32
      %ne3A_1477 = arith.cmpi ne, %rem3A_1475, %ne3A_1476 : i32
      %lt3A_1478 = arith.constant 0 : i32
      %lt3A_1479 = arith.cmpi slt, %rem3A_1475, %lt3A_1478 : i32
      %lt3A_1480 = arith.constant 0 : i32
      %lt3A_1481 = arith.cmpi slt, %select_n3A_1474, %lt3A_1480 : i32
      %ne3A_1482 = arith.xori %lt3A_1479, %lt3A_1481 : i1
      %and3A_1483 = arith.andi %ne3A_1482, %ne3A_1477 : i1
      %add3A_1484 = arith.addi %rem3A_1475, %select_n3A_1474 : i32
      %select_n3A_1485 = arith.select %and3A_1483, %add3A_1484, %rem3A_1475 : i32
      %mul3A_1486 = arith.constant 64 : i32
      %mul3A_1487 = arith.muli %select_n3A_1485, %mul3A_1486 : i32
      %add3A_1488 = arith.addi %mul3A_2, %mul3A_1487 : i32
      %dma_start3A_1489 = arith.constant 9 : i32
      %dma_start3A_1490 = arith.constant 0 : i32
      %dma_start3A_1491 = arith.constant 0 : i32
      %dma_start3A_1492 = tpu.memref_slice %arg6[%dma_start3A_1489, %dma_start3A_1490, %dma_start3A_1491] : memref<10x64x128xf32, #tpu.memory_space<vmem>> -> memref<1x64x128xf32, #tpu.memory_space<vmem>>
      %dma_start3A_1493 = tpu.memref_squeeze %dma_start3A_1492 : memref<1x64x128xf32, #tpu.memory_space<vmem>> -> memref<64x128xf32, #tpu.memory_space<vmem>>
      %dma_start3A_1494 = arith.constant 0 : i32
      %dma_start3A_1495 = tpu.memref_slice %arg4[%select_n3A_1469, %add3A_1488, %dma_start3A_1494] : memref<50x4096x128xf32, #tpu.memory_space<hbm>> -> memref<1x64x128xf32, #tpu.memory_space<hbm>>
      %dma_start3A_1496 = tpu.memref_squeeze %dma_start3A_1495 : memref<1x64x128xf32, #tpu.memory_space<hbm>> -> memref<64x128xf32, #tpu.memory_space<hbm>>
      %dma_start3A_1497 = arith.constant 0 : i32
      %dma_start3A_1498 = tpu.memref_slice %arg4[%select_n3A_1469, %add3A_1488, %dma_start3A_1497] : memref<50x4096x128xf32, #tpu.memory_space<hbm>> -> memref<1x64x128xf32, #tpu.memory_space<hbm>>
      %dma_start3A_1499 = tpu.memref_squeeze %dma_start3A_1498 : memref<1x64x128xf32, #tpu.memory_space<hbm>> -> memref<64x128xf32, #tpu.memory_space<hbm>>
      %dma_start3A_1500 = arith.constant 0 : i32
      %dma_start3A_1501 = arith.constant 0 : i32
      %dma_start3A_1502 = tpu.memref_slice %arg6[%dma_start3A_1489, %dma_start3A_1500, %dma_start3A_1501] : memref<10x64x128xf32, #tpu.memory_space<vmem>> -> memref<1x64x128xf32, #tpu.memory_space<vmem>>
      %dma_start3A_1503 = tpu.memref_squeeze %dma_start3A_1502 : memref<1x64x128xf32, #tpu.memory_space<vmem>> -> memref<64x128xf32, #tpu.memory_space<vmem>>
      tpu.enqueue_dma source(%dma_start3A_1503 : memref<64x128xf32, #tpu.memory_space<vmem>>) target(%dma_start3A_1499 : memref<64x128xf32, #tpu.memory_space<hbm>>) target_semaphore(%arg26 : memref<!tpu.dma_semaphore, #tpu.memory_space<semaphore_mem>>)
      %dma_wait3A_1504 = arith.constant 6 : i32
      %dma_wait3A_1505 = arith.constant 0 : i32
      %dma_wait3A_1506 = arith.constant 0 : i32
      %dma_wait3A_1507 = arith.constant 0 : i32
      %dma_wait3A_1508 = tpu.memref_slice %arg6[%dma_wait3A_1504, %dma_wait3A_1506, %dma_wait3A_1507] : memref<10x64x128xf32, #tpu.memory_space<vmem>> -> memref<1x64x128xf32, #tpu.memory_space<vmem>>
      %dma_wait3A_1509 = tpu.memref_squeeze %dma_wait3A_1508 : memref<1x64x128xf32, #tpu.memory_space<vmem>> -> memref<64x128xf32, #tpu.memory_space<vmem>>
      %dma_wait3A_1510 = arith.constant 0 : i32
      %dma_wait3A_1511 = tpu.memref_slice %arg4[%dma_wait3A_1505, %mul3A_2, %dma_wait3A_1510] : memref<50x4096x128xf32, #tpu.memory_space<hbm>> -> memref<1x64x128xf32, #tpu.memory_space<hbm>>
      %dma_wait3A_1512 = tpu.memref_squeeze %dma_wait3A_1511 : memref<1x64x128xf32, #tpu.memory_space<hbm>> -> memref<64x128xf32, #tpu.memory_space<hbm>>
      %dma_wait3A_1513 = arith.constant 0 : i32
      %dma_wait3A_1514 = tpu.memref_slice %arg4[%dma_wait3A_1505, %mul3A_2, %dma_wait3A_1513] : memref<50x4096x128xf32, #tpu.memory_space<hbm>> -> memref<1x64x128xf32, #tpu.memory_space<hbm>>
      %dma_wait3A_1515 = tpu.memref_squeeze %dma_wait3A_1514 : memref<1x64x128xf32, #tpu.memory_space<hbm>> -> memref<64x128xf32, #tpu.memory_space<hbm>>
      %dma_wait3A_1516 = arith.constant 0 : i32
      %dma_wait3A_1517 = arith.constant 0 : i32
      %dma_wait3A_1518 = tpu.memref_slice %arg6[%dma_wait3A_1504, %dma_wait3A_1516, %dma_wait3A_1517] : memref<10x64x128xf32, #tpu.memory_space<vmem>> -> memref<1x64x128xf32, #tpu.memory_space<vmem>>
      %dma_wait3A_1519 = tpu.memref_squeeze %dma_wait3A_1518 : memref<1x64x128xf32, #tpu.memory_space<vmem>> -> memref<64x128xf32, #tpu.memory_space<vmem>>
      tpu.wait_dma2 semaphore(%arg23 : memref<!tpu.dma_semaphore, #tpu.memory_space<semaphore_mem>>) src(%dma_wait3A_1519 : memref<64x128xf32, #tpu.memory_space<vmem>>) dst(%dma_wait3A_1515 : memref<64x128xf32, #tpu.memory_space<hbm>>)
      %add3A_1520 = arith.constant 7 : i32
      %add3A_1521 = arith.addi %add3A_1433, %add3A_1520 : i32
      %jit3A_1522 = arith.constant 2 : i32
      %div3A_1523 = arith.divsi %add3A_1521, %jit3A_1522 : i32
      %sign3A_1524 = arith.constant 0 : i32
      %sign3A_1525 = arith.cmpi sgt, %add3A_1521, %sign3A_1524 : i32
      %sign3A_1526 = arith.extui %sign3A_1525 : i1 to i32
      %sign3A_1527 = arith.constant 0 : i32
      %sign3A_1528 = arith.cmpi slt, %add3A_1521, %sign3A_1527 : i32
      %sign3A_1529 = arith.extui %sign3A_1528 : i1 to i32
      %sign3A_1530 = arith.subi %sign3A_1526, %sign3A_1529 : i32
      %sign3A_1531 = arith.constant 0 : i32
      %sign3A_1532 = arith.cmpi sgt, %jit3A_1522, %sign3A_1531 : i32
      %sign3A_1533 = arith.extui %sign3A_1532 : i1 to i32
      %sign3A_1534 = arith.constant 0 : i32
      %sign3A_1535 = arith.cmpi slt, %jit3A_1522, %sign3A_1534 : i32
      %sign3A_1536 = arith.extui %sign3A_1535 : i1 to i32
      %sign3A_1537 = arith.subi %sign3A_1533, %sign3A_1536 : i32
      %ne3A_1538 = arith.cmpi ne, %sign3A_1530, %sign3A_1537 : i32
      %rem3A_1539 = arith.remsi %add3A_1521, %jit3A_1522 : i32
      %ne3A_1540 = arith.constant 0 : i32
      %ne3A_1541 = arith.cmpi ne, %rem3A_1539, %ne3A_1540 : i32
      %and3A_1542 = arith.andi %ne3A_1538, %ne3A_1541 : i1
      %sub3A_1543 = arith.constant 1 : i32
      %sub3A_1544 = arith.subi %div3A_1523, %sub3A_1543 : i32
      %select_n3A_1545 = arith.select %and3A_1542, %sub3A_1544, %div3A_1523 : i32
      %jit3A_1546 = arith.constant 2 : i32
      %eq3A_1547 = arith.constant 0 : i32
      %eq3A_1548 = arith.cmpi eq, %jit3A_1546, %eq3A_1547 : i32
      %jit3A_1549 = arith.constant 1 : i32
      %select_n3A_1550 = arith.select %eq3A_1548, %jit3A_1549, %jit3A_1546 : i32
      %rem3A_1551 = arith.remsi %add3A_1521, %select_n3A_1550 : i32
      %ne3A_1552 = arith.constant 0 : i32
      %ne3A_1553 = arith.cmpi ne, %rem3A_1551, %ne3A_1552 : i32
      %lt3A_1554 = arith.constant 0 : i32
      %lt3A_1555 = arith.cmpi slt, %rem3A_1551, %lt3A_1554 : i32
      %lt3A_1556 = arith.constant 0 : i32
      %lt3A_1557 = arith.cmpi slt, %select_n3A_1550, %lt3A_1556 : i32
      %ne3A_1558 = arith.xori %lt3A_1555, %lt3A_1557 : i1
      %and3A_1559 = arith.andi %ne3A_1558, %ne3A_1553 : i1
      %add3A_1560 = arith.addi %rem3A_1551, %select_n3A_1550 : i32
      %select_n3A_1561 = arith.select %and3A_1559, %add3A_1560, %rem3A_1551 : i32
      %mul3A_1562 = arith.constant 64 : i32
      %mul3A_1563 = arith.muli %select_n3A_1561, %mul3A_1562 : i32
      %dma_start3A_1564 = arith.constant 6 : i32
      %dma_start3A_1565 = arith.constant 0 : i32
      %dma_start3A_1566 = arith.constant 0 : i32
      %dma_start3A_1567 = tpu.memref_slice %arg6[%dma_start3A_1564, %dma_start3A_1565, %dma_start3A_1566] : memref<10x64x128xf32, #tpu.memory_space<vmem>> -> memref<1x64x128xf32, #tpu.memory_space<vmem>>
      %dma_start3A_1568 = tpu.memref_squeeze %dma_start3A_1567 : memref<1x64x128xf32, #tpu.memory_space<vmem>> -> memref<64x128xf32, #tpu.memory_space<vmem>>
      %dma_start3A_1569 = tpu.memref_slice %arg5[%select_n3A_1545, %mul3A_1563] : memref<50x128xi32, #tpu.memory_space<vmem>> -> memref<1x64xi32, #tpu.memory_space<vmem>>
      %dma_start3A_1570 = tpu.memref_squeeze %dma_start3A_1569 : memref<1x64xi32, #tpu.memory_space<vmem>> -> memref<64xi32, #tpu.memory_space<vmem>>
      %dma_start3A_1571 = arith.constant 0 : i32
      %dma_start3A_1572 = arith.constant 0 : i32
      %dma_start3A_1573 = tpu.memref_slice %arg3[%dma_start3A_1571, %dma_start3A_1572] : memref<100000x128xf32, #tpu.memory_space<hbm>> -> memref<100000x128xf32, #tpu.memory_space<hbm>>
      tpu.enqueue_indirect_dma source(%dma_start3A_1573 : memref<100000x128xf32, #tpu.memory_space<hbm>>) target(%dma_start3A_1568 : memref<64x128xf32, #tpu.memory_space<vmem>>) offsets(%dma_start3A_1570 : memref<64xi32, #tpu.memory_space<vmem>>) semaphore(%arg13 : memref<!tpu.dma_semaphore, #tpu.memory_space<semaphore_mem>>)
      %add3A_1574 = arith.constant 7 : i32
      %add3A_1575 = arith.addi %add3A_589, %add3A_1574 : i32
      %dma_wait3A_1576 = arith.constant 0 : i32
      %dma_wait3A_1577 = arith.constant 0 : i32
      %dma_wait3A_1578 = arith.constant 0 : i32
      %dma_wait3A_1579 = arith.constant 0 : i32
      %dma_wait3A_1580 = tpu.memref_slice %arg6[%dma_wait3A_1577, %dma_wait3A_1578, %dma_wait3A_1579] : memref<10x64x128xf32, #tpu.memory_space<vmem>> -> memref<1x64x128xf32, #tpu.memory_space<vmem>>
      %dma_wait3A_1581 = tpu.memref_squeeze %dma_wait3A_1580 : memref<1x64x128xf32, #tpu.memory_space<vmem>> -> memref<64x128xf32, #tpu.memory_space<vmem>>
      %dma_wait3A_1582 = arith.constant 0 : i32
      %dma_wait3A_1583 = tpu.memref_slice %arg5[%dma_wait3A_1576, %dma_wait3A_1582] : memref<50x128xi32, #tpu.memory_space<vmem>> -> memref<1x64xi32, #tpu.memory_space<vmem>>
      %dma_wait3A_1584 = tpu.memref_squeeze %dma_wait3A_1583 : memref<1x64xi32, #tpu.memory_space<vmem>> -> memref<64xi32, #tpu.memory_space<vmem>>
      %dma_wait3A_1585 = arith.constant 0 : i32
      %dma_wait3A_1586 = arith.constant 0 : i32
      %dma_wait3A_1587 = tpu.memref_slice %arg3[%dma_wait3A_1585, %dma_wait3A_1586] : memref<100000x128xf32, #tpu.memory_space<hbm>> -> memref<100000x128xf32, #tpu.memory_space<hbm>>
      tpu.wait_indirect_dma semaphore(%arg7 : memref<!tpu.dma_semaphore, #tpu.memory_space<semaphore_mem>>) src(%dma_wait3A_1587 : memref<100000x128xf32, #tpu.memory_space<hbm>>) dst(%dma_wait3A_1581 : memref<64x128xf32, #tpu.memory_space<vmem>>)
      %jit3A_1588 = arith.constant 2 : i32
      %div3A_1589 = arith.divsi %add3A_1575, %jit3A_1588 : i32
      %sign3A_1590 = arith.constant 0 : i32
      %sign3A_1591 = arith.cmpi sgt, %add3A_1575, %sign3A_1590 : i32
      %sign3A_1592 = arith.extui %sign3A_1591 : i1 to i32
      %sign3A_1593 = arith.constant 0 : i32
      %sign3A_1594 = arith.cmpi slt, %add3A_1575, %sign3A_1593 : i32
      %sign3A_1595 = arith.extui %sign3A_1594 : i1 to i32
      %sign3A_1596 = arith.subi %sign3A_1592, %sign3A_1595 : i32
      %sign3A_1597 = arith.constant 0 : i32
      %sign3A_1598 = arith.cmpi sgt, %jit3A_1588, %sign3A_1597 : i32
      %sign3A_1599 = arith.extui %sign3A_1598 : i1 to i32
      %sign3A_1600 = arith.constant 0 : i32
      %sign3A_1601 = arith.cmpi slt, %jit3A_1588, %sign3A_1600 : i32
      %sign3A_1602 = arith.extui %sign3A_1601 : i1 to i32
      %sign3A_1603 = arith.subi %sign3A_1599, %sign3A_1602 : i32
      %ne3A_1604 = arith.cmpi ne, %sign3A_1596, %sign3A_1603 : i32
      %rem3A_1605 = arith.remsi %add3A_1575, %jit3A_1588 : i32
      %ne3A_1606 = arith.constant 0 : i32
      %ne3A_1607 = arith.cmpi ne, %rem3A_1605, %ne3A_1606 : i32
      %and3A_1608 = arith.andi %ne3A_1604, %ne3A_1607 : i1
      %sub3A_1609 = arith.constant 1 : i32
      %sub3A_1610 = arith.subi %div3A_1589, %sub3A_1609 : i32
      %select_n3A_1611 = arith.select %and3A_1608, %sub3A_1610, %div3A_1589 : i32
      %jit3A_1612 = arith.constant 2 : i32
      %eq3A_1613 = arith.constant 0 : i32
      %eq3A_1614 = arith.cmpi eq, %jit3A_1612, %eq3A_1613 : i32
      %jit3A_1615 = arith.constant 1 : i32
      %select_n3A_1616 = arith.select %eq3A_1614, %jit3A_1615, %jit3A_1612 : i32
      %rem3A_1617 = arith.remsi %add3A_1575, %select_n3A_1616 : i32
      %ne3A_1618 = arith.constant 0 : i32
      %ne3A_1619 = arith.cmpi ne, %rem3A_1617, %ne3A_1618 : i32
      %lt3A_1620 = arith.constant 0 : i32
      %lt3A_1621 = arith.cmpi slt, %rem3A_1617, %lt3A_1620 : i32
      %lt3A_1622 = arith.constant 0 : i32
      %lt3A_1623 = arith.cmpi slt, %select_n3A_1616, %lt3A_1622 : i32
      %ne3A_1624 = arith.xori %lt3A_1621, %lt3A_1623 : i1
      %and3A_1625 = arith.andi %ne3A_1624, %ne3A_1619 : i1
      %add3A_1626 = arith.addi %rem3A_1617, %select_n3A_1616 : i32
      %select_n3A_1627 = arith.select %and3A_1625, %add3A_1626, %rem3A_1617 : i32
      %mul3A_1628 = arith.constant 64 : i32
      %mul3A_1629 = arith.muli %select_n3A_1627, %mul3A_1628 : i32
      %add3A_1630 = arith.addi %mul3A_2, %mul3A_1629 : i32
      %dma_start3A_1631 = arith.constant 0 : i32
      %dma_start3A_1632 = arith.constant 0 : i32
      %dma_start3A_1633 = arith.constant 0 : i32
      %dma_start3A_1634 = tpu.memref_slice %arg6[%dma_start3A_1631, %dma_start3A_1632, %dma_start3A_1633] : memref<10x64x128xf32, #tpu.memory_space<vmem>> -> memref<1x64x128xf32, #tpu.memory_space<vmem>>
      %dma_start3A_1635 = tpu.memref_squeeze %dma_start3A_1634 : memref<1x64x128xf32, #tpu.memory_space<vmem>> -> memref<64x128xf32, #tpu.memory_space<vmem>>
      %dma_start3A_1636 = arith.constant 0 : i32
      %dma_start3A_1637 = tpu.memref_slice %arg4[%select_n3A_1611, %add3A_1630, %dma_start3A_1636] : memref<50x4096x128xf32, #tpu.memory_space<hbm>> -> memref<1x64x128xf32, #tpu.memory_space<hbm>>
      %dma_start3A_1638 = tpu.memref_squeeze %dma_start3A_1637 : memref<1x64x128xf32, #tpu.memory_space<hbm>> -> memref<64x128xf32, #tpu.memory_space<hbm>>
      %dma_start3A_1639 = arith.constant 0 : i32
      %dma_start3A_1640 = tpu.memref_slice %arg4[%select_n3A_1611, %add3A_1630, %dma_start3A_1639] : memref<50x4096x128xf32, #tpu.memory_space<hbm>> -> memref<1x64x128xf32, #tpu.memory_space<hbm>>
      %dma_start3A_1641 = tpu.memref_squeeze %dma_start3A_1640 : memref<1x64x128xf32, #tpu.memory_space<hbm>> -> memref<64x128xf32, #tpu.memory_space<hbm>>
      %dma_start3A_1642 = arith.constant 0 : i32
      %dma_start3A_1643 = arith.constant 0 : i32
      %dma_start3A_1644 = tpu.memref_slice %arg6[%dma_start3A_1631, %dma_start3A_1642, %dma_start3A_1643] : memref<10x64x128xf32, #tpu.memory_space<vmem>> -> memref<1x64x128xf32, #tpu.memory_space<vmem>>
      %dma_start3A_1645 = tpu.memref_squeeze %dma_start3A_1644 : memref<1x64x128xf32, #tpu.memory_space<vmem>> -> memref<64x128xf32, #tpu.memory_space<vmem>>
      tpu.enqueue_dma source(%dma_start3A_1645 : memref<64x128xf32, #tpu.memory_space<vmem>>) target(%dma_start3A_1641 : memref<64x128xf32, #tpu.memory_space<hbm>>) target_semaphore(%arg17 : memref<!tpu.dma_semaphore, #tpu.memory_space<semaphore_mem>>)
      %dma_wait3A_1646 = arith.constant 7 : i32
      %dma_wait3A_1647 = arith.constant 0 : i32
      %dma_wait3A_1648 = arith.constant 0 : i32
      %dma_wait3A_1649 = arith.constant 0 : i32
      %dma_wait3A_1650 = tpu.memref_slice %arg6[%dma_wait3A_1646, %dma_wait3A_1648, %dma_wait3A_1649] : memref<10x64x128xf32, #tpu.memory_space<vmem>> -> memref<1x64x128xf32, #tpu.memory_space<vmem>>
      %dma_wait3A_1651 = tpu.memref_squeeze %dma_wait3A_1650 : memref<1x64x128xf32, #tpu.memory_space<vmem>> -> memref<64x128xf32, #tpu.memory_space<vmem>>
      %dma_wait3A_1652 = arith.constant 0 : i32
      %dma_wait3A_1653 = tpu.memref_slice %arg4[%dma_wait3A_1647, %mul3A_2, %dma_wait3A_1652] : memref<50x4096x128xf32, #tpu.memory_space<hbm>> -> memref<1x64x128xf32, #tpu.memory_space<hbm>>
      %dma_wait3A_1654 = tpu.memref_squeeze %dma_wait3A_1653 : memref<1x64x128xf32, #tpu.memory_space<hbm>> -> memref<64x128xf32, #tpu.memory_space<hbm>>
      %dma_wait3A_1655 = arith.constant 0 : i32
      %dma_wait3A_1656 = tpu.memref_slice %arg4[%dma_wait3A_1647, %mul3A_2, %dma_wait3A_1655] : memref<50x4096x128xf32, #tpu.memory_space<hbm>> -> memref<1x64x128xf32, #tpu.memory_space<hbm>>
      %dma_wait3A_1657 = tpu.memref_squeeze %dma_wait3A_1656 : memref<1x64x128xf32, #tpu.memory_space<hbm>> -> memref<64x128xf32, #tpu.memory_space<hbm>>
      %dma_wait3A_1658 = arith.constant 0 : i32
      %dma_wait3A_1659 = arith.constant 0 : i32
      %dma_wait3A_1660 = tpu.memref_slice %arg6[%dma_wait3A_1646, %dma_wait3A_1658, %dma_wait3A_1659] : memref<10x64x128xf32, #tpu.memory_space<vmem>> -> memref<1x64x128xf32, #tpu.memory_space<vmem>>
      %dma_wait3A_1661 = tpu.memref_squeeze %dma_wait3A_1660 : memref<1x64x128xf32, #tpu.memory_space<vmem>> -> memref<64x128xf32, #tpu.memory_space<vmem>>
      tpu.wait_dma2 semaphore(%arg24 : memref<!tpu.dma_semaphore, #tpu.memory_space<semaphore_mem>>) src(%dma_wait3A_1661 : memref<64x128xf32, #tpu.memory_space<vmem>>) dst(%dma_wait3A_1657 : memref<64x128xf32, #tpu.memory_space<hbm>>)
      %add3A_1662 = arith.constant 7 : i32
      %add3A_1663 = arith.addi %add3A_1575, %add3A_1662 : i32
      %jit3A_1664 = arith.constant 2 : i32
      %div3A_1665 = arith.divsi %add3A_1663, %jit3A_1664 : i32
      %sign3A_1666 = arith.constant 0 : i32
      %sign3A_1667 = arith.cmpi sgt, %add3A_1663, %sign3A_1666 : i32
      %sign3A_1668 = arith.extui %sign3A_1667 : i1 to i32
      %sign3A_1669 = arith.constant 0 : i32
      %sign3A_1670 = arith.cmpi slt, %add3A_1663, %sign3A_1669 : i32
      %sign3A_1671 = arith.extui %sign3A_1670 : i1 to i32
      %sign3A_1672 = arith.subi %sign3A_1668, %sign3A_1671 : i32
      %sign3A_1673 = arith.constant 0 : i32
      %sign3A_1674 = arith.cmpi sgt, %jit3A_1664, %sign3A_1673 : i32
      %sign3A_1675 = arith.extui %sign3A_1674 : i1 to i32
      %sign3A_1676 = arith.constant 0 : i32
      %sign3A_1677 = arith.cmpi slt, %jit3A_1664, %sign3A_1676 : i32
      %sign3A_1678 = arith.extui %sign3A_1677 : i1 to i32
      %sign3A_1679 = arith.subi %sign3A_1675, %sign3A_1678 : i32
      %ne3A_1680 = arith.cmpi ne, %sign3A_1672, %sign3A_1679 : i32
      %rem3A_1681 = arith.remsi %add3A_1663, %jit3A_1664 : i32
      %ne3A_1682 = arith.constant 0 : i32
      %ne3A_1683 = arith.cmpi ne, %rem3A_1681, %ne3A_1682 : i32
      %and3A_1684 = arith.andi %ne3A_1680, %ne3A_1683 : i1
      %sub3A_1685 = arith.constant 1 : i32
      %sub3A_1686 = arith.subi %div3A_1665, %sub3A_1685 : i32
      %select_n3A_1687 = arith.select %and3A_1684, %sub3A_1686, %div3A_1665 : i32
      %jit3A_1688 = arith.constant 2 : i32
      %eq3A_1689 = arith.constant 0 : i32
      %eq3A_1690 = arith.cmpi eq, %jit3A_1688, %eq3A_1689 : i32
      %jit3A_1691 = arith.constant 1 : i32
      %select_n3A_1692 = arith.select %eq3A_1690, %jit3A_1691, %jit3A_1688 : i32
      %rem3A_1693 = arith.remsi %add3A_1663, %select_n3A_1692 : i32
      %ne3A_1694 = arith.constant 0 : i32
      %ne3A_1695 = arith.cmpi ne, %rem3A_1693, %ne3A_1694 : i32
      %lt3A_1696 = arith.constant 0 : i32
      %lt3A_1697 = arith.cmpi slt, %rem3A_1693, %lt3A_1696 : i32
      %lt3A_1698 = arith.constant 0 : i32
      %lt3A_1699 = arith.cmpi slt, %select_n3A_1692, %lt3A_1698 : i32
      %ne3A_1700 = arith.xori %lt3A_1697, %lt3A_1699 : i1
      %and3A_1701 = arith.andi %ne3A_1700, %ne3A_1695 : i1
      %add3A_1702 = arith.addi %rem3A_1693, %select_n3A_1692 : i32
      %select_n3A_1703 = arith.select %and3A_1701, %add3A_1702, %rem3A_1693 : i32
      %mul3A_1704 = arith.constant 64 : i32
      %mul3A_1705 = arith.muli %select_n3A_1703, %mul3A_1704 : i32
      %dma_start3A_1706 = arith.constant 7 : i32
      %dma_start3A_1707 = arith.constant 0 : i32
      %dma_start3A_1708 = arith.constant 0 : i32
      %dma_start3A_1709 = tpu.memref_slice %arg6[%dma_start3A_1706, %dma_start3A_1707, %dma_start3A_1708] : memref<10x64x128xf32, #tpu.memory_space<vmem>> -> memref<1x64x128xf32, #tpu.memory_space<vmem>>
      %dma_start3A_1710 = tpu.memref_squeeze %dma_start3A_1709 : memref<1x64x128xf32, #tpu.memory_space<vmem>> -> memref<64x128xf32, #tpu.memory_space<vmem>>
      %dma_start3A_1711 = tpu.memref_slice %arg5[%select_n3A_1687, %mul3A_1705] : memref<50x128xi32, #tpu.memory_space<vmem>> -> memref<1x64xi32, #tpu.memory_space<vmem>>
      %dma_start3A_1712 = tpu.memref_squeeze %dma_start3A_1711 : memref<1x64xi32, #tpu.memory_space<vmem>> -> memref<64xi32, #tpu.memory_space<vmem>>
      %dma_start3A_1713 = arith.constant 0 : i32
      %dma_start3A_1714 = arith.constant 0 : i32
      %dma_start3A_1715 = tpu.memref_slice %arg3[%dma_start3A_1713, %dma_start3A_1714] : memref<100000x128xf32, #tpu.memory_space<hbm>> -> memref<100000x128xf32, #tpu.memory_space<hbm>>
      tpu.enqueue_indirect_dma source(%dma_start3A_1715 : memref<100000x128xf32, #tpu.memory_space<hbm>>) target(%dma_start3A_1710 : memref<64x128xf32, #tpu.memory_space<vmem>>) offsets(%dma_start3A_1712 : memref<64xi32, #tpu.memory_space<vmem>>) semaphore(%arg14 : memref<!tpu.dma_semaphore, #tpu.memory_space<semaphore_mem>>)
      %add3A_1716 = arith.constant 8 : i32
      %add3A_1717 = arith.addi %add3A_589, %add3A_1716 : i32
      %dma_wait3A_1718 = arith.constant 0 : i32
      %dma_wait3A_1719 = arith.constant 1 : i32
      %dma_wait3A_1720 = arith.constant 0 : i32
      %dma_wait3A_1721 = arith.constant 0 : i32
      %dma_wait3A_1722 = tpu.memref_slice %arg6[%dma_wait3A_1719, %dma_wait3A_1720, %dma_wait3A_1721] : memref<10x64x128xf32, #tpu.memory_space<vmem>> -> memref<1x64x128xf32, #tpu.memory_space<vmem>>
      %dma_wait3A_1723 = tpu.memref_squeeze %dma_wait3A_1722 : memref<1x64x128xf32, #tpu.memory_space<vmem>> -> memref<64x128xf32, #tpu.memory_space<vmem>>
      %dma_wait3A_1724 = arith.constant 0 : i32
      %dma_wait3A_1725 = tpu.memref_slice %arg5[%dma_wait3A_1718, %dma_wait3A_1724] : memref<50x128xi32, #tpu.memory_space<vmem>> -> memref<1x64xi32, #tpu.memory_space<vmem>>
      %dma_wait3A_1726 = tpu.memref_squeeze %dma_wait3A_1725 : memref<1x64xi32, #tpu.memory_space<vmem>> -> memref<64xi32, #tpu.memory_space<vmem>>
      %dma_wait3A_1727 = arith.constant 0 : i32
      %dma_wait3A_1728 = arith.constant 0 : i32
      %dma_wait3A_1729 = tpu.memref_slice %arg3[%dma_wait3A_1727, %dma_wait3A_1728] : memref<100000x128xf32, #tpu.memory_space<hbm>> -> memref<100000x128xf32, #tpu.memory_space<hbm>>
      tpu.wait_indirect_dma semaphore(%arg8 : memref<!tpu.dma_semaphore, #tpu.memory_space<semaphore_mem>>) src(%dma_wait3A_1729 : memref<100000x128xf32, #tpu.memory_space<hbm>>) dst(%dma_wait3A_1723 : memref<64x128xf32, #tpu.memory_space<vmem>>)
      %jit3A_1730 = arith.constant 2 : i32
      %div3A_1731 = arith.divsi %add3A_1717, %jit3A_1730 : i32
      %sign3A_1732 = arith.constant 0 : i32
      %sign3A_1733 = arith.cmpi sgt, %add3A_1717, %sign3A_1732 : i32
      %sign3A_1734 = arith.extui %sign3A_1733 : i1 to i32
      %sign3A_1735 = arith.constant 0 : i32
      %sign3A_1736 = arith.cmpi slt, %add3A_1717, %sign3A_1735 : i32
      %sign3A_1737 = arith.extui %sign3A_1736 : i1 to i32
      %sign3A_1738 = arith.subi %sign3A_1734, %sign3A_1737 : i32
      %sign3A_1739 = arith.constant 0 : i32
      %sign3A_1740 = arith.cmpi sgt, %jit3A_1730, %sign3A_1739 : i32
      %sign3A_1741 = arith.extui %sign3A_1740 : i1 to i32
      %sign3A_1742 = arith.constant 0 : i32
      %sign3A_1743 = arith.cmpi slt, %jit3A_1730, %sign3A_1742 : i32
      %sign3A_1744 = arith.extui %sign3A_1743 : i1 to i32
      %sign3A_1745 = arith.subi %sign3A_1741, %sign3A_1744 : i32
      %ne3A_1746 = arith.cmpi ne, %sign3A_1738, %sign3A_1745 : i32
      %rem3A_1747 = arith.remsi %add3A_1717, %jit3A_1730 : i32
      %ne3A_1748 = arith.constant 0 : i32
      %ne3A_1749 = arith.cmpi ne, %rem3A_1747, %ne3A_1748 : i32
      %and3A_1750 = arith.andi %ne3A_1746, %ne3A_1749 : i1
      %sub3A_1751 = arith.constant 1 : i32
      %sub3A_1752 = arith.subi %div3A_1731, %sub3A_1751 : i32
      %select_n3A_1753 = arith.select %and3A_1750, %sub3A_1752, %div3A_1731 : i32
      %jit3A_1754 = arith.constant 2 : i32
      %eq3A_1755 = arith.constant 0 : i32
      %eq3A_1756 = arith.cmpi eq, %jit3A_1754, %eq3A_1755 : i32
      %jit3A_1757 = arith.constant 1 : i32
      %select_n3A_1758 = arith.select %eq3A_1756, %jit3A_1757, %jit3A_1754 : i32
      %rem3A_1759 = arith.remsi %add3A_1717, %select_n3A_1758 : i32
      %ne3A_1760 = arith.constant 0 : i32
      %ne3A_1761 = arith.cmpi ne, %rem3A_1759, %ne3A_1760 : i32
      %lt3A_1762 = arith.constant 0 : i32
      %lt3A_1763 = arith.cmpi slt, %rem3A_1759, %lt3A_1762 : i32
      %lt3A_1764 = arith.constant 0 : i32
      %lt3A_1765 = arith.cmpi slt, %select_n3A_1758, %lt3A_1764 : i32
      %ne3A_1766 = arith.xori %lt3A_1763, %lt3A_1765 : i1
      %and3A_1767 = arith.andi %ne3A_1766, %ne3A_1761 : i1
      %add3A_1768 = arith.addi %rem3A_1759, %select_n3A_1758 : i32
      %select_n3A_1769 = arith.select %and3A_1767, %add3A_1768, %rem3A_1759 : i32
      %mul3A_1770 = arith.constant 64 : i32
      %mul3A_1771 = arith.muli %select_n3A_1769, %mul3A_1770 : i32
      %add3A_1772 = arith.addi %mul3A_2, %mul3A_1771 : i32
      %dma_start3A_1773 = arith.constant 1 : i32
      %dma_start3A_1774 = arith.constant 0 : i32
      %dma_start3A_1775 = arith.constant 0 : i32
      %dma_start3A_1776 = tpu.memref_slice %arg6[%dma_start3A_1773, %dma_start3A_1774, %dma_start3A_1775] : memref<10x64x128xf32, #tpu.memory_space<vmem>> -> memref<1x64x128xf32, #tpu.memory_space<vmem>>
      %dma_start3A_1777 = tpu.memref_squeeze %dma_start3A_1776 : memref<1x64x128xf32, #tpu.memory_space<vmem>> -> memref<64x128xf32, #tpu.memory_space<vmem>>
      %dma_start3A_1778 = arith.constant 0 : i32
      %dma_start3A_1779 = tpu.memref_slice %arg4[%select_n3A_1753, %add3A_1772, %dma_start3A_1778] : memref<50x4096x128xf32, #tpu.memory_space<hbm>> -> memref<1x64x128xf32, #tpu.memory_space<hbm>>
      %dma_start3A_1780 = tpu.memref_squeeze %dma_start3A_1779 : memref<1x64x128xf32, #tpu.memory_space<hbm>> -> memref<64x128xf32, #tpu.memory_space<hbm>>
      %dma_start3A_1781 = arith.constant 0 : i32
      %dma_start3A_1782 = tpu.memref_slice %arg4[%select_n3A_1753, %add3A_1772, %dma_start3A_1781] : memref<50x4096x128xf32, #tpu.memory_space<hbm>> -> memref<1x64x128xf32, #tpu.memory_space<hbm>>
      %dma_start3A_1783 = tpu.memref_squeeze %dma_start3A_1782 : memref<1x64x128xf32, #tpu.memory_space<hbm>> -> memref<64x128xf32, #tpu.memory_space<hbm>>
      %dma_start3A_1784 = arith.constant 0 : i32
      %dma_start3A_1785 = arith.constant 0 : i32
      %dma_start3A_1786 = tpu.memref_slice %arg6[%dma_start3A_1773, %dma_start3A_1784, %dma_start3A_1785] : memref<10x64x128xf32, #tpu.memory_space<vmem>> -> memref<1x64x128xf32, #tpu.memory_space<vmem>>
      %dma_start3A_1787 = tpu.memref_squeeze %dma_start3A_1786 : memref<1x64x128xf32, #tpu.memory_space<vmem>> -> memref<64x128xf32, #tpu.memory_space<vmem>>
      tpu.enqueue_dma source(%dma_start3A_1787 : memref<64x128xf32, #tpu.memory_space<vmem>>) target(%dma_start3A_1783 : memref<64x128xf32, #tpu.memory_space<hbm>>) target_semaphore(%arg18 : memref<!tpu.dma_semaphore, #tpu.memory_space<semaphore_mem>>)
      %dma_wait3A_1788 = arith.constant 8 : i32
      %dma_wait3A_1789 = arith.constant 0 : i32
      %dma_wait3A_1790 = arith.constant 0 : i32
      %dma_wait3A_1791 = arith.constant 0 : i32
      %dma_wait3A_1792 = tpu.memref_slice %arg6[%dma_wait3A_1788, %dma_wait3A_1790, %dma_wait3A_1791] : memref<10x64x128xf32, #tpu.memory_space<vmem>> -> memref<1x64x128xf32, #tpu.memory_space<vmem>>
      %dma_wait3A_1793 = tpu.memref_squeeze %dma_wait3A_1792 : memref<1x64x128xf32, #tpu.memory_space<vmem>> -> memref<64x128xf32, #tpu.memory_space<vmem>>
      %dma_wait3A_1794 = arith.constant 0 : i32
      %dma_wait3A_1795 = tpu.memref_slice %arg4[%dma_wait3A_1789, %mul3A_2, %dma_wait3A_1794] : memref<50x4096x128xf32, #tpu.memory_space<hbm>> -> memref<1x64x128xf32, #tpu.memory_space<hbm>>
      %dma_wait3A_1796 = tpu.memref_squeeze %dma_wait3A_1795 : memref<1x64x128xf32, #tpu.memory_space<hbm>> -> memref<64x128xf32, #tpu.memory_space<hbm>>
      %dma_wait3A_1797 = arith.constant 0 : i32
      %dma_wait3A_1798 = tpu.memref_slice %arg4[%dma_wait3A_1789, %mul3A_2, %dma_wait3A_1797] : memref<50x4096x128xf32, #tpu.memory_space<hbm>> -> memref<1x64x128xf32, #tpu.memory_space<hbm>>
      %dma_wait3A_1799 = tpu.memref_squeeze %dma_wait3A_1798 : memref<1x64x128xf32, #tpu.memory_space<hbm>> -> memref<64x128xf32, #tpu.memory_space<hbm>>
      %dma_wait3A_1800 = arith.constant 0 : i32
      %dma_wait3A_1801 = arith.constant 0 : i32
      %dma_wait3A_1802 = tpu.memref_slice %arg6[%dma_wait3A_1788, %dma_wait3A_1800, %dma_wait3A_1801] : memref<10x64x128xf32, #tpu.memory_space<vmem>> -> memref<1x64x128xf32, #tpu.memory_space<vmem>>
      %dma_wait3A_1803 = tpu.memref_squeeze %dma_wait3A_1802 : memref<1x64x128xf32, #tpu.memory_space<vmem>> -> memref<64x128xf32, #tpu.memory_space<vmem>>
      tpu.wait_dma2 semaphore(%arg25 : memref<!tpu.dma_semaphore, #tpu.memory_space<semaphore_mem>>) src(%dma_wait3A_1803 : memref<64x128xf32, #tpu.memory_space<vmem>>) dst(%dma_wait3A_1799 : memref<64x128xf32, #tpu.memory_space<hbm>>)
      %add3A_1804 = arith.constant 7 : i32
      %add3A_1805 = arith.addi %add3A_1717, %add3A_1804 : i32
      %jit3A_1806 = arith.constant 2 : i32
      %div3A_1807 = arith.divsi %add3A_1805, %jit3A_1806 : i32
      %sign3A_1808 = arith.constant 0 : i32
      %sign3A_1809 = arith.cmpi sgt, %add3A_1805, %sign3A_1808 : i32
      %sign3A_1810 = arith.extui %sign3A_1809 : i1 to i32
      %sign3A_1811 = arith.constant 0 : i32
      %sign3A_1812 = arith.cmpi slt, %add3A_1805, %sign3A_1811 : i32
      %sign3A_1813 = arith.extui %sign3A_1812 : i1 to i32
      %sign3A_1814 = arith.subi %sign3A_1810, %sign3A_1813 : i32
      %sign3A_1815 = arith.constant 0 : i32
      %sign3A_1816 = arith.cmpi sgt, %jit3A_1806, %sign3A_1815 : i32
      %sign3A_1817 = arith.extui %sign3A_1816 : i1 to i32
      %sign3A_1818 = arith.constant 0 : i32
      %sign3A_1819 = arith.cmpi slt, %jit3A_1806, %sign3A_1818 : i32
      %sign3A_1820 = arith.extui %sign3A_1819 : i1 to i32
      %sign3A_1821 = arith.subi %sign3A_1817, %sign3A_1820 : i32
      %ne3A_1822 = arith.cmpi ne, %sign3A_1814, %sign3A_1821 : i32
      %rem3A_1823 = arith.remsi %add3A_1805, %jit3A_1806 : i32
      %ne3A_1824 = arith.constant 0 : i32
      %ne3A_1825 = arith.cmpi ne, %rem3A_1823, %ne3A_1824 : i32
      %and3A_1826 = arith.andi %ne3A_1822, %ne3A_1825 : i1
      %sub3A_1827 = arith.constant 1 : i32
      %sub3A_1828 = arith.subi %div3A_1807, %sub3A_1827 : i32
      %select_n3A_1829 = arith.select %and3A_1826, %sub3A_1828, %div3A_1807 : i32
      %jit3A_1830 = arith.constant 2 : i32
      %eq3A_1831 = arith.constant 0 : i32
      %eq3A_1832 = arith.cmpi eq, %jit3A_1830, %eq3A_1831 : i32
      %jit3A_1833 = arith.constant 1 : i32
      %select_n3A_1834 = arith.select %eq3A_1832, %jit3A_1833, %jit3A_1830 : i32
      %rem3A_1835 = arith.remsi %add3A_1805, %select_n3A_1834 : i32
      %ne3A_1836 = arith.constant 0 : i32
      %ne3A_1837 = arith.cmpi ne, %rem3A_1835, %ne3A_1836 : i32
      %lt3A_1838 = arith.constant 0 : i32
      %lt3A_1839 = arith.cmpi slt, %rem3A_1835, %lt3A_1838 : i32
      %lt3A_1840 = arith.constant 0 : i32
      %lt3A_1841 = arith.cmpi slt, %select_n3A_1834, %lt3A_1840 : i32
      %ne3A_1842 = arith.xori %lt3A_1839, %lt3A_1841 : i1
      %and3A_1843 = arith.andi %ne3A_1842, %ne3A_1837 : i1
      %add3A_1844 = arith.addi %rem3A_1835, %select_n3A_1834 : i32
      %select_n3A_1845 = arith.select %and3A_1843, %add3A_1844, %rem3A_1835 : i32
      %mul3A_1846 = arith.constant 64 : i32
      %mul3A_1847 = arith.muli %select_n3A_1845, %mul3A_1846 : i32
      %dma_start3A_1848 = arith.constant 8 : i32
      %dma_start3A_1849 = arith.constant 0 : i32
      %dma_start3A_1850 = arith.constant 0 : i32
      %dma_start3A_1851 = tpu.memref_slice %arg6[%dma_start3A_1848, %dma_start3A_1849, %dma_start3A_1850] : memref<10x64x128xf32, #tpu.memory_space<vmem>> -> memref<1x64x128xf32, #tpu.memory_space<vmem>>
      %dma_start3A_1852 = tpu.memref_squeeze %dma_start3A_1851 : memref<1x64x128xf32, #tpu.memory_space<vmem>> -> memref<64x128xf32, #tpu.memory_space<vmem>>
      %dma_start3A_1853 = tpu.memref_slice %arg5[%select_n3A_1829, %mul3A_1847] : memref<50x128xi32, #tpu.memory_space<vmem>> -> memref<1x64xi32, #tpu.memory_space<vmem>>
      %dma_start3A_1854 = tpu.memref_squeeze %dma_start3A_1853 : memref<1x64xi32, #tpu.memory_space<vmem>> -> memref<64xi32, #tpu.memory_space<vmem>>
      %dma_start3A_1855 = arith.constant 0 : i32
      %dma_start3A_1856 = arith.constant 0 : i32
      %dma_start3A_1857 = tpu.memref_slice %arg3[%dma_start3A_1855, %dma_start3A_1856] : memref<100000x128xf32, #tpu.memory_space<hbm>> -> memref<100000x128xf32, #tpu.memory_space<hbm>>
      tpu.enqueue_indirect_dma source(%dma_start3A_1857 : memref<100000x128xf32, #tpu.memory_space<hbm>>) target(%dma_start3A_1852 : memref<64x128xf32, #tpu.memory_space<vmem>>) offsets(%dma_start3A_1854 : memref<64xi32, #tpu.memory_space<vmem>>) semaphore(%arg15 : memref<!tpu.dma_semaphore, #tpu.memory_space<semaphore_mem>>)
      %add3A_1858 = arith.constant 9 : i32
      %add3A_1859 = arith.addi %add3A_589, %add3A_1858 : i32
      %dma_wait3A_1860 = arith.constant 0 : i32
      %dma_wait3A_1861 = arith.constant 2 : i32
      %dma_wait3A_1862 = arith.constant 0 : i32
      %dma_wait3A_1863 = arith.constant 0 : i32
      %dma_wait3A_1864 = tpu.memref_slice %arg6[%dma_wait3A_1861, %dma_wait3A_1862, %dma_wait3A_1863] : memref<10x64x128xf32, #tpu.memory_space<vmem>> -> memref<1x64x128xf32, #tpu.memory_space<vmem>>
      %dma_wait3A_1865 = tpu.memref_squeeze %dma_wait3A_1864 : memref<1x64x128xf32, #tpu.memory_space<vmem>> -> memref<64x128xf32, #tpu.memory_space<vmem>>
      %dma_wait3A_1866 = arith.constant 0 : i32
      %dma_wait3A_1867 = tpu.memref_slice %arg5[%dma_wait3A_1860, %dma_wait3A_1866] : memref<50x128xi32, #tpu.memory_space<vmem>> -> memref<1x64xi32, #tpu.memory_space<vmem>>
      %dma_wait3A_1868 = tpu.memref_squeeze %dma_wait3A_1867 : memref<1x64xi32, #tpu.memory_space<vmem>> -> memref<64xi32, #tpu.memory_space<vmem>>
      %dma_wait3A_1869 = arith.constant 0 : i32
      %dma_wait3A_1870 = arith.constant 0 : i32
      %dma_wait3A_1871 = tpu.memref_slice %arg3[%dma_wait3A_1869, %dma_wait3A_1870] : memref<100000x128xf32, #tpu.memory_space<hbm>> -> memref<100000x128xf32, #tpu.memory_space<hbm>>
      tpu.wait_indirect_dma semaphore(%arg9 : memref<!tpu.dma_semaphore, #tpu.memory_space<semaphore_mem>>) src(%dma_wait3A_1871 : memref<100000x128xf32, #tpu.memory_space<hbm>>) dst(%dma_wait3A_1865 : memref<64x128xf32, #tpu.memory_space<vmem>>)
      %jit3A_1872 = arith.constant 2 : i32
      %div3A_1873 = arith.divsi %add3A_1859, %jit3A_1872 : i32
      %sign3A_1874 = arith.constant 0 : i32
      %sign3A_1875 = arith.cmpi sgt, %add3A_1859, %sign3A_1874 : i32
      %sign3A_1876 = arith.extui %sign3A_1875 : i1 to i32
      %sign3A_1877 = arith.constant 0 : i32
      %sign3A_1878 = arith.cmpi slt, %add3A_1859, %sign3A_1877 : i32
      %sign3A_1879 = arith.extui %sign3A_1878 : i1 to i32
      %sign3A_1880 = arith.subi %sign3A_1876, %sign3A_1879 : i32
      %sign3A_1881 = arith.constant 0 : i32
      %sign3A_1882 = arith.cmpi sgt, %jit3A_1872, %sign3A_1881 : i32
      %sign3A_1883 = arith.extui %sign3A_1882 : i1 to i32
      %sign3A_1884 = arith.constant 0 : i32
      %sign3A_1885 = arith.cmpi slt, %jit3A_1872, %sign3A_1884 : i32
      %sign3A_1886 = arith.extui %sign3A_1885 : i1 to i32
      %sign3A_1887 = arith.subi %sign3A_1883, %sign3A_1886 : i32
      %ne3A_1888 = arith.cmpi ne, %sign3A_1880, %sign3A_1887 : i32
      %rem3A_1889 = arith.remsi %add3A_1859, %jit3A_1872 : i32
      %ne3A_1890 = arith.constant 0 : i32
      %ne3A_1891 = arith.cmpi ne, %rem3A_1889, %ne3A_1890 : i32
      %and3A_1892 = arith.andi %ne3A_1888, %ne3A_1891 : i1
      %sub3A_1893 = arith.constant 1 : i32
      %sub3A_1894 = arith.subi %div3A_1873, %sub3A_1893 : i32
      %select_n3A_1895 = arith.select %and3A_1892, %sub3A_1894, %div3A_1873 : i32
      %jit3A_1896 = arith.constant 2 : i32
      %eq3A_1897 = arith.constant 0 : i32
      %eq3A_1898 = arith.cmpi eq, %jit3A_1896, %eq3A_1897 : i32
      %jit3A_1899 = arith.constant 1 : i32
      %select_n3A_1900 = arith.select %eq3A_1898, %jit3A_1899, %jit3A_1896 : i32
      %rem3A_1901 = arith.remsi %add3A_1859, %select_n3A_1900 : i32
      %ne3A_1902 = arith.constant 0 : i32
      %ne3A_1903 = arith.cmpi ne, %rem3A_1901, %ne3A_1902 : i32
      %lt3A_1904 = arith.constant 0 : i32
      %lt3A_1905 = arith.cmpi slt, %rem3A_1901, %lt3A_1904 : i32
      %lt3A_1906 = arith.constant 0 : i32
      %lt3A_1907 = arith.cmpi slt, %select_n3A_1900, %lt3A_1906 : i32
      %ne3A_1908 = arith.xori %lt3A_1905, %lt3A_1907 : i1
      %and3A_1909 = arith.andi %ne3A_1908, %ne3A_1903 : i1
      %add3A_1910 = arith.addi %rem3A_1901, %select_n3A_1900 : i32
      %select_n3A_1911 = arith.select %and3A_1909, %add3A_1910, %rem3A_1901 : i32
      %mul3A_1912 = arith.constant 64 : i32
      %mul3A_1913 = arith.muli %select_n3A_1911, %mul3A_1912 : i32
      %add3A_1914 = arith.addi %mul3A_2, %mul3A_1913 : i32
      %dma_start3A_1915 = arith.constant 2 : i32
      %dma_start3A_1916 = arith.constant 0 : i32
      %dma_start3A_1917 = arith.constant 0 : i32
      %dma_start3A_1918 = tpu.memref_slice %arg6[%dma_start3A_1915, %dma_start3A_1916, %dma_start3A_1917] : memref<10x64x128xf32, #tpu.memory_space<vmem>> -> memref<1x64x128xf32, #tpu.memory_space<vmem>>
      %dma_start3A_1919 = tpu.memref_squeeze %dma_start3A_1918 : memref<1x64x128xf32, #tpu.memory_space<vmem>> -> memref<64x128xf32, #tpu.memory_space<vmem>>
      %dma_start3A_1920 = arith.constant 0 : i32
      %dma_start3A_1921 = tpu.memref_slice %arg4[%select_n3A_1895, %add3A_1914, %dma_start3A_1920] : memref<50x4096x128xf32, #tpu.memory_space<hbm>> -> memref<1x64x128xf32, #tpu.memory_space<hbm>>
      %dma_start3A_1922 = tpu.memref_squeeze %dma_start3A_1921 : memref<1x64x128xf32, #tpu.memory_space<hbm>> -> memref<64x128xf32, #tpu.memory_space<hbm>>
      %dma_start3A_1923 = arith.constant 0 : i32
      %dma_start3A_1924 = tpu.memref_slice %arg4[%select_n3A_1895, %add3A_1914, %dma_start3A_1923] : memref<50x4096x128xf32, #tpu.memory_space<hbm>> -> memref<1x64x128xf32, #tpu.memory_space<hbm>>
      %dma_start3A_1925 = tpu.memref_squeeze %dma_start3A_1924 : memref<1x64x128xf32, #tpu.memory_space<hbm>> -> memref<64x128xf32, #tpu.memory_space<hbm>>
      %dma_start3A_1926 = arith.constant 0 : i32
      %dma_start3A_1927 = arith.constant 0 : i32
      %dma_start3A_1928 = tpu.memref_slice %arg6[%dma_start3A_1915, %dma_start3A_1926, %dma_start3A_1927] : memref<10x64x128xf32, #tpu.memory_space<vmem>> -> memref<1x64x128xf32, #tpu.memory_space<vmem>>
      %dma_start3A_1929 = tpu.memref_squeeze %dma_start3A_1928 : memref<1x64x128xf32, #tpu.memory_space<vmem>> -> memref<64x128xf32, #tpu.memory_space<vmem>>
      tpu.enqueue_dma source(%dma_start3A_1929 : memref<64x128xf32, #tpu.memory_space<vmem>>) target(%dma_start3A_1925 : memref<64x128xf32, #tpu.memory_space<hbm>>) target_semaphore(%arg19 : memref<!tpu.dma_semaphore, #tpu.memory_space<semaphore_mem>>)
      %dma_wait3A_1930 = arith.constant 9 : i32
      %dma_wait3A_1931 = arith.constant 0 : i32
      %dma_wait3A_1932 = arith.constant 0 : i32
      %dma_wait3A_1933 = arith.constant 0 : i32
      %dma_wait3A_1934 = tpu.memref_slice %arg6[%dma_wait3A_1930, %dma_wait3A_1932, %dma_wait3A_1933] : memref<10x64x128xf32, #tpu.memory_space<vmem>> -> memref<1x64x128xf32, #tpu.memory_space<vmem>>
      %dma_wait3A_1935 = tpu.memref_squeeze %dma_wait3A_1934 : memref<1x64x128xf32, #tpu.memory_space<vmem>> -> memref<64x128xf32, #tpu.memory_space<vmem>>
      %dma_wait3A_1936 = arith.constant 0 : i32
      %dma_wait3A_1937 = tpu.memref_slice %arg4[%dma_wait3A_1931, %mul3A_2, %dma_wait3A_1936] : memref<50x4096x128xf32, #tpu.memory_space<hbm>> -> memref<1x64x128xf32, #tpu.memory_space<hbm>>
      %dma_wait3A_1938 = tpu.memref_squeeze %dma_wait3A_1937 : memref<1x64x128xf32, #tpu.memory_space<hbm>> -> memref<64x128xf32, #tpu.memory_space<hbm>>
      %dma_wait3A_1939 = arith.constant 0 : i32
      %dma_wait3A_1940 = tpu.memref_slice %arg4[%dma_wait3A_1931, %mul3A_2, %dma_wait3A_1939] : memref<50x4096x128xf32, #tpu.memory_space<hbm>> -> memref<1x64x128xf32, #tpu.memory_space<hbm>>
      %dma_wait3A_1941 = tpu.memref_squeeze %dma_wait3A_1940 : memref<1x64x128xf32, #tpu.memory_space<hbm>> -> memref<64x128xf32, #tpu.memory_space<hbm>>
      %dma_wait3A_1942 = arith.constant 0 : i32
      %dma_wait3A_1943 = arith.constant 0 : i32
      %dma_wait3A_1944 = tpu.memref_slice %arg6[%dma_wait3A_1930, %dma_wait3A_1942, %dma_wait3A_1943] : memref<10x64x128xf32, #tpu.memory_space<vmem>> -> memref<1x64x128xf32, #tpu.memory_space<vmem>>
      %dma_wait3A_1945 = tpu.memref_squeeze %dma_wait3A_1944 : memref<1x64x128xf32, #tpu.memory_space<vmem>> -> memref<64x128xf32, #tpu.memory_space<vmem>>
      tpu.wait_dma2 semaphore(%arg26 : memref<!tpu.dma_semaphore, #tpu.memory_space<semaphore_mem>>) src(%dma_wait3A_1945 : memref<64x128xf32, #tpu.memory_space<vmem>>) dst(%dma_wait3A_1941 : memref<64x128xf32, #tpu.memory_space<hbm>>)
      %add3A_1946 = arith.constant 7 : i32
      %add3A_1947 = arith.addi %add3A_1859, %add3A_1946 : i32
      %jit3A_1948 = arith.constant 2 : i32
      %div3A_1949 = arith.divsi %add3A_1947, %jit3A_1948 : i32
      %sign3A_1950 = arith.constant 0 : i32
      %sign3A_1951 = arith.cmpi sgt, %add3A_1947, %sign3A_1950 : i32
      %sign3A_1952 = arith.extui %sign3A_1951 : i1 to i32
      %sign3A_1953 = arith.constant 0 : i32
      %sign3A_1954 = arith.cmpi slt, %add3A_1947, %sign3A_1953 : i32
      %sign3A_1955 = arith.extui %sign3A_1954 : i1 to i32
      %sign3A_1956 = arith.subi %sign3A_1952, %sign3A_1955 : i32
      %sign3A_1957 = arith.constant 0 : i32
      %sign3A_1958 = arith.cmpi sgt, %jit3A_1948, %sign3A_1957 : i32
      %sign3A_1959 = arith.extui %sign3A_1958 : i1 to i32
      %sign3A_1960 = arith.constant 0 : i32
      %sign3A_1961 = arith.cmpi slt, %jit3A_1948, %sign3A_1960 : i32
      %sign3A_1962 = arith.extui %sign3A_1961 : i1 to i32
      %sign3A_1963 = arith.subi %sign3A_1959, %sign3A_1962 : i32
      %ne3A_1964 = arith.cmpi ne, %sign3A_1956, %sign3A_1963 : i32
      %rem3A_1965 = arith.remsi %add3A_1947, %jit3A_1948 : i32
      %ne3A_1966 = arith.constant 0 : i32
      %ne3A_1967 = arith.cmpi ne, %rem3A_1965, %ne3A_1966 : i32
      %and3A_1968 = arith.andi %ne3A_1964, %ne3A_1967 : i1
      %sub3A_1969 = arith.constant 1 : i32
      %sub3A_1970 = arith.subi %div3A_1949, %sub3A_1969 : i32
      %select_n3A_1971 = arith.select %and3A_1968, %sub3A_1970, %div3A_1949 : i32
      %jit3A_1972 = arith.constant 2 : i32
      %eq3A_1973 = arith.constant 0 : i32
      %eq3A_1974 = arith.cmpi eq, %jit3A_1972, %eq3A_1973 : i32
      %jit3A_1975 = arith.constant 1 : i32
      %select_n3A_1976 = arith.select %eq3A_1974, %jit3A_1975, %jit3A_1972 : i32
      %rem3A_1977 = arith.remsi %add3A_1947, %select_n3A_1976 : i32
      %ne3A_1978 = arith.constant 0 : i32
      %ne3A_1979 = arith.cmpi ne, %rem3A_1977, %ne3A_1978 : i32
      %lt3A_1980 = arith.constant 0 : i32
      %lt3A_1981 = arith.cmpi slt, %rem3A_1977, %lt3A_1980 : i32
      %lt3A_1982 = arith.constant 0 : i32
      %lt3A_1983 = arith.cmpi slt, %select_n3A_1976, %lt3A_1982 : i32
      %ne3A_1984 = arith.xori %lt3A_1981, %lt3A_1983 : i1
      %and3A_1985 = arith.andi %ne3A_1984, %ne3A_1979 : i1
      %add3A_1986 = arith.addi %rem3A_1977, %select_n3A_1976 : i32
      %select_n3A_1987 = arith.select %and3A_1985, %add3A_1986, %rem3A_1977 : i32
      %mul3A_1988 = arith.constant 64 : i32
      %mul3A_1989 = arith.muli %select_n3A_1987, %mul3A_1988 : i32
      %dma_start3A_1990 = arith.constant 9 : i32
      %dma_start3A_1991 = arith.constant 0 : i32
      %dma_start3A_1992 = arith.constant 0 : i32
      %dma_start3A_1993 = tpu.memref_slice %arg6[%dma_start3A_1990, %dma_start3A_1991, %dma_start3A_1992] : memref<10x64x128xf32, #tpu.memory_space<vmem>> -> memref<1x64x128xf32, #tpu.memory_space<vmem>>
      %dma_start3A_1994 = tpu.memref_squeeze %dma_start3A_1993 : memref<1x64x128xf32, #tpu.memory_space<vmem>> -> memref<64x128xf32, #tpu.memory_space<vmem>>
      %dma_start3A_1995 = tpu.memref_slice %arg5[%select_n3A_1971, %mul3A_1989] : memref<50x128xi32, #tpu.memory_space<vmem>> -> memref<1x64xi32, #tpu.memory_space<vmem>>
      %dma_start3A_1996 = tpu.memref_squeeze %dma_start3A_1995 : memref<1x64xi32, #tpu.memory_space<vmem>> -> memref<64xi32, #tpu.memory_space<vmem>>
      %dma_start3A_1997 = arith.constant 0 : i32
      %dma_start3A_1998 = arith.constant 0 : i32
      %dma_start3A_1999 = tpu.memref_slice %arg3[%dma_start3A_1997, %dma_start3A_1998] : memref<100000x128xf32, #tpu.memory_space<hbm>> -> memref<100000x128xf32, #tpu.memory_space<hbm>>
      tpu.enqueue_indirect_dma source(%dma_start3A_1999 : memref<100000x128xf32, #tpu.memory_space<hbm>>) target(%dma_start3A_1994 : memref<64x128xf32, #tpu.memory_space<vmem>>) offsets(%dma_start3A_1996 : memref<64xi32, #tpu.memory_space<vmem>>) semaphore(%arg16 : memref<!tpu.dma_semaphore, #tpu.memory_space<semaphore_mem>>)
    }
    %scan3A_214 = arith.constant 9 : i32
    %dma_wait3A_215 = arith.constant 0 : i32
    %dma_wait3A_216 = arith.constant 3 : i32
    %dma_wait3A_217 = arith.constant 0 : i32
    %dma_wait3A_218 = arith.constant 0 : i32
    %dma_wait3A_219 = tpu.memref_slice %arg6[%dma_wait3A_216, %dma_wait3A_217, %dma_wait3A_218] : memref<10x64x128xf32, #tpu.memory_space<vmem>> -> memref<1x64x128xf32, #tpu.memory_space<vmem>>
    %dma_wait3A_220 = tpu.memref_squeeze %dma_wait3A_219 : memref<1x64x128xf32, #tpu.memory_space<vmem>> -> memref<64x128xf32, #tpu.memory_space<vmem>>
    %dma_wait3A_221 = arith.constant 0 : i32
    %dma_wait3A_222 = tpu.memref_slice %arg5[%dma_wait3A_215, %dma_wait3A_221] : memref<50x128xi32, #tpu.memory_space<vmem>> -> memref<1x64xi32, #tpu.memory_space<vmem>>
    %dma_wait3A_223 = tpu.memref_squeeze %dma_wait3A_222 : memref<1x64xi32, #tpu.memory_space<vmem>> -> memref<64xi32, #tpu.memory_space<vmem>>
    %dma_wait3A_224 = arith.constant 0 : i32
    %dma_wait3A_225 = arith.constant 0 : i32
    %dma_wait3A_226 = tpu.memref_slice %arg3[%dma_wait3A_224, %dma_wait3A_225] : memref<100000x128xf32, #tpu.memory_space<hbm>> -> memref<100000x128xf32, #tpu.memory_space<hbm>>
    tpu.wait_indirect_dma semaphore(%arg10 : memref<!tpu.dma_semaphore, #tpu.memory_space<semaphore_mem>>) src(%dma_wait3A_226 : memref<100000x128xf32, #tpu.memory_space<hbm>>) dst(%dma_wait3A_220 : memref<64x128xf32, #tpu.memory_space<vmem>>)
    %add3A_227 = arith.constant 64 : i32
    %add3A_228 = arith.addi %mul3A_2, %add3A_227 : i32
    %dma_start3A_229 = arith.constant 3 : i32
    %dma_start3A_230 = arith.constant 46 : i32
    %dma_start3A_231 = arith.constant 0 : i32
    %dma_start3A_232 = arith.constant 0 : i32
    %dma_start3A_233 = tpu.memref_slice %arg6[%dma_start3A_229, %dma_start3A_231, %dma_start3A_232] : memref<10x64x128xf32, #tpu.memory_space<vmem>> -> memref<1x64x128xf32, #tpu.memory_space<vmem>>
    %dma_start3A_234 = tpu.memref_squeeze %dma_start3A_233 : memref<1x64x128xf32, #tpu.memory_space<vmem>> -> memref<64x128xf32, #tpu.memory_space<vmem>>
    %dma_start3A_235 = arith.constant 0 : i32
    %dma_start3A_236 = tpu.memref_slice %arg4[%dma_start3A_230, %add3A_228, %dma_start3A_235] : memref<50x4096x128xf32, #tpu.memory_space<hbm>> -> memref<1x64x128xf32, #tpu.memory_space<hbm>>
    %dma_start3A_237 = tpu.memref_squeeze %dma_start3A_236 : memref<1x64x128xf32, #tpu.memory_space<hbm>> -> memref<64x128xf32, #tpu.memory_space<hbm>>
    %dma_start3A_238 = arith.constant 0 : i32
    %dma_start3A_239 = tpu.memref_slice %arg4[%dma_start3A_230, %add3A_228, %dma_start3A_238] : memref<50x4096x128xf32, #tpu.memory_space<hbm>> -> memref<1x64x128xf32, #tpu.memory_space<hbm>>
    %dma_start3A_240 = tpu.memref_squeeze %dma_start3A_239 : memref<1x64x128xf32, #tpu.memory_space<hbm>> -> memref<64x128xf32, #tpu.memory_space<hbm>>
    %dma_start3A_241 = arith.constant 0 : i32
    %dma_start3A_242 = arith.constant 0 : i32
    %dma_start3A_243 = tpu.memref_slice %arg6[%dma_start3A_229, %dma_start3A_241, %dma_start3A_242] : memref<10x64x128xf32, #tpu.memory_space<vmem>> -> memref<1x64x128xf32, #tpu.memory_space<vmem>>
    %dma_start3A_244 = tpu.memref_squeeze %dma_start3A_243 : memref<1x64x128xf32, #tpu.memory_space<vmem>> -> memref<64x128xf32, #tpu.memory_space<vmem>>
    tpu.enqueue_dma source(%dma_start3A_244 : memref<64x128xf32, #tpu.memory_space<vmem>>) target(%dma_start3A_240 : memref<64x128xf32, #tpu.memory_space<hbm>>) target_semaphore(%arg20 : memref<!tpu.dma_semaphore, #tpu.memory_space<semaphore_mem>>)
    %dma_wait3A_245 = arith.constant 0 : i32
    %dma_wait3A_246 = arith.constant 0 : i32
    %dma_wait3A_247 = arith.constant 0 : i32
    %dma_wait3A_248 = arith.constant 0 : i32
    %dma_wait3A_249 = tpu.memref_slice %arg6[%dma_wait3A_245, %dma_wait3A_247, %dma_wait3A_248] : memref<10x64x128xf32, #tpu.memory_space<vmem>> -> memref<1x64x128xf32, #tpu.memory_space<vmem>>
    %dma_wait3A_250 = tpu.memref_squeeze %dma_wait3A_249 : memref<1x64x128xf32, #tpu.memory_space<vmem>> -> memref<64x128xf32, #tpu.memory_space<vmem>>
    %dma_wait3A_251 = arith.constant 0 : i32
    %dma_wait3A_252 = tpu.memref_slice %arg4[%dma_wait3A_246, %mul3A_2, %dma_wait3A_251] : memref<50x4096x128xf32, #tpu.memory_space<hbm>> -> memref<1x64x128xf32, #tpu.memory_space<hbm>>
    %dma_wait3A_253 = tpu.memref_squeeze %dma_wait3A_252 : memref<1x64x128xf32, #tpu.memory_space<hbm>> -> memref<64x128xf32, #tpu.memory_space<hbm>>
    %dma_wait3A_254 = arith.constant 0 : i32
    %dma_wait3A_255 = tpu.memref_slice %arg4[%dma_wait3A_246, %mul3A_2, %dma_wait3A_254] : memref<50x4096x128xf32, #tpu.memory_space<hbm>> -> memref<1x64x128xf32, #tpu.memory_space<hbm>>
    %dma_wait3A_256 = tpu.memref_squeeze %dma_wait3A_255 : memref<1x64x128xf32, #tpu.memory_space<hbm>> -> memref<64x128xf32, #tpu.memory_space<hbm>>
    %dma_wait3A_257 = arith.constant 0 : i32
    %dma_wait3A_258 = arith.constant 0 : i32
    %dma_wait3A_259 = tpu.memref_slice %arg6[%dma_wait3A_245, %dma_wait3A_257, %dma_wait3A_258] : memref<10x64x128xf32, #tpu.memory_space<vmem>> -> memref<1x64x128xf32, #tpu.memory_space<vmem>>
    %dma_wait3A_260 = tpu.memref_squeeze %dma_wait3A_259 : memref<1x64x128xf32, #tpu.memory_space<vmem>> -> memref<64x128xf32, #tpu.memory_space<vmem>>
    tpu.wait_dma2 semaphore(%arg17 : memref<!tpu.dma_semaphore, #tpu.memory_space<semaphore_mem>>) src(%dma_wait3A_260 : memref<64x128xf32, #tpu.memory_space<vmem>>) dst(%dma_wait3A_256 : memref<64x128xf32, #tpu.memory_space<hbm>>)
    %dma_wait3A_261 = arith.constant 0 : i32
    %dma_wait3A_262 = arith.constant 4 : i32
    %dma_wait3A_263 = arith.constant 0 : i32
    %dma_wait3A_264 = arith.constant 0 : i32
    %dma_wait3A_265 = tpu.memref_slice %arg6[%dma_wait3A_262, %dma_wait3A_263, %dma_wait3A_264] : memref<10x64x128xf32, #tpu.memory_space<vmem>> -> memref<1x64x128xf32, #tpu.memory_space<vmem>>
    %dma_wait3A_266 = tpu.memref_squeeze %dma_wait3A_265 : memref<1x64x128xf32, #tpu.memory_space<vmem>> -> memref<64x128xf32, #tpu.memory_space<vmem>>
    %dma_wait3A_267 = arith.constant 0 : i32
    %dma_wait3A_268 = tpu.memref_slice %arg5[%dma_wait3A_261, %dma_wait3A_267] : memref<50x128xi32, #tpu.memory_space<vmem>> -> memref<1x64xi32, #tpu.memory_space<vmem>>
    %dma_wait3A_269 = tpu.memref_squeeze %dma_wait3A_268 : memref<1x64xi32, #tpu.memory_space<vmem>> -> memref<64xi32, #tpu.memory_space<vmem>>
    %dma_wait3A_270 = arith.constant 0 : i32
    %dma_wait3A_271 = arith.constant 0 : i32
    %dma_wait3A_272 = tpu.memref_slice %arg3[%dma_wait3A_270, %dma_wait3A_271] : memref<100000x128xf32, #tpu.memory_space<hbm>> -> memref<100000x128xf32, #tpu.memory_space<hbm>>
    tpu.wait_indirect_dma semaphore(%arg11 : memref<!tpu.dma_semaphore, #tpu.memory_space<semaphore_mem>>) src(%dma_wait3A_272 : memref<100000x128xf32, #tpu.memory_space<hbm>>) dst(%dma_wait3A_266 : memref<64x128xf32, #tpu.memory_space<vmem>>)
    %add3A_273 = arith.constant 0 : i32
    %add3A_274 = arith.addi %mul3A_2, %add3A_273 : i32
    %dma_start3A_275 = arith.constant 4 : i32
    %dma_start3A_276 = arith.constant 47 : i32
    %dma_start3A_277 = arith.constant 0 : i32
    %dma_start3A_278 = arith.constant 0 : i32
    %dma_start3A_279 = tpu.memref_slice %arg6[%dma_start3A_275, %dma_start3A_277, %dma_start3A_278] : memref<10x64x128xf32, #tpu.memory_space<vmem>> -> memref<1x64x128xf32, #tpu.memory_space<vmem>>
    %dma_start3A_280 = tpu.memref_squeeze %dma_start3A_279 : memref<1x64x128xf32, #tpu.memory_space<vmem>> -> memref<64x128xf32, #tpu.memory_space<vmem>>
    %dma_start3A_281 = arith.constant 0 : i32
    %dma_start3A_282 = tpu.memref_slice %arg4[%dma_start3A_276, %add3A_274, %dma_start3A_281] : memref<50x4096x128xf32, #tpu.memory_space<hbm>> -> memref<1x64x128xf32, #tpu.memory_space<hbm>>
    %dma_start3A_283 = tpu.memref_squeeze %dma_start3A_282 : memref<1x64x128xf32, #tpu.memory_space<hbm>> -> memref<64x128xf32, #tpu.memory_space<hbm>>
    %dma_start3A_284 = arith.constant 0 : i32
    %dma_start3A_285 = tpu.memref_slice %arg4[%dma_start3A_276, %add3A_274, %dma_start3A_284] : memref<50x4096x128xf32, #tpu.memory_space<hbm>> -> memref<1x64x128xf32, #tpu.memory_space<hbm>>
    %dma_start3A_286 = tpu.memref_squeeze %dma_start3A_285 : memref<1x64x128xf32, #tpu.memory_space<hbm>> -> memref<64x128xf32, #tpu.memory_space<hbm>>
    %dma_start3A_287 = arith.constant 0 : i32
    %dma_start3A_288 = arith.constant 0 : i32
    %dma_start3A_289 = tpu.memref_slice %arg6[%dma_start3A_275, %dma_start3A_287, %dma_start3A_288] : memref<10x64x128xf32, #tpu.memory_space<vmem>> -> memref<1x64x128xf32, #tpu.memory_space<vmem>>
    %dma_start3A_290 = tpu.memref_squeeze %dma_start3A_289 : memref<1x64x128xf32, #tpu.memory_space<vmem>> -> memref<64x128xf32, #tpu.memory_space<vmem>>
    tpu.enqueue_dma source(%dma_start3A_290 : memref<64x128xf32, #tpu.memory_space<vmem>>) target(%dma_start3A_286 : memref<64x128xf32, #tpu.memory_space<hbm>>) target_semaphore(%arg21 : memref<!tpu.dma_semaphore, #tpu.memory_space<semaphore_mem>>)
    %dma_wait3A_291 = arith.constant 1 : i32
    %dma_wait3A_292 = arith.constant 0 : i32
    %dma_wait3A_293 = arith.constant 0 : i32
    %dma_wait3A_294 = arith.constant 0 : i32
    %dma_wait3A_295 = tpu.memref_slice %arg6[%dma_wait3A_291, %dma_wait3A_293, %dma_wait3A_294] : memref<10x64x128xf32, #tpu.memory_space<vmem>> -> memref<1x64x128xf32, #tpu.memory_space<vmem>>
    %dma_wait3A_296 = tpu.memref_squeeze %dma_wait3A_295 : memref<1x64x128xf32, #tpu.memory_space<vmem>> -> memref<64x128xf32, #tpu.memory_space<vmem>>
    %dma_wait3A_297 = arith.constant 0 : i32
    %dma_wait3A_298 = tpu.memref_slice %arg4[%dma_wait3A_292, %mul3A_2, %dma_wait3A_297] : memref<50x4096x128xf32, #tpu.memory_space<hbm>> -> memref<1x64x128xf32, #tpu.memory_space<hbm>>
    %dma_wait3A_299 = tpu.memref_squeeze %dma_wait3A_298 : memref<1x64x128xf32, #tpu.memory_space<hbm>> -> memref<64x128xf32, #tpu.memory_space<hbm>>
    %dma_wait3A_300 = arith.constant 0 : i32
    %dma_wait3A_301 = tpu.memref_slice %arg4[%dma_wait3A_292, %mul3A_2, %dma_wait3A_300] : memref<50x4096x128xf32, #tpu.memory_space<hbm>> -> memref<1x64x128xf32, #tpu.memory_space<hbm>>
    %dma_wait3A_302 = tpu.memref_squeeze %dma_wait3A_301 : memref<1x64x128xf32, #tpu.memory_space<hbm>> -> memref<64x128xf32, #tpu.memory_space<hbm>>
    %dma_wait3A_303 = arith.constant 0 : i32
    %dma_wait3A_304 = arith.constant 0 : i32
    %dma_wait3A_305 = tpu.memref_slice %arg6[%dma_wait3A_291, %dma_wait3A_303, %dma_wait3A_304] : memref<10x64x128xf32, #tpu.memory_space<vmem>> -> memref<1x64x128xf32, #tpu.memory_space<vmem>>
    %dma_wait3A_306 = tpu.memref_squeeze %dma_wait3A_305 : memref<1x64x128xf32, #tpu.memory_space<vmem>> -> memref<64x128xf32, #tpu.memory_space<vmem>>
    tpu.wait_dma2 semaphore(%arg18 : memref<!tpu.dma_semaphore, #tpu.memory_space<semaphore_mem>>) src(%dma_wait3A_306 : memref<64x128xf32, #tpu.memory_space<vmem>>) dst(%dma_wait3A_302 : memref<64x128xf32, #tpu.memory_space<hbm>>)
    %dma_wait3A_307 = arith.constant 0 : i32
    %dma_wait3A_308 = arith.constant 5 : i32
    %dma_wait3A_309 = arith.constant 0 : i32
    %dma_wait3A_310 = arith.constant 0 : i32
    %dma_wait3A_311 = tpu.memref_slice %arg6[%dma_wait3A_308, %dma_wait3A_309, %dma_wait3A_310] : memref<10x64x128xf32, #tpu.memory_space<vmem>> -> memref<1x64x128xf32, #tpu.memory_space<vmem>>
    %dma_wait3A_312 = tpu.memref_squeeze %dma_wait3A_311 : memref<1x64x128xf32, #tpu.memory_space<vmem>> -> memref<64x128xf32, #tpu.memory_space<vmem>>
    %dma_wait3A_313 = arith.constant 0 : i32
    %dma_wait3A_314 = tpu.memref_slice %arg5[%dma_wait3A_307, %dma_wait3A_313] : memref<50x128xi32, #tpu.memory_space<vmem>> -> memref<1x64xi32, #tpu.memory_space<vmem>>
    %dma_wait3A_315 = tpu.memref_squeeze %dma_wait3A_314 : memref<1x64xi32, #tpu.memory_space<vmem>> -> memref<64xi32, #tpu.memory_space<vmem>>
    %dma_wait3A_316 = arith.constant 0 : i32
    %dma_wait3A_317 = arith.constant 0 : i32
    %dma_wait3A_318 = tpu.memref_slice %arg3[%dma_wait3A_316, %dma_wait3A_317] : memref<100000x128xf32, #tpu.memory_space<hbm>> -> memref<100000x128xf32, #tpu.memory_space<hbm>>
    tpu.wait_indirect_dma semaphore(%arg12 : memref<!tpu.dma_semaphore, #tpu.memory_space<semaphore_mem>>) src(%dma_wait3A_318 : memref<100000x128xf32, #tpu.memory_space<hbm>>) dst(%dma_wait3A_312 : memref<64x128xf32, #tpu.memory_space<vmem>>)
    %add3A_319 = arith.constant 64 : i32
    %add3A_320 = arith.addi %mul3A_2, %add3A_319 : i32
    %dma_start3A_321 = arith.constant 5 : i32
    %dma_start3A_322 = arith.constant 47 : i32
    %dma_start3A_323 = arith.constant 0 : i32
    %dma_start3A_324 = arith.constant 0 : i32
    %dma_start3A_325 = tpu.memref_slice %arg6[%dma_start3A_321, %dma_start3A_323, %dma_start3A_324] : memref<10x64x128xf32, #tpu.memory_space<vmem>> -> memref<1x64x128xf32, #tpu.memory_space<vmem>>
    %dma_start3A_326 = tpu.memref_squeeze %dma_start3A_325 : memref<1x64x128xf32, #tpu.memory_space<vmem>> -> memref<64x128xf32, #tpu.memory_space<vmem>>
    %dma_start3A_327 = arith.constant 0 : i32
    %dma_start3A_328 = tpu.memref_slice %arg4[%dma_start3A_322, %add3A_320, %dma_start3A_327] : memref<50x4096x128xf32, #tpu.memory_space<hbm>> -> memref<1x64x128xf32, #tpu.memory_space<hbm>>
    %dma_start3A_329 = tpu.memref_squeeze %dma_start3A_328 : memref<1x64x128xf32, #tpu.memory_space<hbm>> -> memref<64x128xf32, #tpu.memory_space<hbm>>
    %dma_start3A_330 = arith.constant 0 : i32
    %dma_start3A_331 = tpu.memref_slice %arg4[%dma_start3A_322, %add3A_320, %dma_start3A_330] : memref<50x4096x128xf32, #tpu.memory_space<hbm>> -> memref<1x64x128xf32, #tpu.memory_space<hbm>>
    %dma_start3A_332 = tpu.memref_squeeze %dma_start3A_331 : memref<1x64x128xf32, #tpu.memory_space<hbm>> -> memref<64x128xf32, #tpu.memory_space<hbm>>
    %dma_start3A_333 = arith.constant 0 : i32
    %dma_start3A_334 = arith.constant 0 : i32
    %dma_start3A_335 = tpu.memref_slice %arg6[%dma_start3A_321, %dma_start3A_333, %dma_start3A_334] : memref<10x64x128xf32, #tpu.memory_space<vmem>> -> memref<1x64x128xf32, #tpu.memory_space<vmem>>
    %dma_start3A_336 = tpu.memref_squeeze %dma_start3A_335 : memref<1x64x128xf32, #tpu.memory_space<vmem>> -> memref<64x128xf32, #tpu.memory_space<vmem>>
    tpu.enqueue_dma source(%dma_start3A_336 : memref<64x128xf32, #tpu.memory_space<vmem>>) target(%dma_start3A_332 : memref<64x128xf32, #tpu.memory_space<hbm>>) target_semaphore(%arg22 : memref<!tpu.dma_semaphore, #tpu.memory_space<semaphore_mem>>)
    %dma_wait3A_337 = arith.constant 2 : i32
    %dma_wait3A_338 = arith.constant 0 : i32
    %dma_wait3A_339 = arith.constant 0 : i32
    %dma_wait3A_340 = arith.constant 0 : i32
    %dma_wait3A_341 = tpu.memref_slice %arg6[%dma_wait3A_337, %dma_wait3A_339, %dma_wait3A_340] : memref<10x64x128xf32, #tpu.memory_space<vmem>> -> memref<1x64x128xf32, #tpu.memory_space<vmem>>
    %dma_wait3A_342 = tpu.memref_squeeze %dma_wait3A_341 : memref<1x64x128xf32, #tpu.memory_space<vmem>> -> memref<64x128xf32, #tpu.memory_space<vmem>>
    %dma_wait3A_343 = arith.constant 0 : i32
    %dma_wait3A_344 = tpu.memref_slice %arg4[%dma_wait3A_338, %mul3A_2, %dma_wait3A_343] : memref<50x4096x128xf32, #tpu.memory_space<hbm>> -> memref<1x64x128xf32, #tpu.memory_space<hbm>>
    %dma_wait3A_345 = tpu.memref_squeeze %dma_wait3A_344 : memref<1x64x128xf32, #tpu.memory_space<hbm>> -> memref<64x128xf32, #tpu.memory_space<hbm>>
    %dma_wait3A_346 = arith.constant 0 : i32
    %dma_wait3A_347 = tpu.memref_slice %arg4[%dma_wait3A_338, %mul3A_2, %dma_wait3A_346] : memref<50x4096x128xf32, #tpu.memory_space<hbm>> -> memref<1x64x128xf32, #tpu.memory_space<hbm>>
    %dma_wait3A_348 = tpu.memref_squeeze %dma_wait3A_347 : memref<1x64x128xf32, #tpu.memory_space<hbm>> -> memref<64x128xf32, #tpu.memory_space<hbm>>
    %dma_wait3A_349 = arith.constant 0 : i32
    %dma_wait3A_350 = arith.constant 0 : i32
    %dma_wait3A_351 = tpu.memref_slice %arg6[%dma_wait3A_337, %dma_wait3A_349, %dma_wait3A_350] : memref<10x64x128xf32, #tpu.memory_space<vmem>> -> memref<1x64x128xf32, #tpu.memory_space<vmem>>
    %dma_wait3A_352 = tpu.memref_squeeze %dma_wait3A_351 : memref<1x64x128xf32, #tpu.memory_space<vmem>> -> memref<64x128xf32, #tpu.memory_space<vmem>>
    tpu.wait_dma2 semaphore(%arg19 : memref<!tpu.dma_semaphore, #tpu.memory_space<semaphore_mem>>) src(%dma_wait3A_352 : memref<64x128xf32, #tpu.memory_space<vmem>>) dst(%dma_wait3A_348 : memref<64x128xf32, #tpu.memory_space<hbm>>)
    %dma_wait3A_353 = arith.constant 0 : i32
    %dma_wait3A_354 = arith.constant 6 : i32
    %dma_wait3A_355 = arith.constant 0 : i32
    %dma_wait3A_356 = arith.constant 0 : i32
    %dma_wait3A_357 = tpu.memref_slice %arg6[%dma_wait3A_354, %dma_wait3A_355, %dma_wait3A_356] : memref<10x64x128xf32, #tpu.memory_space<vmem>> -> memref<1x64x128xf32, #tpu.memory_space<vmem>>
    %dma_wait3A_358 = tpu.memref_squeeze %dma_wait3A_357 : memref<1x64x128xf32, #tpu.memory_space<vmem>> -> memref<64x128xf32, #tpu.memory_space<vmem>>
    %dma_wait3A_359 = arith.constant 0 : i32
    %dma_wait3A_360 = tpu.memref_slice %arg5[%dma_wait3A_353, %dma_wait3A_359] : memref<50x128xi32, #tpu.memory_space<vmem>> -> memref<1x64xi32, #tpu.memory_space<vmem>>
    %dma_wait3A_361 = tpu.memref_squeeze %dma_wait3A_360 : memref<1x64xi32, #tpu.memory_space<vmem>> -> memref<64xi32, #tpu.memory_space<vmem>>
    %dma_wait3A_362 = arith.constant 0 : i32
    %dma_wait3A_363 = arith.constant 0 : i32
    %dma_wait3A_364 = tpu.memref_slice %arg3[%dma_wait3A_362, %dma_wait3A_363] : memref<100000x128xf32, #tpu.memory_space<hbm>> -> memref<100000x128xf32, #tpu.memory_space<hbm>>
    tpu.wait_indirect_dma semaphore(%arg13 : memref<!tpu.dma_semaphore, #tpu.memory_space<semaphore_mem>>) src(%dma_wait3A_364 : memref<100000x128xf32, #tpu.memory_space<hbm>>) dst(%dma_wait3A_358 : memref<64x128xf32, #tpu.memory_space<vmem>>)
    %add3A_365 = arith.constant 0 : i32
    %add3A_366 = arith.addi %mul3A_2, %add3A_365 : i32
    %dma_start3A_367 = arith.constant 6 : i32
    %dma_start3A_368 = arith.constant 48 : i32
    %dma_start3A_369 = arith.constant 0 : i32
    %dma_start3A_370 = arith.constant 0 : i32
    %dma_start3A_371 = tpu.memref_slice %arg6[%dma_start3A_367, %dma_start3A_369, %dma_start3A_370] : memref<10x64x128xf32, #tpu.memory_space<vmem>> -> memref<1x64x128xf32, #tpu.memory_space<vmem>>
    %dma_start3A_372 = tpu.memref_squeeze %dma_start3A_371 : memref<1x64x128xf32, #tpu.memory_space<vmem>> -> memref<64x128xf32, #tpu.memory_space<vmem>>
    %dma_start3A_373 = arith.constant 0 : i32
    %dma_start3A_374 = tpu.memref_slice %arg4[%dma_start3A_368, %add3A_366, %dma_start3A_373] : memref<50x4096x128xf32, #tpu.memory_space<hbm>> -> memref<1x64x128xf32, #tpu.memory_space<hbm>>
    %dma_start3A_375 = tpu.memref_squeeze %dma_start3A_374 : memref<1x64x128xf32, #tpu.memory_space<hbm>> -> memref<64x128xf32, #tpu.memory_space<hbm>>
    %dma_start3A_376 = arith.constant 0 : i32
    %dma_start3A_377 = tpu.memref_slice %arg4[%dma_start3A_368, %add3A_366, %dma_start3A_376] : memref<50x4096x128xf32, #tpu.memory_space<hbm>> -> memref<1x64x128xf32, #tpu.memory_space<hbm>>
    %dma_start3A_378 = tpu.memref_squeeze %dma_start3A_377 : memref<1x64x128xf32, #tpu.memory_space<hbm>> -> memref<64x128xf32, #tpu.memory_space<hbm>>
    %dma_start3A_379 = arith.constant 0 : i32
    %dma_start3A_380 = arith.constant 0 : i32
    %dma_start3A_381 = tpu.memref_slice %arg6[%dma_start3A_367, %dma_start3A_379, %dma_start3A_380] : memref<10x64x128xf32, #tpu.memory_space<vmem>> -> memref<1x64x128xf32, #tpu.memory_space<vmem>>
    %dma_start3A_382 = tpu.memref_squeeze %dma_start3A_381 : memref<1x64x128xf32, #tpu.memory_space<vmem>> -> memref<64x128xf32, #tpu.memory_space<vmem>>
    tpu.enqueue_dma source(%dma_start3A_382 : memref<64x128xf32, #tpu.memory_space<vmem>>) target(%dma_start3A_378 : memref<64x128xf32, #tpu.memory_space<hbm>>) target_semaphore(%arg23 : memref<!tpu.dma_semaphore, #tpu.memory_space<semaphore_mem>>)
    %dma_wait3A_383 = arith.constant 3 : i32
    %dma_wait3A_384 = arith.constant 0 : i32
    %dma_wait3A_385 = arith.constant 0 : i32
    %dma_wait3A_386 = arith.constant 0 : i32
    %dma_wait3A_387 = tpu.memref_slice %arg6[%dma_wait3A_383, %dma_wait3A_385, %dma_wait3A_386] : memref<10x64x128xf32, #tpu.memory_space<vmem>> -> memref<1x64x128xf32, #tpu.memory_space<vmem>>
    %dma_wait3A_388 = tpu.memref_squeeze %dma_wait3A_387 : memref<1x64x128xf32, #tpu.memory_space<vmem>> -> memref<64x128xf32, #tpu.memory_space<vmem>>
    %dma_wait3A_389 = arith.constant 0 : i32
    %dma_wait3A_390 = tpu.memref_slice %arg4[%dma_wait3A_384, %mul3A_2, %dma_wait3A_389] : memref<50x4096x128xf32, #tpu.memory_space<hbm>> -> memref<1x64x128xf32, #tpu.memory_space<hbm>>
    %dma_wait3A_391 = tpu.memref_squeeze %dma_wait3A_390 : memref<1x64x128xf32, #tpu.memory_space<hbm>> -> memref<64x128xf32, #tpu.memory_space<hbm>>
    %dma_wait3A_392 = arith.constant 0 : i32
    %dma_wait3A_393 = tpu.memref_slice %arg4[%dma_wait3A_384, %mul3A_2, %dma_wait3A_392] : memref<50x4096x128xf32, #tpu.memory_space<hbm>> -> memref<1x64x128xf32, #tpu.memory_space<hbm>>
    %dma_wait3A_394 = tpu.memref_squeeze %dma_wait3A_393 : memref<1x64x128xf32, #tpu.memory_space<hbm>> -> memref<64x128xf32, #tpu.memory_space<hbm>>
    %dma_wait3A_395 = arith.constant 0 : i32
    %dma_wait3A_396 = arith.constant 0 : i32
    %dma_wait3A_397 = tpu.memref_slice %arg6[%dma_wait3A_383, %dma_wait3A_395, %dma_wait3A_396] : memref<10x64x128xf32, #tpu.memory_space<vmem>> -> memref<1x64x128xf32, #tpu.memory_space<vmem>>
    %dma_wait3A_398 = tpu.memref_squeeze %dma_wait3A_397 : memref<1x64x128xf32, #tpu.memory_space<vmem>> -> memref<64x128xf32, #tpu.memory_space<vmem>>
    tpu.wait_dma2 semaphore(%arg20 : memref<!tpu.dma_semaphore, #tpu.memory_space<semaphore_mem>>) src(%dma_wait3A_398 : memref<64x128xf32, #tpu.memory_space<vmem>>) dst(%dma_wait3A_394 : memref<64x128xf32, #tpu.memory_space<hbm>>)
    %dma_wait3A_399 = arith.constant 0 : i32
    %dma_wait3A_400 = arith.constant 7 : i32
    %dma_wait3A_401 = arith.constant 0 : i32
    %dma_wait3A_402 = arith.constant 0 : i32
    %dma_wait3A_403 = tpu.memref_slice %arg6[%dma_wait3A_400, %dma_wait3A_401, %dma_wait3A_402] : memref<10x64x128xf32, #tpu.memory_space<vmem>> -> memref<1x64x128xf32, #tpu.memory_space<vmem>>
    %dma_wait3A_404 = tpu.memref_squeeze %dma_wait3A_403 : memref<1x64x128xf32, #tpu.memory_space<vmem>> -> memref<64x128xf32, #tpu.memory_space<vmem>>
    %dma_wait3A_405 = arith.constant 0 : i32
    %dma_wait3A_406 = tpu.memref_slice %arg5[%dma_wait3A_399, %dma_wait3A_405] : memref<50x128xi32, #tpu.memory_space<vmem>> -> memref<1x64xi32, #tpu.memory_space<vmem>>
    %dma_wait3A_407 = tpu.memref_squeeze %dma_wait3A_406 : memref<1x64xi32, #tpu.memory_space<vmem>> -> memref<64xi32, #tpu.memory_space<vmem>>
    %dma_wait3A_408 = arith.constant 0 : i32
    %dma_wait3A_409 = arith.constant 0 : i32
    %dma_wait3A_410 = tpu.memref_slice %arg3[%dma_wait3A_408, %dma_wait3A_409] : memref<100000x128xf32, #tpu.memory_space<hbm>> -> memref<100000x128xf32, #tpu.memory_space<hbm>>
    tpu.wait_indirect_dma semaphore(%arg14 : memref<!tpu.dma_semaphore, #tpu.memory_space<semaphore_mem>>) src(%dma_wait3A_410 : memref<100000x128xf32, #tpu.memory_space<hbm>>) dst(%dma_wait3A_404 : memref<64x128xf32, #tpu.memory_space<vmem>>)
    %add3A_411 = arith.constant 64 : i32
    %add3A_412 = arith.addi %mul3A_2, %add3A_411 : i32
    %dma_start3A_413 = arith.constant 7 : i32
    %dma_start3A_414 = arith.constant 48 : i32
    %dma_start3A_415 = arith.constant 0 : i32
    %dma_start3A_416 = arith.constant 0 : i32
    %dma_start3A_417 = tpu.memref_slice %arg6[%dma_start3A_413, %dma_start3A_415, %dma_start3A_416] : memref<10x64x128xf32, #tpu.memory_space<vmem>> -> memref<1x64x128xf32, #tpu.memory_space<vmem>>
    %dma_start3A_418 = tpu.memref_squeeze %dma_start3A_417 : memref<1x64x128xf32, #tpu.memory_space<vmem>> -> memref<64x128xf32, #tpu.memory_space<vmem>>
    %dma_start3A_419 = arith.constant 0 : i32
    %dma_start3A_420 = tpu.memref_slice %arg4[%dma_start3A_414, %add3A_412, %dma_start3A_419] : memref<50x4096x128xf32, #tpu.memory_space<hbm>> -> memref<1x64x128xf32, #tpu.memory_space<hbm>>
    %dma_start3A_421 = tpu.memref_squeeze %dma_start3A_420 : memref<1x64x128xf32, #tpu.memory_space<hbm>> -> memref<64x128xf32, #tpu.memory_space<hbm>>
    %dma_start3A_422 = arith.constant 0 : i32
    %dma_start3A_423 = tpu.memref_slice %arg4[%dma_start3A_414, %add3A_412, %dma_start3A_422] : memref<50x4096x128xf32, #tpu.memory_space<hbm>> -> memref<1x64x128xf32, #tpu.memory_space<hbm>>
    %dma_start3A_424 = tpu.memref_squeeze %dma_start3A_423 : memref<1x64x128xf32, #tpu.memory_space<hbm>> -> memref<64x128xf32, #tpu.memory_space<hbm>>
    %dma_start3A_425 = arith.constant 0 : i32
    %dma_start3A_426 = arith.constant 0 : i32
    %dma_start3A_427 = tpu.memref_slice %arg6[%dma_start3A_413, %dma_start3A_425, %dma_start3A_426] : memref<10x64x128xf32, #tpu.memory_space<vmem>> -> memref<1x64x128xf32, #tpu.memory_space<vmem>>
    %dma_start3A_428 = tpu.memref_squeeze %dma_start3A_427 : memref<1x64x128xf32, #tpu.memory_space<vmem>> -> memref<64x128xf32, #tpu.memory_space<vmem>>
    tpu.enqueue_dma source(%dma_start3A_428 : memref<64x128xf32, #tpu.memory_space<vmem>>) target(%dma_start3A_424 : memref<64x128xf32, #tpu.memory_space<hbm>>) target_semaphore(%arg24 : memref<!tpu.dma_semaphore, #tpu.memory_space<semaphore_mem>>)
    %dma_wait3A_429 = arith.constant 4 : i32
    %dma_wait3A_430 = arith.constant 0 : i32
    %dma_wait3A_431 = arith.constant 0 : i32
    %dma_wait3A_432 = arith.constant 0 : i32
    %dma_wait3A_433 = tpu.memref_slice %arg6[%dma_wait3A_429, %dma_wait3A_431, %dma_wait3A_432] : memref<10x64x128xf32, #tpu.memory_space<vmem>> -> memref<1x64x128xf32, #tpu.memory_space<vmem>>
    %dma_wait3A_434 = tpu.memref_squeeze %dma_wait3A_433 : memref<1x64x128xf32, #tpu.memory_space<vmem>> -> memref<64x128xf32, #tpu.memory_space<vmem>>
    %dma_wait3A_435 = arith.constant 0 : i32
    %dma_wait3A_436 = tpu.memref_slice %arg4[%dma_wait3A_430, %mul3A_2, %dma_wait3A_435] : memref<50x4096x128xf32, #tpu.memory_space<hbm>> -> memref<1x64x128xf32, #tpu.memory_space<hbm>>
    %dma_wait3A_437 = tpu.memref_squeeze %dma_wait3A_436 : memref<1x64x128xf32, #tpu.memory_space<hbm>> -> memref<64x128xf32, #tpu.memory_space<hbm>>
    %dma_wait3A_438 = arith.constant 0 : i32
    %dma_wait3A_439 = tpu.memref_slice %arg4[%dma_wait3A_430, %mul3A_2, %dma_wait3A_438] : memref<50x4096x128xf32, #tpu.memory_space<hbm>> -> memref<1x64x128xf32, #tpu.memory_space<hbm>>
    %dma_wait3A_440 = tpu.memref_squeeze %dma_wait3A_439 : memref<1x64x128xf32, #tpu.memory_space<hbm>> -> memref<64x128xf32, #tpu.memory_space<hbm>>
    %dma_wait3A_441 = arith.constant 0 : i32
    %dma_wait3A_442 = arith.constant 0 : i32
    %dma_wait3A_443 = tpu.memref_slice %arg6[%dma_wait3A_429, %dma_wait3A_441, %dma_wait3A_442] : memref<10x64x128xf32, #tpu.memory_space<vmem>> -> memref<1x64x128xf32, #tpu.memory_space<vmem>>
    %dma_wait3A_444 = tpu.memref_squeeze %dma_wait3A_443 : memref<1x64x128xf32, #tpu.memory_space<vmem>> -> memref<64x128xf32, #tpu.memory_space<vmem>>
    tpu.wait_dma2 semaphore(%arg21 : memref<!tpu.dma_semaphore, #tpu.memory_space<semaphore_mem>>) src(%dma_wait3A_444 : memref<64x128xf32, #tpu.memory_space<vmem>>) dst(%dma_wait3A_440 : memref<64x128xf32, #tpu.memory_space<hbm>>)
    %dma_wait3A_445 = arith.constant 0 : i32
    %dma_wait3A_446 = arith.constant 8 : i32
    %dma_wait3A_447 = arith.constant 0 : i32
    %dma_wait3A_448 = arith.constant 0 : i32
    %dma_wait3A_449 = tpu.memref_slice %arg6[%dma_wait3A_446, %dma_wait3A_447, %dma_wait3A_448] : memref<10x64x128xf32, #tpu.memory_space<vmem>> -> memref<1x64x128xf32, #tpu.memory_space<vmem>>
    %dma_wait3A_450 = tpu.memref_squeeze %dma_wait3A_449 : memref<1x64x128xf32, #tpu.memory_space<vmem>> -> memref<64x128xf32, #tpu.memory_space<vmem>>
    %dma_wait3A_451 = arith.constant 0 : i32
    %dma_wait3A_452 = tpu.memref_slice %arg5[%dma_wait3A_445, %dma_wait3A_451] : memref<50x128xi32, #tpu.memory_space<vmem>> -> memref<1x64xi32, #tpu.memory_space<vmem>>
    %dma_wait3A_453 = tpu.memref_squeeze %dma_wait3A_452 : memref<1x64xi32, #tpu.memory_space<vmem>> -> memref<64xi32, #tpu.memory_space<vmem>>
    %dma_wait3A_454 = arith.constant 0 : i32
    %dma_wait3A_455 = arith.constant 0 : i32
    %dma_wait3A_456 = tpu.memref_slice %arg3[%dma_wait3A_454, %dma_wait3A_455] : memref<100000x128xf32, #tpu.memory_space<hbm>> -> memref<100000x128xf32, #tpu.memory_space<hbm>>
    tpu.wait_indirect_dma semaphore(%arg15 : memref<!tpu.dma_semaphore, #tpu.memory_space<semaphore_mem>>) src(%dma_wait3A_456 : memref<100000x128xf32, #tpu.memory_space<hbm>>) dst(%dma_wait3A_450 : memref<64x128xf32, #tpu.memory_space<vmem>>)
    %add3A_457 = arith.constant 0 : i32
    %add3A_458 = arith.addi %mul3A_2, %add3A_457 : i32
    %dma_start3A_459 = arith.constant 8 : i32
    %dma_start3A_460 = arith.constant 49 : i32
    %dma_start3A_461 = arith.constant 0 : i32
    %dma_start3A_462 = arith.constant 0 : i32
    %dma_start3A_463 = tpu.memref_slice %arg6[%dma_start3A_459, %dma_start3A_461, %dma_start3A_462] : memref<10x64x128xf32, #tpu.memory_space<vmem>> -> memref<1x64x128xf32, #tpu.memory_space<vmem>>
    %dma_start3A_464 = tpu.memref_squeeze %dma_start3A_463 : memref<1x64x128xf32, #tpu.memory_space<vmem>> -> memref<64x128xf32, #tpu.memory_space<vmem>>
    %dma_start3A_465 = arith.constant 0 : i32
    %dma_start3A_466 = tpu.memref_slice %arg4[%dma_start3A_460, %add3A_458, %dma_start3A_465] : memref<50x4096x128xf32, #tpu.memory_space<hbm>> -> memref<1x64x128xf32, #tpu.memory_space<hbm>>
    %dma_start3A_467 = tpu.memref_squeeze %dma_start3A_466 : memref<1x64x128xf32, #tpu.memory_space<hbm>> -> memref<64x128xf32, #tpu.memory_space<hbm>>
    %dma_start3A_468 = arith.constant 0 : i32
    %dma_start3A_469 = tpu.memref_slice %arg4[%dma_start3A_460, %add3A_458, %dma_start3A_468] : memref<50x4096x128xf32, #tpu.memory_space<hbm>> -> memref<1x64x128xf32, #tpu.memory_space<hbm>>
    %dma_start3A_470 = tpu.memref_squeeze %dma_start3A_469 : memref<1x64x128xf32, #tpu.memory_space<hbm>> -> memref<64x128xf32, #tpu.memory_space<hbm>>
    %dma_start3A_471 = arith.constant 0 : i32
    %dma_start3A_472 = arith.constant 0 : i32
    %dma_start3A_473 = tpu.memref_slice %arg6[%dma_start3A_459, %dma_start3A_471, %dma_start3A_472] : memref<10x64x128xf32, #tpu.memory_space<vmem>> -> memref<1x64x128xf32, #tpu.memory_space<vmem>>
    %dma_start3A_474 = tpu.memref_squeeze %dma_start3A_473 : memref<1x64x128xf32, #tpu.memory_space<vmem>> -> memref<64x128xf32, #tpu.memory_space<vmem>>
    tpu.enqueue_dma source(%dma_start3A_474 : memref<64x128xf32, #tpu.memory_space<vmem>>) target(%dma_start3A_470 : memref<64x128xf32, #tpu.memory_space<hbm>>) target_semaphore(%arg25 : memref<!tpu.dma_semaphore, #tpu.memory_space<semaphore_mem>>)
    %dma_wait3A_475 = arith.constant 5 : i32
    %dma_wait3A_476 = arith.constant 0 : i32
    %dma_wait3A_477 = arith.constant 0 : i32
    %dma_wait3A_478 = arith.constant 0 : i32
    %dma_wait3A_479 = tpu.memref_slice %arg6[%dma_wait3A_475, %dma_wait3A_477, %dma_wait3A_478] : memref<10x64x128xf32, #tpu.memory_space<vmem>> -> memref<1x64x128xf32, #tpu.memory_space<vmem>>
    %dma_wait3A_480 = tpu.memref_squeeze %dma_wait3A_479 : memref<1x64x128xf32, #tpu.memory_space<vmem>> -> memref<64x128xf32, #tpu.memory_space<vmem>>
    %dma_wait3A_481 = arith.constant 0 : i32
    %dma_wait3A_482 = tpu.memref_slice %arg4[%dma_wait3A_476, %mul3A_2, %dma_wait3A_481] : memref<50x4096x128xf32, #tpu.memory_space<hbm>> -> memref<1x64x128xf32, #tpu.memory_space<hbm>>
    %dma_wait3A_483 = tpu.memref_squeeze %dma_wait3A_482 : memref<1x64x128xf32, #tpu.memory_space<hbm>> -> memref<64x128xf32, #tpu.memory_space<hbm>>
    %dma_wait3A_484 = arith.constant 0 : i32
    %dma_wait3A_485 = tpu.memref_slice %arg4[%dma_wait3A_476, %mul3A_2, %dma_wait3A_484] : memref<50x4096x128xf32, #tpu.memory_space<hbm>> -> memref<1x64x128xf32, #tpu.memory_space<hbm>>
    %dma_wait3A_486 = tpu.memref_squeeze %dma_wait3A_485 : memref<1x64x128xf32, #tpu.memory_space<hbm>> -> memref<64x128xf32, #tpu.memory_space<hbm>>
    %dma_wait3A_487 = arith.constant 0 : i32
    %dma_wait3A_488 = arith.constant 0 : i32
    %dma_wait3A_489 = tpu.memref_slice %arg6[%dma_wait3A_475, %dma_wait3A_487, %dma_wait3A_488] : memref<10x64x128xf32, #tpu.memory_space<vmem>> -> memref<1x64x128xf32, #tpu.memory_space<vmem>>
    %dma_wait3A_490 = tpu.memref_squeeze %dma_wait3A_489 : memref<1x64x128xf32, #tpu.memory_space<vmem>> -> memref<64x128xf32, #tpu.memory_space<vmem>>
    tpu.wait_dma2 semaphore(%arg22 : memref<!tpu.dma_semaphore, #tpu.memory_space<semaphore_mem>>) src(%dma_wait3A_490 : memref<64x128xf32, #tpu.memory_space<vmem>>) dst(%dma_wait3A_486 : memref<64x128xf32, #tpu.memory_space<hbm>>)
    %dma_wait3A_491 = arith.constant 0 : i32
    %dma_wait3A_492 = arith.constant 9 : i32
    %dma_wait3A_493 = arith.constant 0 : i32
    %dma_wait3A_494 = arith.constant 0 : i32
    %dma_wait3A_495 = tpu.memref_slice %arg6[%dma_wait3A_492, %dma_wait3A_493, %dma_wait3A_494] : memref<10x64x128xf32, #tpu.memory_space<vmem>> -> memref<1x64x128xf32, #tpu.memory_space<vmem>>
    %dma_wait3A_496 = tpu.memref_squeeze %dma_wait3A_495 : memref<1x64x128xf32, #tpu.memory_space<vmem>> -> memref<64x128xf32, #tpu.memory_space<vmem>>
    %dma_wait3A_497 = arith.constant 0 : i32
    %dma_wait3A_498 = tpu.memref_slice %arg5[%dma_wait3A_491, %dma_wait3A_497] : memref<50x128xi32, #tpu.memory_space<vmem>> -> memref<1x64xi32, #tpu.memory_space<vmem>>
    %dma_wait3A_499 = tpu.memref_squeeze %dma_wait3A_498 : memref<1x64xi32, #tpu.memory_space<vmem>> -> memref<64xi32, #tpu.memory_space<vmem>>
    %dma_wait3A_500 = arith.constant 0 : i32
    %dma_wait3A_501 = arith.constant 0 : i32
    %dma_wait3A_502 = tpu.memref_slice %arg3[%dma_wait3A_500, %dma_wait3A_501] : memref<100000x128xf32, #tpu.memory_space<hbm>> -> memref<100000x128xf32, #tpu.memory_space<hbm>>
    tpu.wait_indirect_dma semaphore(%arg16 : memref<!tpu.dma_semaphore, #tpu.memory_space<semaphore_mem>>) src(%dma_wait3A_502 : memref<100000x128xf32, #tpu.memory_space<hbm>>) dst(%dma_wait3A_496 : memref<64x128xf32, #tpu.memory_space<vmem>>)
    %add3A_503 = arith.constant 64 : i32
    %add3A_504 = arith.addi %mul3A_2, %add3A_503 : i32
    %dma_start3A_505 = arith.constant 9 : i32
    %dma_start3A_506 = arith.constant 49 : i32
    %dma_start3A_507 = arith.constant 0 : i32
    %dma_start3A_508 = arith.constant 0 : i32
    %dma_start3A_509 = tpu.memref_slice %arg6[%dma_start3A_505, %dma_start3A_507, %dma_start3A_508] : memref<10x64x128xf32, #tpu.memory_space<vmem>> -> memref<1x64x128xf32, #tpu.memory_space<vmem>>
    %dma_start3A_510 = tpu.memref_squeeze %dma_start3A_509 : memref<1x64x128xf32, #tpu.memory_space<vmem>> -> memref<64x128xf32, #tpu.memory_space<vmem>>
    %dma_start3A_511 = arith.constant 0 : i32
    %dma_start3A_512 = tpu.memref_slice %arg4[%dma_start3A_506, %add3A_504, %dma_start3A_511] : memref<50x4096x128xf32, #tpu.memory_space<hbm>> -> memref<1x64x128xf32, #tpu.memory_space<hbm>>
    %dma_start3A_513 = tpu.memref_squeeze %dma_start3A_512 : memref<1x64x128xf32, #tpu.memory_space<hbm>> -> memref<64x128xf32, #tpu.memory_space<hbm>>
    %dma_start3A_514 = arith.constant 0 : i32
    %dma_start3A_515 = tpu.memref_slice %arg4[%dma_start3A_506, %add3A_504, %dma_start3A_514] : memref<50x4096x128xf32, #tpu.memory_space<hbm>> -> memref<1x64x128xf32, #tpu.memory_space<hbm>>
    %dma_start3A_516 = tpu.memref_squeeze %dma_start3A_515 : memref<1x64x128xf32, #tpu.memory_space<hbm>> -> memref<64x128xf32, #tpu.memory_space<hbm>>
    %dma_start3A_517 = arith.constant 0 : i32
    %dma_start3A_518 = arith.constant 0 : i32
    %dma_start3A_519 = tpu.memref_slice %arg6[%dma_start3A_505, %dma_start3A_517, %dma_start3A_518] : memref<10x64x128xf32, #tpu.memory_space<vmem>> -> memref<1x64x128xf32, #tpu.memory_space<vmem>>
    %dma_start3A_520 = tpu.memref_squeeze %dma_start3A_519 : memref<1x64x128xf32, #tpu.memory_space<vmem>> -> memref<64x128xf32, #tpu.memory_space<vmem>>
    tpu.enqueue_dma source(%dma_start3A_520 : memref<64x128xf32, #tpu.memory_space<vmem>>) target(%dma_start3A_516 : memref<64x128xf32, #tpu.memory_space<hbm>>) target_semaphore(%arg26 : memref<!tpu.dma_semaphore, #tpu.memory_space<semaphore_mem>>)
    %dma_wait3A_521 = arith.constant 6 : i32
    %dma_wait3A_522 = arith.constant 0 : i32
    %dma_wait3A_523 = arith.constant 0 : i32
    %dma_wait3A_524 = arith.constant 0 : i32
    %dma_wait3A_525 = tpu.memref_slice %arg6[%dma_wait3A_521, %dma_wait3A_523, %dma_wait3A_524] : memref<10x64x128xf32, #tpu.memory_space<vmem>> -> memref<1x64x128xf32, #tpu.memory_space<vmem>>
    %dma_wait3A_526 = tpu.memref_squeeze %dma_wait3A_525 : memref<1x64x128xf32, #tpu.memory_space<vmem>> -> memref<64x128xf32, #tpu.memory_space<vmem>>
    %dma_wait3A_527 = arith.constant 0 : i32
    %dma_wait3A_528 = tpu.memref_slice %arg4[%dma_wait3A_522, %mul3A_2, %dma_wait3A_527] : memref<50x4096x128xf32, #tpu.memory_space<hbm>> -> memref<1x64x128xf32, #tpu.memory_space<hbm>>
    %dma_wait3A_529 = tpu.memref_squeeze %dma_wait3A_528 : memref<1x64x128xf32, #tpu.memory_space<hbm>> -> memref<64x128xf32, #tpu.memory_space<hbm>>
    %dma_wait3A_530 = arith.constant 0 : i32
    %dma_wait3A_531 = tpu.memref_slice %arg4[%dma_wait3A_522, %mul3A_2, %dma_wait3A_530] : memref<50x4096x128xf32, #tpu.memory_space<hbm>> -> memref<1x64x128xf32, #tpu.memory_space<hbm>>
    %dma_wait3A_532 = tpu.memref_squeeze %dma_wait3A_531 : memref<1x64x128xf32, #tpu.memory_space<hbm>> -> memref<64x128xf32, #tpu.memory_space<hbm>>
    %dma_wait3A_533 = arith.constant 0 : i32
    %dma_wait3A_534 = arith.constant 0 : i32
    %dma_wait3A_535 = tpu.memref_slice %arg6[%dma_wait3A_521, %dma_wait3A_533, %dma_wait3A_534] : memref<10x64x128xf32, #tpu.memory_space<vmem>> -> memref<1x64x128xf32, #tpu.memory_space<vmem>>
    %dma_wait3A_536 = tpu.memref_squeeze %dma_wait3A_535 : memref<1x64x128xf32, #tpu.memory_space<vmem>> -> memref<64x128xf32, #tpu.memory_space<vmem>>
    tpu.wait_dma2 semaphore(%arg23 : memref<!tpu.dma_semaphore, #tpu.memory_space<semaphore_mem>>) src(%dma_wait3A_536 : memref<64x128xf32, #tpu.memory_space<vmem>>) dst(%dma_wait3A_532 : memref<64x128xf32, #tpu.memory_space<hbm>>)
    %dma_wait3A_537 = arith.constant 7 : i32
    %dma_wait3A_538 = arith.constant 0 : i32
    %dma_wait3A_539 = arith.constant 0 : i32
    %dma_wait3A_540 = arith.constant 0 : i32
    %dma_wait3A_541 = tpu.memref_slice %arg6[%dma_wait3A_537, %dma_wait3A_539, %dma_wait3A_540] : memref<10x64x128xf32, #tpu.memory_space<vmem>> -> memref<1x64x128xf32, #tpu.memory_space<vmem>>
    %dma_wait3A_542 = tpu.memref_squeeze %dma_wait3A_541 : memref<1x64x128xf32, #tpu.memory_space<vmem>> -> memref<64x128xf32, #tpu.memory_space<vmem>>
    %dma_wait3A_543 = arith.constant 0 : i32
    %dma_wait3A_544 = tpu.memref_slice %arg4[%dma_wait3A_538, %mul3A_2, %dma_wait3A_543] : memref<50x4096x128xf32, #tpu.memory_space<hbm>> -> memref<1x64x128xf32, #tpu.memory_space<hbm>>
    %dma_wait3A_545 = tpu.memref_squeeze %dma_wait3A_544 : memref<1x64x128xf32, #tpu.memory_space<hbm>> -> memref<64x128xf32, #tpu.memory_space<hbm>>
    %dma_wait3A_546 = arith.constant 0 : i32
    %dma_wait3A_547 = tpu.memref_slice %arg4[%dma_wait3A_538, %mul3A_2, %dma_wait3A_546] : memref<50x4096x128xf32, #tpu.memory_space<hbm>> -> memref<1x64x128xf32, #tpu.memory_space<hbm>>
    %dma_wait3A_548 = tpu.memref_squeeze %dma_wait3A_547 : memref<1x64x128xf32, #tpu.memory_space<hbm>> -> memref<64x128xf32, #tpu.memory_space<hbm>>
    %dma_wait3A_549 = arith.constant 0 : i32
    %dma_wait3A_550 = arith.constant 0 : i32
    %dma_wait3A_551 = tpu.memref_slice %arg6[%dma_wait3A_537, %dma_wait3A_549, %dma_wait3A_550] : memref<10x64x128xf32, #tpu.memory_space<vmem>> -> memref<1x64x128xf32, #tpu.memory_space<vmem>>
    %dma_wait3A_552 = tpu.memref_squeeze %dma_wait3A_551 : memref<1x64x128xf32, #tpu.memory_space<vmem>> -> memref<64x128xf32, #tpu.memory_space<vmem>>
    tpu.wait_dma2 semaphore(%arg24 : memref<!tpu.dma_semaphore, #tpu.memory_space<semaphore_mem>>) src(%dma_wait3A_552 : memref<64x128xf32, #tpu.memory_space<vmem>>) dst(%dma_wait3A_548 : memref<64x128xf32, #tpu.memory_space<hbm>>)
    %dma_wait3A_553 = arith.constant 8 : i32
    %dma_wait3A_554 = arith.constant 0 : i32
    %dma_wait3A_555 = arith.constant 0 : i32
    %dma_wait3A_556 = arith.constant 0 : i32
    %dma_wait3A_557 = tpu.memref_slice %arg6[%dma_wait3A_553, %dma_wait3A_555, %dma_wait3A_556] : memref<10x64x128xf32, #tpu.memory_space<vmem>> -> memref<1x64x128xf32, #tpu.memory_space<vmem>>
    %dma_wait3A_558 = tpu.memref_squeeze %dma_wait3A_557 : memref<1x64x128xf32, #tpu.memory_space<vmem>> -> memref<64x128xf32, #tpu.memory_space<vmem>>
    %dma_wait3A_559 = arith.constant 0 : i32
    %dma_wait3A_560 = tpu.memref_slice %arg4[%dma_wait3A_554, %mul3A_2, %dma_wait3A_559] : memref<50x4096x128xf32, #tpu.memory_space<hbm>> -> memref<1x64x128xf32, #tpu.memory_space<hbm>>
    %dma_wait3A_561 = tpu.memref_squeeze %dma_wait3A_560 : memref<1x64x128xf32, #tpu.memory_space<hbm>> -> memref<64x128xf32, #tpu.memory_space<hbm>>
    %dma_wait3A_562 = arith.constant 0 : i32
    %dma_wait3A_563 = tpu.memref_slice %arg4[%dma_wait3A_554, %mul3A_2, %dma_wait3A_562] : memref<50x4096x128xf32, #tpu.memory_space<hbm>> -> memref<1x64x128xf32, #tpu.memory_space<hbm>>
    %dma_wait3A_564 = tpu.memref_squeeze %dma_wait3A_563 : memref<1x64x128xf32, #tpu.memory_space<hbm>> -> memref<64x128xf32, #tpu.memory_space<hbm>>
    %dma_wait3A_565 = arith.constant 0 : i32
    %dma_wait3A_566 = arith.constant 0 : i32
    %dma_wait3A_567 = tpu.memref_slice %arg6[%dma_wait3A_553, %dma_wait3A_565, %dma_wait3A_566] : memref<10x64x128xf32, #tpu.memory_space<vmem>> -> memref<1x64x128xf32, #tpu.memory_space<vmem>>
    %dma_wait3A_568 = tpu.memref_squeeze %dma_wait3A_567 : memref<1x64x128xf32, #tpu.memory_space<vmem>> -> memref<64x128xf32, #tpu.memory_space<vmem>>
    tpu.wait_dma2 semaphore(%arg25 : memref<!tpu.dma_semaphore, #tpu.memory_space<semaphore_mem>>) src(%dma_wait3A_568 : memref<64x128xf32, #tpu.memory_space<vmem>>) dst(%dma_wait3A_564 : memref<64x128xf32, #tpu.memory_space<hbm>>)
    %dma_wait3A_569 = arith.constant 9 : i32
    %dma_wait3A_570 = arith.constant 0 : i32
    %dma_wait3A_571 = arith.constant 0 : i32
    %dma_wait3A_572 = arith.constant 0 : i32
    %dma_wait3A_573 = tpu.memref_slice %arg6[%dma_wait3A_569, %dma_wait3A_571, %dma_wait3A_572] : memref<10x64x128xf32, #tpu.memory_space<vmem>> -> memref<1x64x128xf32, #tpu.memory_space<vmem>>
    %dma_wait3A_574 = tpu.memref_squeeze %dma_wait3A_573 : memref<1x64x128xf32, #tpu.memory_space<vmem>> -> memref<64x128xf32, #tpu.memory_space<vmem>>
    %dma_wait3A_575 = arith.constant 0 : i32
    %dma_wait3A_576 = tpu.memref_slice %arg4[%dma_wait3A_570, %mul3A_2, %dma_wait3A_575] : memref<50x4096x128xf32, #tpu.memory_space<hbm>> -> memref<1x64x128xf32, #tpu.memory_space<hbm>>
    %dma_wait3A_577 = tpu.memref_squeeze %dma_wait3A_576 : memref<1x64x128xf32, #tpu.memory_space<hbm>> -> memref<64x128xf32, #tpu.memory_space<hbm>>
    %dma_wait3A_578 = arith.constant 0 : i32
    %dma_wait3A_579 = tpu.memref_slice %arg4[%dma_wait3A_570, %mul3A_2, %dma_wait3A_578] : memref<50x4096x128xf32, #tpu.memory_space<hbm>> -> memref<1x64x128xf32, #tpu.memory_space<hbm>>
    %dma_wait3A_580 = tpu.memref_squeeze %dma_wait3A_579 : memref<1x64x128xf32, #tpu.memory_space<hbm>> -> memref<64x128xf32, #tpu.memory_space<hbm>>
    %dma_wait3A_581 = arith.constant 0 : i32
    %dma_wait3A_582 = arith.constant 0 : i32
    %dma_wait3A_583 = tpu.memref_slice %arg6[%dma_wait3A_569, %dma_wait3A_581, %dma_wait3A_582] : memref<10x64x128xf32, #tpu.memory_space<vmem>> -> memref<1x64x128xf32, #tpu.memory_space<vmem>>
    %dma_wait3A_584 = tpu.memref_squeeze %dma_wait3A_583 : memref<1x64x128xf32, #tpu.memory_space<vmem>> -> memref<64x128xf32, #tpu.memory_space<vmem>>
    tpu.wait_dma2 semaphore(%arg26 : memref<!tpu.dma_semaphore, #tpu.memory_space<semaphore_mem>>) src(%dma_wait3A_584 : memref<64x128xf32, #tpu.memory_space<vmem>>) dst(%dma_wait3A_580 : memref<64x128xf32, #tpu.memory_space<hbm>>)
    return
  }
}

</mosaic_0001>

<sc_bundles>
// kernel: kernel.3.cloned.1.call-start
scs
__scs_entry_jumppad:
0x0: {  	(pc) =	sbr.rel $0x88, $3  }
0x1: {  	(tag) =	ssettag $0x0;
	lr =	simm.s32 $0x1  }
0x2: {  	[smem:$0x3F9F] =	sst lr;
	_ =	strace $0xD0000000  }
0x3: {  	_ = 	snop  }
0x4: {  	_ = 	snop  }
0x5: {  	_ = 	snop  }
0x6: {  	_ = 	snop  }
0x7: {  	_ = 	snop  }
__scs_overlays_trampoline_lowered:
0x8: {  	[smem:$0x3FAE] =	sst s0  }
0x9: {  	[smem:$0x3FAF] =	sst s1  }
0xa: {  	[smem:$0x3FB0] =	sst s2  }
0xb: {  	[smem:$0x3FB1] =	sst s3  }
0xc: {  	[smem:$0x3FB2] =	sst s4  }
0xd: {  	[smem:$0x3FB3] =	sst s5  }
0xe: {  	[smem:$0x3FB4] =	sst s6  }
0xf: {  	[smem:$0x3FB5] =	sst s7  }
0x10: {  	[smem:$0x3FB6] =	sst s8  }
0x11: {  	[smem:$0x3FB7] =	sst s9;
	s0 =	simm.s32 @!p0 $0x0  }
0x12: {  	s1 =	sld [smem:$0x3F9D];
	s0 =	simm.s32 @p0 $0x1  }
0x13: {  	[smem:$0x3FB8] =	sst s0;
	s0 =	simm.s32 @!p1 $0x0  }
0x14: {  	s2 =	sld [smem:$0x3F9C];
	s0 =	simm.s32 @p1 $0x1  }
0x15: {  	[smem:$0x3FB9] =	sst s0;
	s0 =	simm.s32 @!p2 $0x0  }
0x16: {  	s3 =	sld [smem:$0x3FDB];
	s0 =	simm.s32 @p2 $0x1  }
0x17: {  	s4 =	simm.s32 $0x1BF5;
	[smem:$0x3FBB] =	sst s0  }
0x18: {  	s0 =	sld [smem:$0x3F9E];
	_ =	swait.ge [sflag:s4], $0x0  }
0x19: {  	s7 =	sld [smem:$0x3F9F]  }
0x1a: {  	s8 =	sadd.s32 $0xFFFFE003, lr  }
0x1b: {  	s9 =	sadd.s32 $0xFFFFFEF7, lr;
	s5 =	simm.s32 $0xFFFFFFFF;
	p2 =	slt.u32 s8, $0xFFFFF086  }
0x1c: {  	p1 =	slt.u32 s9, $0xF7A;
	s5 =	simm.s32 @!p2 $0x0  }
0x1d: {  	s5 =	simm.s32 @p1 $0x1;
	p0 =	seq.s32 s7, s2  }
0x1e: {  	s7 =	smul.u32 @!p0 $0xF7A, s2;
	p2 =	seq.s32 @!p0 s5, $0x0  }
0x1f: {  	s9 =	smul.u32 $0xF7A, s1;
	s8 =	simm.s32 @!p0 $0x1BF5;
	p2 =	por !p2, p0  }
0x20: {  	[sflag:s8] =	ssyncset.s32 @!p0 $0xFFFFF086;
	s6 =	sadd.s32 @!p0 s3, s7;
	s7 =	simm.s32 @!p0 $0x108  }
0x21: {  	s3 =	sadd.s32 s3, s9;
	s6 =	sadd.s32 @!p0 $0x88, s6;
	s7 =	simm.s32 @p2 $0x1082  }
0x22: {  	[simem:s7], [sflag:s8] =	dma.local @!p0 [hbm:s6], $0xF7A  }
0x23: {  	s9 =	sor.u32 $0xD0000000, s2;
	s6 =	simm.s32 $0x108;
	_ =	swait.ge @!p0 [sflag:s8], $0x0  }
0x24: {  	s3 =	sadd.s32 $0x88, s3;
	s6 =	simm.s32 @!p1 $0x1082;
	[sflag:s4] =	ssyncset.s32 $0xFFFFF086  }
0x25: {  	[simem:s6], [sflag:s4] =	dma.local [hbm:s3], $0xF7A  }
0x26: {  	[smem:$0x3F9F] =	sst s1;
	(tag) =	ssettag s2;
	_ =	strace s9  }
0x27: {  	s1 =	sld [smem:$0x3FAF]  }
0x28: {  	s2 =	sld [smem:$0x3FB0]  }
0x29: {  	s4 =	sld [smem:$0x3FB2]  }
0x2a: {  	p0 =	seq.s32 s5, $0x0;
	s5 =	sld [smem:$0x3FB3]  }
0x2b: {  	s6 =	sld [smem:$0x3FB4]  }
0x2c: {  	s7 =	sld [smem:$0x3FB5]  }
0x2d: {  	s3 =	simm.s32 $0x108;
	s8 =	sld [smem:$0x3FB6]  }
0x2e: {  	s3 =	simm.s32 @!p0 $0x1082;
	s9 =	sld [smem:$0x3FB7]  }
0x2f: {  	lr =	sadd.s32 s0, s3;
	s0 =	sld [smem:$0x3FAE]  }
0x30: {  	s3 =	sld [smem:$0x3FB1]  }
0x31: {  	[smem:$0x3FBA] =	sst s10  }
0x32: {  	s10 =	sld [smem:$0x3FB8];
	_ =	sdelay $0x3  }
0x33: {  	p0 =	seq.s32 s10, $0x1;
	s10 =	sld [smem:$0x3FBA];
	_ =	sdelay $0x3  }
0x34: {  	[smem:$0x3FBA] =	sst s10  }
0x35: {  	s10 =	sld [smem:$0x3FB9];
	_ =	sdelay $0x3  }
0x36: {  	p1 =	seq.s32 s10, $0x1;
	s10 =	sld [smem:$0x3FBA];
	_ =	sdelay $0x3  }
0x37: {  	[smem:$0x3FBA] =	sst s10  }
0x38: {  	s10 =	sld [smem:$0x3FBB]  }
0x39: {  	_ = 	snop;
	(pc) =	sbr.ind lr, $3  }
0x3a: {  	_ = 	snop  }
0x3b: {  	_ = 	snop  }
0x3c: {  	p2 =	seq.s32 s10, $0x1;
	s10 =	sld [smem:$0x3FBA]  }
0x3d: {  	_ =	shalt  }
0x3e: {  	_ =	shalt  }
0x3f: {  	_ =	shalt  }
0x40: {  	_ =	shalt  }
0x41: {  	_ =	shalt  }
0x42: {  	_ =	shalt  }
0x43: {  	_ =	shalt  }
0x44: {  	_ =	shalt  }
0x45: {  	_ =	shalt  }
0x46: {  	_ =	shalt  }
0x47: {  	_ =	shalt  }
0x48: {  	_ =	shalt  }
0x49: {  	_ =	shalt  }
0x4a: {  	_ =	shalt  }
0x4b: {  	_ =	shalt  }
0x4c: {  	_ =	shalt  }
0x4d: {  	_ =	shalt  }
0x4e: {  	_ =	shalt  }
0x4f: {  	_ =	shalt  }
0x50: {  	_ =	shalt  }
0x51: {  	_ =	shalt  }
0x52: {  	_ =	shalt  }
0x53: {  	_ =	shalt  }
0x54: {  	_ =	shalt  }
0x55: {  	_ =	shalt  }
0x56: {  	_ =	shalt  }
0x57: {  	_ =	shalt  }
0x58: {  	_ =	shalt  }
0x59: {  	_ =	shalt  }
0x5a: {  	_ =	shalt  }
0x5b: {  	_ =	shalt  }
0x5c: {  	_ =	shalt  }
0x5d: {  	_ =	shalt  }
0x5e: {  	_ =	shalt  }
0x5f: {  	_ =	shalt  }
0x60: {  	_ =	shalt  }
0x61: {  	_ =	shalt  }
0x62: {  	_ =	shalt  }
0x63: {  	_ =	shalt  }
0x64: {  	_ =	shalt  }
0x65: {  	_ =	shalt  }
0x66: {  	_ =	shalt  }
0x67: {  	_ =	shalt  }
0x68: {  	_ =	shalt  }
0x69: {  	_ =	shalt  }
0x6a: {  	_ =	shalt  }
0x6b: {  	_ =	shalt  }
0x6c: {  	_ =	shalt  }
0x6d: {  	_ =	shalt  }
0x6e: {  	_ =	shalt  }
0x6f: {  	_ =	shalt  }
0x70: {  	_ =	shalt  }
0x71: {  	_ =	shalt  }
0x72: {  	_ =	shalt  }
0x73: {  	_ =	shalt  }
0x74: {  	_ =	shalt  }
0x75: {  	_ =	shalt  }
0x76: {  	_ =	shalt  }
0x77: {  	_ =	shalt  }
0x78: {  	_ =	shalt  }
0x79: {  	_ =	shalt  }
0x7a: {  	_ =	shalt  }
0x7b: {  	_ =	shalt  }
0x7c: {  	_ =	shalt  }
0x7d: {  	_ =	shalt  }
0x7e: {  	_ =	shalt  }
0x7f: {  	_ =	shalt  }
0x80: {  	_ =	shalt  }
0x81: {  	_ =	shalt  }
0x82: {  	_ =	shalt  }
0x83: {  	_ =	shalt  }
0x84: {  	_ =	shalt  }
0x85: {  	_ =	shalt  }
0x86: {  	_ =	shalt  }
0x87: {  	_ =	shalt  }
.Lfunc_end0:
.L_simem_size_0:
called_computation_lowered:
.L_overlay_start_0:
0x88: {  	s2 =	sld [smem:$0x3FD9]  }
0x89: {  	s3 =	sld [smem:$0x3FFE];
	_ =	sdelay $0x1  }
0x8a: {  	s1 =	srdreg.scid  }
0x8b: {  	s0 =	sand.u32 $0x1, s1  }
0x8c: {  	s18 =	sshll.u32 s0, $0xA;
	s2 =	sadd.s32 s3, s2  }
0x8d: {  	s2 =	sadd.s32 s2, s18  }
0x8e: {  	[smem:$0x3FC6] =	sst s2  }
0x8f: {  	_ = 	snop  }
0x90: {  	s2 =	sld [smem:$0x3FC9]  }
0x91: {  	s19 =	sld [smem:$0x3FC8]  }
0x92: {  	s4 =	sld [smem:$0x3FD0];
	(tm) =	ssettm $0x1  }
0x93: {  	s5 =	sld [smem:$0x3FFB];
	_ =	sdelay $0x3  }
0x94: {  	_ =	strace s5  }
0x95: {  	s5 =	sld [smem:$0x3FFC];
	_ =	sdelay $0x3  }
0x96: {  	_ =	strace s5  }
0x97: {  	s5 =	sld [smem:$0x3FFD];
	_ =	sdelay $0x3  }
0x98: {  	_ =	strace s5  }
0x99: {  	_ =	strace $0x8FFFFFFF  }
0x9a: {  	s20 =	sld [smem:$0x3FDB];
	_ =	sdelay $0x1  }
0x9b: {  	s6 =	simm.s32 $_scs_section_size  }
0x9c: {  	s7 =	simm.s32 $_size__tile_overlayer_lowered;
	s8 =	simm.s32 $_tile_overlayer_lowered  }
0x9d: {  	s23 =	simm.s32 $0x1BFF;
	s22 =	sshll.u32 s8, $0x1;
	s5 =	sadd.s32 s6, s20  }
0x9e: {  	s9 =	simm.s32 $0x0;
	s21 =	sshll.u32 s7, $0x1;
	s7 =	sadd.s32 s22, s5  }
0x9f: {  	[timem:s9], [sflag:s23] =	dma.local [hbm:s7], s21  }
0xa0: {  	_ =	swait.ge [sflag:s23], s21  }
0xa1: {  	s6 =	ssub.s32 $0x0, s21;
	[sflag:s23] =	ssyncset.done $0x0  }
0xa2: {  	[sflag:s23] =	ssyncadd.s32 s6;
	_ =	sdelay $0x1  }
0xa3: {  	s24 =	simm.s32 $0x1B8B  }
0xa4: {  	_ =	swait.ge [sflag:s24], $0x1  }
0xa5: {  	[sflag:s24] =	ssyncset.done $0x0  }
0xa6: {  	s25 =	simm.s32 $0x1B8E;
	[sflag:s24] =	ssyncadd.s32 $0xFFFFFFFF  }
0xa7: {  	s26 =	simm.s32 $execute0_lowered;
	[smem:$0x3FD2] =	sst s25  }
0xa8: {  	s6 =	sshll.u32 s26, $0x1;
	_ =	strace $0x80000046;
	[dreg:$0x1] =	wrdreg $0xFFFFFFFF  }
0xa9: {  	s28 =	simm.s32 $_size_execute0_lowered;
	s5 =	sadd.s32 s5, s6;
	[dreg:$0x0] =	wrdreg $0x0  }
0xaa: {  	s6 =	sshll.u32 s28, $0x1;
	[dreg:$0x2] =	wrdreg s5  }
0xab: {  	[dreg:$0x3] =	wrdreg s6  }
0xac: {  	[dreg:$0x4] =	wrdreg $0xC0  }
0xad: {  	_ =	task [dreg:s9], $0x5FFFF  }
0xae: {  	[dreg:$0x1] =	wrdreg $0xFFFFFFFF  }
0xaf: {  	[dreg:$0x0] =	wrdreg $0x60  }
0xb0: {  	[dreg:$0x2] =	wrdreg s2  }
0xb1: {  	[dreg:$0x3] =	wrdreg s19  }
0xb2: {  	[dreg:$0x4] =	wrdreg s4  }
0xb3: {  	[dreg:$0x5] =	wrdreg $0x9  }
0xb4: {  	_ =	task.clear_ibuf [dreg:s9], $0x6FFFF;
	_ =	strace $0x90000046  }
0xb5: {  	s29 =	simm.s32 $0x9;
	_ =	strace $0x80000048  }
0xb6: {  	_ =	swait.ge [sflag:s29], $0x1  }
0xb7: {  	[sflag:s29] =	ssyncadd.s32 $0xFFFFFFFF  }
0xb8: {  	_ =	strace $0x90000048  }
0xb9: {  	_ =	sfence  }
0xba: {  	s30 =	sld [smem:$0x0];
	_ =	sdelay $0x2  }
0xbb: {  	s31 =	sshll.u32 s1, $0xD;
	s1 =	sshrl.u32 s1, $0x2  }
0xbc: {  	s3 =	sand.u32 $0x4000, s31;
	s1 =	sadd.s32 s1, s30  }
0xbd: {  	s0 =	sor.u32 s3, s0;
	s1 =	sshll.u32 s1, $0x11  }
0xbe: {  	s0 =	sor.u32 s1, s0  }
0xbf: {  	s0 =	sadd.s32 $0x8F2B, s0  }
0xc0: {  	[sflag:s0] =	ssyncadd.remote.s32 $0x1  }
0xc1: {  	_ =	sfence.sel $0xFFFF  }
0xc2: {  	[dreg:$0x0] =	wrdreg $0xFFFFFFFF;
	(pc) =	sbr.abs _section_cstart, $3  }
0xc3: {  	[dreg:$0x1] =	wrdreg $0xFFFFFFFF  }
0xc4: {  	_ =	task.clear_ibuf [dreg:s9], $0x2FFFF;
	_ =	strace $0x9FFFFFFF  }
0xc5: {  	(tm) =	ssettm $0x7FFFFFFF  }
tec
execute0_lowered:
.L_overlay_start_1:
0x0: {  	(tag) =	ssettag $0x1  }
0x1: {  	s0 =	rddreg [dreg:$0x0]  }
0x2: {  	s1 =	rddreg [dreg:$0x1]  }
0x3: {  	s2 =	rddreg [dreg:$0x2]  }
0x4: {  	s4 =	srdreg.scid;
	s3 =	simm.s32 $0x0;
	s8 =	stileid.u32  }
0x5: {  	s4 =	sand.u32 $0x1, s4;
	[smem:$0x7FF] =	sst s3;
	s5 =	sshll.u32 s8, $0x8  }
0x6: {  	s12 =	sshll.u32 s8, $0xC;
	s6 =	sshll.u32 s4, $0x7;
	s7 =	ssub.s32 $0x2, s4  }
0x7: {  	s10 =	sshll.u32 s4, $0xE;
	s13 =	sadd.s32 s12, s2;
	s4 =	sshll.u32 s4, $0xB  }
0x8: {  	_ =	strace $0x80000047;
	s5 =	sor.u32 s6, s5;
	s4 =	sadd.s32 s4, s13  }
0x9: {  	s19 =	sshrl.u32 s7, $0x1;
	s9 =	sadd.s32 s0, s5;
	[dreg:$0x4] =	wrdreg s4  }
0xa: {  	s20 =	sshll.u32 s5, $0x4;
	[dreg:$0xc] =	wrdreg s9;
	s21 =	sadd.s32 $0x6000, s9  }
0xb: {  	s5 =	ssub.s32 s7, s19;
	s22 =	sadd.s32 s2, s20;
	[dreg:$0xd] =	wrdreg s21  }
0xc: {  	s5 =	smax.u32 s5, $0x1;
	[dreg:$0xe] =	wrdreg s22  }
0xd: {  	s0 =	sadd.s32 $0x400, s22;
	[dreg:$0x18] =	wrdreg s5  }
0xe: {  	s23 =	sadd.s32 $0x10000, s22;
	[dreg:$0xf] =	wrdreg s0  }
0xf: {  	s30 =	simm.s32 $0x5C00;
	s24 =	sadd.s32 $0x2E0400, s22;
	[dreg:$0x10] =	wrdreg s23  }
0x10: {  	s31 =	simm.s32 $0x5C00;
	s25 =	sadd.s32 $0x2F0000, s22;
	[dreg:$0x11] =	wrdreg s24  }
0x11: {  	s12 =	simm.s32 $0xE;
	s26 =	sadd.s32 $0x2F0400, s22;
	[dreg:$0x12] =	wrdreg s25  }
0x12: {  	s6 =	sshll.u32 s8, $0xF;
	s28 =	sadd.s32 $0x300000, s22;
	[dreg:$0x13] =	wrdreg s26  }
0x13: {  	s8 =	simm.s32 $0x3;
	s29 =	sadd.s32 $0x300400, s22;
	[dreg:$0x14] =	wrdreg s28  }
0x14: {  	s13 =	simm.s32 $0x8;
	s11 =	sadd.s32 $0x310000, s22;
	[dreg:$0x15] =	wrdreg s29  }
0x15: {  	s15 =	sadd.s32 $0x310400, s22;
	s5 =	simm.s32 $0x2;
	[dreg:$0x16] =	wrdreg s11  }
0x16: {  	s0 =	sor.u32 s10, s6;
	[dreg:$0x17] =	wrdreg s15;
	s10 =	simm.s32 $0xD  }
0x17: {  	s11 =	simm.s32 $0x7;
	s15 =	simm.s32 $0x10;
	s14 =	sor.u32 $0x82000, s0  }
0x18: {  	s18 =	sor.u32 $0x202000, s0;
	s20 =	sor.u32 $0x200000, s0;
	s21 =	sor.u32 $0x182000, s0  }
0x19: {  	s25 =	sor.u32 $0x180000, s0;
	s28 =	sor.u32 $0x102000, s0;
	s0 =	sor.u32 $0x100000, s0  }
0x1a: {  	s16 =	sshrl.u32 s14, $0x3;
	s19 =	sshrl.u32 s18, $0x3;
	s6 =	sshrl.u32 s20, $0x3  }
0x1b: {  	s23 =	sshrl.u32 s21, $0x3;
	s26 =	sshrl.u32 s25, $0x3;
	s0 =	sshrl.u32 s0, $0x3  }
0x1c: {  	s21 =	simm.s32 $0x40;
	s14 =	simm.s32 $0xF;
	s20 =	simm.s32 $0x12  }
0x1d: {  	s17 =	sadd.s32 s16, s2;
	s4 =	sadd.s32 s19, s2;
	s22 =	sadd.s32 s6, s2  }
0x1e: {  	s24 =	sadd.s32 s23, s2;
	s6 =	sshrl.u32 s28, $0x3;
	[dreg:$0x5] =	wrdreg s17  }
0x1f: {  	s0 =	sadd.s32 s0, s2;
	s19 =	simm.s32 $0x1;
	[dreg:$0x6] =	wrdreg s4  }
0x20: {  	s16 =	simm.s32 $0xA;
	s23 =	simm.s32 $0x14;
	[dreg:$0x7] =	wrdreg s22  }
0x21: {  	[dreg:$0x8] =	wrdreg s24;
	s4 =	sadd.s32 s26, s2;
	s29 =	sadd.s32 s6, s2  }
0x22: {  	[dreg:$0xb] =	wrdreg s0;
	s17 =	simm.s32 $0x1C00;
	s24 =	simm.s32 $0x3C00  }
0x23: {  	s6 =	simm.s32 $0x11;
	s22 =	simm.s32 $0x13;
	[dreg:$0x9] =	wrdreg s4  }
0x24: {  	s2 =	simm.s32 $0x0;
	[dreg:$0xa] =	wrdreg s29;
	s4 =	simm.s32 $0x9  }
.LBB2_1:
0x25: {  	[dreg:$0x19] =	wrdreg s2  }
0x26: {  	s0 =	rddreg [dreg:$0xc];
	s25 =	simm.s32 $0x400;
	s28 =	simm.s32 $0x8000  }
0x27: {  	[tilespmem:s3], [sflag:$0x15] =	stream.strided.gather [hbm4b:s0+s25], $0x1800, s28, s25, $0x38;
	[tilespmem:$0x15C00] =	vst v63  }
0x28: {  	s9 =	rddreg [dreg:$0xd];
	s18 =	simm.s32 $0x1800;
	s26 =	simm.s32 $0x15  }
0x29: {  	[tilespmem:s18], [sflag:$0x15] =	stream.linear.gather [hbm4b:s9+s3], $0x100, $0x38;
	[tilespmem:$0x15C00] =	vst v63  }
0x2a: {  	_ =	swait.ge [sflag:s26], $0x1900  }
0x2b: {  	[sflag:s26] =	ssyncset.done $0x0  }
0x2c: {  	[sflag:s26] =	ssyncadd.s32 $0xFFFFE700  }
0x2d: {  	[tilespmem:s17], [sflag:$0x1] =	stream.indirect.gather [hbm4b:s1+s21], $0x80, s3, s21, $0xb8;
	[tilespmem:$0x15C00] =	vst v63  }
0x2e: {  	_ = 	snop  }
0x2f: {  	[tilespmem:s24], [sflag:$0x2] =	stream.indirect.gather [hbm4b:s1+s21], $0x80, s21, s21, $0xb8;
	[tilespmem:$0x15C00] =	vst v63  }
0x30: {  	s29 =	simm.s32 $0x80  }
0x31: {  	[tilespmem:s30], [sflag:$0x3] =	stream.indirect.gather [hbm4b:s1+s21], $0x80, s29, s21, $0xb8;
	[tilespmem:$0x15C00] =	vst v63  }
0x32: {  	s2 =	simm.s32 $0xC0;
	s18 =	simm.s32 $0x7C00  }
0x33: {  	[tilespmem:s18], [sflag:$0x4] =	stream.indirect.gather [hbm4b:s1+s21], $0x80, s2, s21, $0xb8;
	[tilespmem:$0x15C00] =	vst v63  }
0x34: {  	s7 =	simm.s32 $0x100;
	s26 =	simm.s32 $0x9C00  }
0x35: {  	[tilespmem:s26], [sflag:$0x5] =	stream.indirect.gather [hbm4b:s1+s21], $0x80, s7, s21, $0xb8;
	[tilespmem:$0x15C00] =	vst v63  }
0x36: {  	s28 =	simm.s32 $0xBC00;
	s9 =	simm.s32 $0x140  }
0x37: {  	[tilespmem:s28], [sflag:$0x6] =	stream.indirect.gather [hbm4b:s1+s21], $0x80, s9, s21, $0xb8;
	[tilespmem:$0x15C00] =	vst v63  }
0x38: {  	s25 =	simm.s32 $0x180;
	s2 =	simm.s32 $0xDC00  }
0x39: {  	[tilespmem:s2], [sflag:$0x7] =	stream.indirect.gather [hbm4b:s1+s21], $0x80, s25, s21, $0xb8;
	[tilespmem:$0x15C00] =	vst v63  }
0x3a: {  	_ =	swait.ge [sflag:s19], $0x2000  }
0x3b: {  	[sflag:s19] =	ssyncset.done $0x0  }
0x3c: {  	s29 =	rddreg [dreg:$0xe];
	[sflag:s19] =	ssyncadd.s32 $0xFFFFE000  }
0x3d: {  	[hbm4b:s29+s3] =	stream.linear.scatter [tilespmem:s17], [sflag:$0xB], $0x2000, $0x38;
	[tilespmem:$0x15C00] =	vst v63  }
0x3e: {  	s7 =	simm.s32 $0x1C0;
	s29 =	simm.s32 $0xFC00  }
0x3f: {  	[tilespmem:s29], [sflag:$0x8] =	stream.indirect.gather [hbm4b:s1+s21], $0x80, s7, s21, $0xb8;
	[tilespmem:$0x15C00] =	vst v63  }
0x40: {  	_ =	swait.ge [sflag:s5], $0x2000  }
0x41: {  	[sflag:s5] =	ssyncset.done $0x0  }
0x42: {  	s9 =	rddreg [dreg:$0xf];
	[sflag:s5] =	ssyncadd.s32 $0xFFFFE000  }
0x43: {  	[hbm4b:s9+s3] =	stream.linear.scatter [tilespmem:s24], [sflag:$0xC], $0x2000, $0x38;
	[tilespmem:$0x15C00] =	vst v63  }
0x44: {  	s25 =	simm.s32 $0x200;
	s7 =	simm.s32 $0x11C00  }
0x45: {  	[tilespmem:s7], [sflag:$0x9] =	stream.indirect.gather [hbm4b:s1+s21], $0x80, s25, s21, $0xb8;
	[tilespmem:$0x15C00] =	vst v63  }
0x46: {  	_ =	swait.ge [sflag:s8], $0x2000  }
0x47: {  	[sflag:s8] =	ssyncset.done $0x0  }
0x48: {  	s9 =	rddreg [dreg:$0x10];
	[sflag:s8] =	ssyncadd.s32 $0xFFFFE000  }
0x49: {  	[hbm4b:s9+s3] =	stream.linear.scatter [tilespmem:s30], [sflag:$0xD], $0x2000, $0x38;
	[tilespmem:$0x15C00] =	vst v63  }
0x4a: {  	s0 =	simm.s32 $0x4;
	s25 =	simm.s32 $0x240;
	s9 =	simm.s32 $0x13C00  }
0x4b: {  	[tilespmem:s9], [sflag:$0xA] =	stream.indirect.gather [hbm4b:s1+s21], $0x80, s25, s21, $0xb8;
	[tilespmem:$0x15C00] =	vst v63  }
0x4c: {  	_ =	swait.ge [sflag:s0], $0x2000  }
0x4d: {  	s25 =	rddreg [dreg:$0x5];
	[sflag:s0] =	ssyncset.done $0x0  }
0x4e: {  	[sflag:s0] =	ssyncadd.s32 $0xFFFFE000;
	s25 =	sadd.s32 $0x0, s25;
	s0 =	simm.s32 $0xB  }
0x4f: {  	[hbm4b:s25+s3] =	stream.linear.scatter [tilespmem:s18], [sflag:$0xE], $0x2000, $0x38;
	[tilespmem:$0x15C00] =	vst v63  }
0x50: {  	_ =	swait.ge [sflag:s0], $0x2000  }
0x51: {  	[sflag:s0] =	ssyncset.done $0x0  }
0x52: {  	s25 =	simm.s32 $0x280;
	[sflag:s0] =	ssyncadd.s32 $0xFFFFE000;
	s0 =	simm.s32 $0x5  }
0x53: {  	[tilespmem:s17], [sflag:$0x1] =	stream.indirect.gather [hbm4b:s1+s21], $0x80, s25, s21, $0xb8;
	[tilespmem:$0x15C00] =	vst v63  }
0x54: {  	_ =	swait.ge [sflag:s0], $0x2000  }
0x55: {  	s25 =	rddreg [dreg:$0xb];
	[sflag:s0] =	ssyncset.done $0x0  }
0x56: {  	[sflag:s0] =	ssyncadd.s32 $0xFFFFE000;
	s25 =	sadd.s32 $0x0, s25  }
0x57: {  	[hbm4b:s25+s3] =	stream.linear.scatter [tilespmem:s26], [sflag:$0xF], $0x2000, $0x38;
	[tilespmem:$0x15C00] =	vst v63  }
0x58: {  	s25 =	simm.s32 $0xC  }
0x59: {  	_ =	swait.ge [sflag:s25], $0x2000  }
0x5a: {  	[sflag:s25] =	ssyncset.done $0x0  }
0x5b: {  	s0 =	simm.s32 $0x2C0;
	[sflag:s25] =	ssyncadd.s32 $0xFFFFE000  }
0x5c: {  	[tilespmem:s24], [sflag:$0x2] =	stream.indirect.gather [hbm4b:s1+s21], $0x80, s0, s21, $0xb8;
	[tilespmem:$0x15C00] =	vst v63  }
0x5d: {  	s0 =	simm.s32 $0x6  }
0x5e: {  	_ =	swait.ge [sflag:s0], $0x2000  }
0x5f: {  	s25 =	rddreg [dreg:$0xa];
	[sflag:s0] =	ssyncset.done $0x0  }
0x60: {  	[sflag:s0] =	ssyncadd.s32 $0xFFFFE000;
	s25 =	sadd.s32 $0x0, s25  }
0x61: {  	[hbm4b:s25+s3] =	stream.linear.scatter [tilespmem:s28], [sflag:$0x10], $0x2000, $0x38;
	[tilespmem:$0x15C00] =	vst v63  }
0x62: {  	_ =	swait.ge [sflag:s10], $0x2000  }
0x63: {  	[sflag:s10] =	ssyncset.done $0x0  }
0x64: {  	s0 =	simm.s32 $0x300;
	[sflag:s10] =	ssyncadd.s32 $0xFFFFE000  }
0x65: {  	[tilespmem:s30], [sflag:$0x3] =	stream.indirect.gather [hbm4b:s1+s21], $0x80, s0, s21, $0xb8;
	[tilespmem:$0x15C00] =	vst v63  }
0x66: {  	_ =	swait.ge [sflag:s11], $0x2000  }
0x67: {  	s0 =	rddreg [dreg:$0x9];
	[sflag:s11] =	ssyncset.done $0x0  }
0x68: {  	[sflag:s11] =	ssyncadd.s32 $0xFFFFE000;
	s25 =	sadd.s32 $0x0, s0  }
0x69: {  	[hbm4b:s25+s3] =	stream.linear.scatter [tilespmem:s2], [sflag:$0x11], $0x2000, $0x38;
	[tilespmem:$0x15C00] =	vst v63  }
0x6a: {  	_ =	swait.ge [sflag:s12], $0x2000  }
0x6b: {  	[sflag:s12] =	ssyncset.done $0x0  }
0x6c: {  	s0 =	simm.s32 $0x340;
	[sflag:s12] =	ssyncadd.s32 $0xFFFFE000  }
0x6d: {  	[tilespmem:s18], [sflag:$0x4] =	stream.indirect.gather [hbm4b:s1+s21], $0x80, s0, s21, $0xb8;
	[tilespmem:$0x15C00] =	vst v63  }
0x6e: {  	_ =	swait.ge [sflag:s13], $0x2000  }
0x6f: {  	s18 =	rddreg [dreg:$0x8];
	[sflag:s13] =	ssyncset.done $0x0  }
0x70: {  	[sflag:s13] =	ssyncadd.s32 $0xFFFFE000;
	s25 =	sadd.s32 $0x0, s18  }
0x71: {  	[hbm4b:s25+s3] =	stream.linear.scatter [tilespmem:s29], [sflag:$0x12], $0x2000, $0x38;
	[tilespmem:$0x15C00] =	vst v63  }
0x72: {  	_ =	swait.ge [sflag:s14], $0x2000  }
0x73: {  	[sflag:s14] =	ssyncset.done $0x0  }
0x74: {  	s0 =	simm.s32 $0x380;
	[sflag:s14] =	ssyncadd.s32 $0xFFFFE000  }
0x75: {  	[tilespmem:s26], [sflag:$0x5] =	stream.indirect.gather [hbm4b:s1+s21], $0x80, s0, s21, $0xb8;
	[tilespmem:$0x15C00] =	vst v63  }
0x76: {  	_ =	swait.ge [sflag:s4], $0x2000  }
0x77: {  	s18 =	rddreg [dreg:$0x7];
	[sflag:s4] =	ssyncset.done $0x0  }
0x78: {  	[sflag:s4] =	ssyncadd.s32 $0xFFFFE000;
	s25 =	sadd.s32 $0x0, s18  }
0x79: {  	[hbm4b:s25+s3] =	stream.linear.scatter [tilespmem:s7], [sflag:$0x13], $0x2000, $0x38;
	[tilespmem:$0x15C00] =	vst v63  }
0x7a: {  	_ =	swait.ge [sflag:s15], $0x2000  }
0x7b: {  	[sflag:s15] =	ssyncset.done $0x0  }
0x7c: {  	s26 =	simm.s32 $0x3C0;
	[sflag:s15] =	ssyncadd.s32 $0xFFFFE000  }
0x7d: {  	[tilespmem:s28], [sflag:$0x6] =	stream.indirect.gather [hbm4b:s1+s21], $0x80, s26, s21, $0xb8;
	[tilespmem:$0x15C00] =	vst v63  }
0x7e: {  	_ =	swait.ge [sflag:s16], $0x2000  }
0x7f: {  	s0 =	rddreg [dreg:$0x6];
	[sflag:s16] =	ssyncset.done $0x0  }
0x80: {  	[sflag:s16] =	ssyncadd.s32 $0xFFFFE000;
	s25 =	sadd.s32 $0x0, s0  }
0x81: {  	[hbm4b:s25+s3] =	stream.linear.scatter [tilespmem:s9], [sflag:$0x14], $0x2000, $0x38;
	[tilespmem:$0x15C00] =	vst v63  }
0x82: {  	_ =	swait.ge [sflag:s6], $0x2000  }
0x83: {  	[sflag:s6] =	ssyncset.done $0x0  }
0x84: {  	s18 =	simm.s32 $0x400;
	[sflag:s6] =	ssyncadd.s32 $0xFFFFE000  }
0x85: {  	[tilespmem:s2], [sflag:$0x7] =	stream.indirect.gather [hbm4b:s1+s21], $0x80, s18, s21, $0xb8;
	[tilespmem:$0x15C00] =	vst v63  }
0x86: {  	_ =	swait.ge [sflag:s19], $0x2000  }
0x87: {  	s26 =	rddreg [dreg:$0x4]  }
0x88: {  	[sflag:s19] =	ssyncset.done $0x0;
	s25 =	sadd.s32 $0x0, s26  }
0x89: {  	[sflag:s19] =	ssyncadd.s32 $0xFFFFE000;
	s28 =	sadd.s32 $0x50000, s25  }
0x8a: {  	[hbm4b:s28+s3] =	stream.linear.scatter [tilespmem:s17], [sflag:$0xB], $0x2000, $0x38;
	[tilespmem:$0x15C00] =	vst v63  }
0x8b: {  	_ =	swait.ge [sflag:s20], $0x2000  }
0x8c: {  	[sflag:s20] =	ssyncset.done $0x0  }
0x8d: {  	s28 =	simm.s32 $0x440;
	[sflag:s20] =	ssyncadd.s32 $0xFFFFE000  }
0x8e: {  	[tilespmem:s29], [sflag:$0x8] =	stream.indirect.gather [hbm4b:s1+s21], $0x80, s28, s21, $0xb8;
	[tilespmem:$0x15C00] =	vst v63  }
0x8f: {  	_ =	swait.ge [sflag:s5], $0x2000  }
0x90: {  	[sflag:s5] =	ssyncset.done $0x0  }
0x91: {  	s28 =	sadd.s32 $0x50400, s25;
	[sflag:s5] =	ssyncadd.s32 $0xFFFFE000  }
0x92: {  	[hbm4b:s28+s3] =	stream.linear.scatter [tilespmem:s24], [sflag:$0xC], $0x2000, $0x38;
	[tilespmem:$0x15C00] =	vst v63  }
0x93: {  	_ =	swait.ge [sflag:s22], $0x2000  }
0x94: {  	[sflag:s22] =	ssyncset.done $0x0  }
0x95: {  	s28 =	simm.s32 $0x480;
	[sflag:s22] =	ssyncadd.s32 $0xFFFFE000  }
0x96: {  	[tilespmem:s7], [sflag:$0x9] =	stream.indirect.gather [hbm4b:s1+s21], $0x80, s28, s21, $0xb8;
	[tilespmem:$0x15C00] =	vst v63  }
0x97: {  	_ =	swait.ge [sflag:s8], $0x2000  }
0x98: {  	[sflag:s8] =	ssyncset.done $0x0  }
0x99: {  	s25 =	sadd.s32 $0x60000, s25;
	[sflag:s8] =	ssyncadd.s32 $0xFFFFE000  }
0x9a: {  	[hbm4b:s25+s3] =	stream.linear.scatter [tilespmem:s30], [sflag:$0xD], $0x2000, $0x38;
	[tilespmem:$0x15C00] =	vst v63  }
0x9b: {  	s17 =	simm.s32 $0x1C00;
	_ =	swait.ge [sflag:s23], $0x2000  }
0x9c: {  	s24 =	simm.s32 $0x3C00;
	s28 =	simm.s32 $0x500;
	[sflag:s23] =	ssyncset.done $0x0  }
0x9d: {  	s25 =	simm.s32 $0x50000;
	s30 =	simm.s32 $0x4C0;
	[sflag:s23] =	ssyncadd.s32 $0xFFFFE000  }
.LBB2_2:
0x9e: {  	s7 =	simm.s32 $0x13C00;
	s2 =	simm.s32 $0x4  }
0x9f: {  	[tilespmem:s7], [sflag:$0xA] =	stream.indirect.gather [hbm4b:s1+s21], $0x80, s30, s21, $0xb8;
	[tilespmem:$0x15C00] =	vst v63  }
0xa0: {  	s18 =	simm.s32 $0x7C00;
	_ =	swait.ge [sflag:s2], $0x2000  }
0xa1: {  	s30 =	smov.u32 s25;
	s0 =	rddreg [dreg:$0x5];
	[sflag:s2] =	ssyncset.done $0x0  }
0xa2: {  	s5 =	simm.s32 $0xB;
	[sflag:s2] =	ssyncadd.s32 $0xFFFFE000;
	s0 =	sadd.s32 s30, s0  }
0xa3: {  	[hbm4b:s0+s3] =	stream.linear.scatter [tilespmem:s18], [sflag:$0xE], $0x2000, $0x38;
	[tilespmem:$0x15C00] =	vst v63  }
0xa4: {  	_ =	swait.ge [sflag:s5], $0x2000  }
0xa5: {  	[sflag:s5] =	ssyncset.done $0x0  }
0xa6: {  	s8 =	simm.s32 $0x5;
	[sflag:s5] =	ssyncadd.s32 $0xFFFFE000  }
0xa7: {  	[tilespmem:s17], [sflag:$0x1] =	stream.indirect.gather [hbm4b:s1+s21], $0x80, s28, s21, $0xb8;
	[tilespmem:$0x15C00] =	vst v63  }
0xa8: {  	_ =	swait.ge [sflag:s8], $0x2000  }
0xa9: {  	s26 =	simm.s32 $0x9C00;
	s9 =	rddreg [dreg:$0xb];
	[sflag:s8] =	ssyncset.done $0x0  }
0xaa: {  	s19 =	simm.s32 $0xC;
	[sflag:s8] =	ssyncadd.s32 $0xFFFFE000;
	s0 =	sadd.s32 s30, s9  }
0xab: {  	[hbm4b:s0+s3] =	stream.linear.scatter [tilespmem:s26], [sflag:$0xF], $0x2000, $0x38;
	[tilespmem:$0x15C00] =	vst v63  }
0xac: {  	_ =	swait.ge [sflag:s19], $0x2000  }
0xad: {  	[sflag:s19] =	ssyncset.done $0x0  }
0xae: {  	s2 =	sadd.s32 $0x40, s28;
	s5 =	simm.s32 $0x6;
	[sflag:s19] =	ssyncadd.s32 $0xFFFFE000  }
0xaf: {  	[tilespmem:s24], [sflag:$0x2] =	stream.indirect.gather [hbm4b:s1+s21], $0x80, s2, s21, $0xb8;
	[tilespmem:$0x15C00] =	vst v63  }
0xb0: {  	_ =	swait.ge [sflag:s5], $0x2000  }
0xb1: {  	s8 =	rddreg [dreg:$0xa];
	[sflag:s5] =	ssyncset.done $0x0  }
0xb2: {  	s2 =	simm.s32 $0xBC00;
	[sflag:s5] =	ssyncadd.s32 $0xFFFFE000;
	s0 =	sadd.s32 s30, s8  }
0xb3: {  	[hbm4b:s0+s3] =	stream.linear.scatter [tilespmem:s2], [sflag:$0x10], $0x2000, $0x38;
	[tilespmem:$0x15C00] =	vst v63  }
0xb4: {  	_ =	swait.ge [sflag:s10], $0x2000  }
0xb5: {  	[sflag:s10] =	ssyncset.done $0x0  }
0xb6: {  	s9 =	sadd.s32 $0x80, s28;
	[sflag:s10] =	ssyncadd.s32 $0xFFFFE000  }
0xb7: {  	[tilespmem:s31], [sflag:$0x3] =	stream.indirect.gather [hbm4b:s1+s21], $0x80, s9, s21, $0xb8;
	[tilespmem:$0x15C00] =	vst v63  }
0xb8: {  	_ =	swait.ge [sflag:s11], $0x2000  }
0xb9: {  	s19 =	rddreg [dreg:$0x9];
	[sflag:s11] =	ssyncset.done $0x0  }
0xba: {  	[sflag:s11] =	ssyncadd.s32 $0xFFFFE000;
	s0 =	sadd.s32 s30, s19;
	s19 =	simm.s32 $0xDC00  }
0xbb: {  	[hbm4b:s0+s3] =	stream.linear.scatter [tilespmem:s19], [sflag:$0x11], $0x2000, $0x38;
	[tilespmem:$0x15C00] =	vst v63  }
0xbc: {  	_ =	swait.ge [sflag:s12], $0x2000  }
0xbd: {  	[sflag:s12] =	ssyncset.done $0x0  }
0xbe: {  	s5 =	sadd.s32 $0xC0, s28;
	[sflag:s12] =	ssyncadd.s32 $0xFFFFE000  }
0xbf: {  	[tilespmem:s18], [sflag:$0x4] =	stream.indirect.gather [hbm4b:s1+s21], $0x80, s5, s21, $0xb8;
	[tilespmem:$0x15C00] =	vst v63  }
0xc0: {  	_ =	swait.ge [sflag:s13], $0x2000  }
0xc1: {  	s8 =	rddreg [dreg:$0x8];
	[sflag:s13] =	ssyncset.done $0x0  }
0xc2: {  	s5 =	simm.s32 $0xFC00;
	[sflag:s13] =	ssyncadd.s32 $0xFFFFE000;
	s0 =	sadd.s32 s30, s8  }
0xc3: {  	[hbm4b:s0+s3] =	stream.linear.scatter [tilespmem:s5], [sflag:$0x12], $0x2000, $0x38;
	[tilespmem:$0x15C00] =	vst v63  }
0xc4: {  	_ =	swait.ge [sflag:s14], $0x2000  }
0xc5: {  	[sflag:s14] =	ssyncset.done $0x0  }
0xc6: {  	s9 =	sadd.s32 $0x100, s28;
	[sflag:s14] =	ssyncadd.s32 $0xFFFFE000  }
0xc7: {  	[tilespmem:s26], [sflag:$0x5] =	stream.indirect.gather [hbm4b:s1+s21], $0x80, s9, s21, $0xb8;
	[tilespmem:$0x15C00] =	vst v63  }
0xc8: {  	_ =	swait.ge [sflag:s4], $0x2000  }
0xc9: {  	s8 =	rddreg [dreg:$0x7];
	[sflag:s4] =	ssyncset.done $0x0  }
0xca: {  	[sflag:s4] =	ssyncadd.s32 $0xFFFFE000;
	s0 =	sadd.s32 s30, s8;
	s8 =	simm.s32 $0x11C00  }
0xcb: {  	[hbm4b:s0+s3] =	stream.linear.scatter [tilespmem:s8], [sflag:$0x13], $0x2000, $0x38;
	[tilespmem:$0x15C00] =	vst v63  }
0xcc: {  	_ =	swait.ge [sflag:s15], $0x2000  }
0xcd: {  	[sflag:s15] =	ssyncset.done $0x0  }
0xce: {  	s9 =	sadd.s32 $0x140, s28;
	[sflag:s15] =	ssyncadd.s32 $0xFFFFE000  }
0xcf: {  	[tilespmem:s2], [sflag:$0x6] =	stream.indirect.gather [hbm4b:s1+s21], $0x80, s9, s21, $0xb8;
	[tilespmem:$0x15C00] =	vst v63  }
0xd0: {  	_ =	swait.ge [sflag:s16], $0x2000  }
0xd1: {  	s2 =	rddreg [dreg:$0x6];
	[sflag:s16] =	ssyncset.done $0x0  }
0xd2: {  	[sflag:s16] =	ssyncadd.s32 $0xFFFFE000;
	s0 =	sadd.s32 s30, s2  }
0xd3: {  	[hbm4b:s0+s3] =	stream.linear.scatter [tilespmem:s7], [sflag:$0x14], $0x2000, $0x38;
	[tilespmem:$0x15C00] =	vst v63  }
0xd4: {  	_ =	swait.ge [sflag:s6], $0x2000  }
0xd5: {  	[sflag:s6] =	ssyncset.done $0x0  }
0xd6: {  	s7 =	sadd.s32 $0x180, s28;
	[sflag:s6] =	ssyncadd.s32 $0xFFFFE000  }
0xd7: {  	[tilespmem:s19], [sflag:$0x7] =	stream.indirect.gather [hbm4b:s1+s21], $0x80, s7, s21, $0xb8;
	[tilespmem:$0x15C00] =	vst v63  }
0xd8: {  	s19 =	simm.s32 $0x1  }
0xd9: {  	_ =	swait.ge [sflag:s19], $0x2000  }
0xda: {  	s9 =	rddreg [dreg:$0x4]  }
0xdb: {  	[sflag:s19] =	ssyncset.done $0x0;
	s0 =	sadd.s32 s30, s9  }
0xdc: {  	[sflag:s19] =	ssyncadd.s32 $0xFFFFE000;
	s30 =	sadd.s32 $0x50000, s0  }
0xdd: {  	[hbm4b:s30+s3] =	stream.linear.scatter [tilespmem:s17], [sflag:$0xB], $0x2000, $0x38;
	[tilespmem:$0x15C00] =	vst v63  }
0xde: {  	_ =	swait.ge [sflag:s20], $0x2000  }
0xdf: {  	[sflag:s20] =	ssyncset.done $0x0  }
0xe0: {  	s30 =	sadd.s32 $0x1C0, s28;
	[sflag:s20] =	ssyncadd.s32 $0xFFFFE000  }
0xe1: {  	[tilespmem:s5], [sflag:$0x8] =	stream.indirect.gather [hbm4b:s1+s21], $0x80, s30, s21, $0xb8;
	[tilespmem:$0x15C00] =	vst v63  }
0xe2: {  	s5 =	simm.s32 $0x2  }
0xe3: {  	_ =	swait.ge [sflag:s5], $0x2000  }
0xe4: {  	[sflag:s5] =	ssyncset.done $0x0  }
0xe5: {  	s30 =	sadd.s32 $0x50400, s0;
	[sflag:s5] =	ssyncadd.s32 $0xFFFFE000  }
0xe6: {  	[hbm4b:s30+s3] =	stream.linear.scatter [tilespmem:s24], [sflag:$0xC], $0x2000, $0x38;
	[tilespmem:$0x15C00] =	vst v63  }
0xe7: {  	_ =	swait.ge [sflag:s22], $0x2000  }
0xe8: {  	[sflag:s22] =	ssyncset.done $0x0  }
0xe9: {  	s30 =	sadd.s32 $0x200, s28;
	[sflag:s22] =	ssyncadd.s32 $0xFFFFE000  }
0xea: {  	[tilespmem:s8], [sflag:$0x9] =	stream.indirect.gather [hbm4b:s1+s21], $0x80, s30, s21, $0xb8;
	[tilespmem:$0x15C00] =	vst v63  }
0xeb: {  	s8 =	simm.s32 $0x3  }
0xec: {  	p0 =	sne.s32 s25, $0x280000;
	s29 =	simm.s32 $0x7C00;
	_ =	swait.ge [sflag:s8], $0x2000  }
0xed: {  	s25 =	sadd.s32 $0x50000, s25;
	s18 =	simm.s32 $0x9C00;
	[sflag:s8] =	ssyncset.done $0x0  }
.Ltmp0:
0xee: {  	s0 =	sadd.s32 $0x60000, s0;
	[sflag:s8] =	ssyncadd.s32 $0xFFFFE000;
	(pc) =	sbr.rel @p0 .LBB2_2-.Ltmp0, $4  }
0xef: {  	[hbm4b:s0+s3] =	stream.linear.scatter [tilespmem:s31], [sflag:$0xD], $0x2000, $0x38;
	[tilespmem:$0x15C00] =	vst v63  }
0xf0: {  	s26 =	simm.s32 $0xBC00;
	s2 =	simm.s32 $0xDC00;
	_ =	swait.ge [sflag:s23], $0x2000  }
0xf1: {  	s7 =	simm.s32 $0xFC00;
	s9 =	simm.s32 $0x11C00;
	[sflag:s23] =	ssyncset.done $0x0  }
0xf2: {  	s30 =	sadd.s32 $0x240, s28;
	s28 =	sadd.s32 $0x280, s28;
	[sflag:s23] =	ssyncadd.s32 $0xFFFFE000  }
0xf3: {  	s17 =	simm.s32 $0x13C00;
	s0 =	simm.s32 $0x4  }
0xf4: {  	[tilespmem:s17], [sflag:$0xA] =	stream.indirect.gather [hbm4b:s1+s21], $0x80, s30, s21, $0xb8;
	[tilespmem:$0x15C00] =	vst v63  }
0xf5: {  	_ =	swait.ge [sflag:s0], $0x2000  }
0xf6: {  	[sflag:s0] =	ssyncset.done $0x0  }
0xf7: {  	s28 =	simm.s32 $0xB;
	s25 =	rddreg [dreg:$0x11];
	[sflag:s0] =	ssyncadd.s32 $0xFFFFE000  }
0xf8: {  	[hbm4b:s25+s3] =	stream.linear.scatter [tilespmem:s29], [sflag:$0xE], $0x2000, $0x38;
	[tilespmem:$0x15C00] =	vst v63  }
0xf9: {  	_ =	swait.ge [sflag:s28], $0x2000  }
0xfa: {  	[sflag:s28] =	ssyncset.done $0x0  }
0xfb: {  	s29 =	simm.s32 $0x5;
	[sflag:s28] =	ssyncadd.s32 $0xFFFFE000  }
0xfc: {  	_ =	swait.ge [sflag:s29], $0x2000  }
0xfd: {  	[sflag:s29] =	ssyncset.done $0x0  }
0xfe: {  	s25 =	simm.s32 $0xC;
	s24 =	rddreg [dreg:$0x12];
	[sflag:s29] =	ssyncadd.s32 $0xFFFFE000  }
0xff: {  	[hbm4b:s24+s3] =	stream.linear.scatter [tilespmem:s18], [sflag:$0xF], $0x2000, $0x38;
	[tilespmem:$0x15C00] =	vst v63  }
0x100: {  	_ =	swait.ge [sflag:s25], $0x2000  }
0x101: {  	[sflag:s25] =	ssyncset.done $0x0  }
0x102: {  	s28 =	simm.s32 $0x6;
	[sflag:s25] =	ssyncadd.s32 $0xFFFFE000  }
0x103: {  	_ =	swait.ge [sflag:s28], $0x2000  }
0x104: {  	[sflag:s28] =	ssyncset.done $0x0  }
0x105: {  	s29 =	rddreg [dreg:$0x13];
	[sflag:s28] =	ssyncadd.s32 $0xFFFFE000  }
0x106: {  	[hbm4b:s29+s3] =	stream.linear.scatter [tilespmem:s26], [sflag:$0x10], $0x2000, $0x38;
	[tilespmem:$0x15C00] =	vst v63  }
0x107: {  	_ =	swait.ge [sflag:s10], $0x2000  }
0x108: {  	[sflag:s10] =	ssyncset.done $0x0  }
0x109: {  	[sflag:s10] =	ssyncadd.s32 $0xFFFFE000  }
0x10a: {  	_ =	swait.ge [sflag:s11], $0x2000  }
0x10b: {  	[sflag:s11] =	ssyncset.done $0x0  }
0x10c: {  	s18 =	rddreg [dreg:$0x14];
	[sflag:s11] =	ssyncadd.s32 $0xFFFFE000  }
0x10d: {  	[hbm4b:s18+s3] =	stream.linear.scatter [tilespmem:s2], [sflag:$0x11], $0x2000, $0x38;
	[tilespmem:$0x15C00] =	vst v63  }
0x10e: {  	_ =	swait.ge [sflag:s12], $0x2000  }
0x10f: {  	[sflag:s12] =	ssyncset.done $0x0  }
0x110: {  	[sflag:s12] =	ssyncadd.s32 $0xFFFFE000  }
0x111: {  	_ =	swait.ge [sflag:s13], $0x2000  }
0x112: {  	[sflag:s13] =	ssyncset.done $0x0  }
0x113: {  	s24 =	rddreg [dreg:$0x15];
	[sflag:s13] =	ssyncadd.s32 $0xFFFFE000  }
0x114: {  	[hbm4b:s24+s3] =	stream.linear.scatter [tilespmem:s7], [sflag:$0x12], $0x2000, $0x38;
	[tilespmem:$0x15C00] =	vst v63  }
0x115: {  	_ =	swait.ge [sflag:s14], $0x2000  }
0x116: {  	[sflag:s14] =	ssyncset.done $0x0  }
0x117: {  	[sflag:s14] =	ssyncadd.s32 $0xFFFFE000  }
0x118: {  	_ =	swait.ge [sflag:s4], $0x2000  }
0x119: {  	[sflag:s4] =	ssyncset.done $0x0  }
0x11a: {  	s25 =	rddreg [dreg:$0x16];
	[sflag:s4] =	ssyncadd.s32 $0xFFFFE000  }
0x11b: {  	[hbm4b:s25+s3] =	stream.linear.scatter [tilespmem:s9], [sflag:$0x13], $0x2000, $0x38;
	[tilespmem:$0x15C00] =	vst v63  }
0x11c: {  	_ =	swait.ge [sflag:s15], $0x2000  }
0x11d: {  	[sflag:s15] =	ssyncset.done $0x0  }
0x11e: {  	[sflag:s15] =	ssyncadd.s32 $0xFFFFE000  }
0x11f: {  	_ =	swait.ge [sflag:s16], $0x2000  }
0x120: {  	[sflag:s16] =	ssyncset.done $0x0  }
0x121: {  	s26 =	rddreg [dreg:$0x17];
	[sflag:s16] =	ssyncadd.s32 $0xFFFFE000  }
0x122: {  	[hbm4b:s26+s3] =	stream.linear.scatter [tilespmem:s17], [sflag:$0x14], $0x2000, $0x38;
	[tilespmem:$0x15C00] =	vst v63  }
0x123: {  	_ =	swait.ge [sflag:s6], $0x2000  }
0x124: {  	[sflag:s6] =	ssyncset.done $0x0  }
0x125: {  	[sflag:s6] =	ssyncadd.s32 $0xFFFFE000  }
0x126: {  	_ =	swait.ge [sflag:s20], $0x2000  }
0x127: {  	[sflag:s20] =	ssyncset.done $0x0  }
0x128: {  	[sflag:s20] =	ssyncadd.s32 $0xFFFFE000  }
0x129: {  	_ =	swait.ge [sflag:s22], $0x2000  }
0x12a: {  	[sflag:s22] =	ssyncset.done $0x0  }
0x12b: {  	[sflag:s22] =	ssyncadd.s32 $0xFFFFE000  }
0x12c: {  	_ =	swait.ge [sflag:s23], $0x2000  }
0x12d: {  	s28 =	rddreg [dreg:$0x19]  }
0x12e: {  	s29 =	rddreg [dreg:$0x18];
	s2 =	sadd.s32 $0x1, s28  }
0x12f: {  	p0 =	sne.s32 s2, s29  }
.Ltmp1:
0x130: {  	_ = 	snop;
	(pc) =	sbr.rel @p0 .LBB2_1-.Ltmp1, $3  }
0x131: {  	_ =	sdelay $0x1  }
0x132: {  	s30 =	simm.s32 $0x5C00;
	[sflag:s23] =	ssyncset.done $0x0  }
0x133: {  	s24 =	simm.s32 $0x3C00;
	s17 =	simm.s32 $0x1C00;
	[sflag:s23] =	ssyncadd.s32 $0xFFFFE000  }
0x134: {  	_ =	sfence.sel $0x180000  }
0x135: {  	[bflag:$0x0] =	sbarrier.arrive $0xFFFF  }
0x136: {  	_ =	strace $0x90000047  }
0x137: {  	s0 =	stileid.u32;
	[bflag:$0x2] =	sbarrier.arrive $0xFFFF  }
0x138: {  	p0 =	sne.s32 s0, $0x0;
	s0 =	rddreg [dreg:$0x3]  }
0x139: {  	s0 =	sadd.s32 @!p0 $0x100000, s0  }
0x13a: {  	[sflag:s0] =	ssyncadd.tile.s32 @!p0 $0x1;
	_ =	shalt  }
.Lfunc_end2:
_tile_overlayer_lowered:
.L_overlay_start_2:
0x13b: {  	(tag) =	ssettag $0x2  }
0x13c: {  	s0 =	rddreg [dreg:$0x0];
	s2 =	stileid.u32  }
0x13d: {  	s1 =	rddreg [dreg:$0x1];
	p0 =	sne.s32 s2, $0x0  }
0x13e: {  	s3 =	rddreg [dreg:$0x2];
	[bflag:$0x3] =	sbarrier.arrive $0xFFFF;
	s2 =	simm.s32 @!p0 $0x1C15  }
0x13f: {  	[timem:s3], [sflag:s2] =	dma.local @!p0 [hbm:s0], s1  }
0x140: {  	s0 =	simm.s32 @!p0 $0x15  }
0x141: {  	_ =	swait.ge @!p0 [sflag:s0], s1  }
0x142: {  	s1 =	ssub.s32 @!p0 $0x0, s1;
	[sflag:s0] =	ssyncset.done @!p0 $0x0  }
0x143: {  	[sflag:s0] =	ssyncadd.s32 @!p0 s1  }
0x144: {  	[bflag:$0x3] =	sbarrier.arrive $0xFFFF  }
0x145: {  	_ =	shalt  }

</sc_bundles>
